<compile_context>
chip_gen: v7x
topology: tpu7x:2x2x1
jax: 0.10.2.dev20260603
libtpu: 0.0.44.dev20260713+nightly
codegen_flags: <defaults>
</compile_context>

<pallas_src>
import functools

import jax
import jax.numpy as jnp
from jax import lax
from jax.experimental import pallas as pl
from jax.experimental.pallas import tpu as pltpu
from jax.experimental.pallas import tpu_sc as plsc

N = 10000
E = 320000
NP = 10240
NW = 32
CHUNK = 128
CH = 80
EW = CH * CHUNK
PE = NW * EW
TILES = 16
RPT = NP // TILES
NR = NP // 128
F = 128


def _make_sc_gather_scatter():
    mesh = plsc.VectorSubcoreMesh(core_axis_name="c", subcore_axis_name="s")

    NBUF = 2

    @functools.partial(
        pl.kernel,
        mesh=mesh,
        out_type=jax.ShapeDtypeStruct((2, NP, F), jnp.float32),
        scratch_types=[
            pltpu.VMEM((NBUF, CHUNK), jnp.int32),
            pltpu.VMEM((NBUF, CHUNK), jnp.int32),
            pltpu.VMEM((NBUF, CHUNK, F), jnp.float32),
            pltpu.VMEM_SHARED((NP, F), jnp.float32),
        ] + [pltpu.SemaphoreType.DMA] * (4 * NBUF),
    )
    def k(y_hbm, src_hbm, dst_hbm, out_hbm, srcb, dstb, rows, acc, *sems):
        ssem = sems[0:NBUF]
        dsem = sems[NBUF:2 * NBUF]
        gsem = sems[2 * NBUF:3 * NBUF]
        csem = sems[3 * NBUF:4 * NBUF]
        c = lax.axis_index("c")
        s = lax.axis_index("s")
        wid = s * 2 + c
        pltpu.sync_copy(y_hbm.at[pl.ds(s * RPT, RPT)], acc.at[pl.ds(s * RPT, RPT)])
        plsc.subcore_barrier()

        def body(g, carry):
            sc, dc, gc = [], [], []
            for b in range(NBUF):
                @pl.when(g > 0)
                def _drain(b=b):
                    pltpu.make_async_copy(y_hbm.at[pl.ds(0, CHUNK)],
                                          rows.at[b], csem[b]).wait()

                j = g * NBUF + b
                sc.append(pltpu.async_copy(
                    src_hbm.at[wid, pl.ds(j * CHUNK, CHUNK)], srcb.at[b], ssem[b]))
                dc.append(pltpu.async_copy(
                    dst_hbm.at[wid, pl.ds(j * CHUNK, CHUNK)], dstb.at[b], dsem[b]))
            for b in range(NBUF):
                sc[b].wait()
                gc.append(pltpu.async_copy(y_hbm.at[srcb.at[b]], rows.at[b],
                                           gsem[b]))
            for b in range(NBUF):
                gc[b].wait()
                dc[b].wait()
                pltpu.async_copy(rows.at[b], acc.at[dstb.at[b]], csem[b],
                                 add=True)
            return carry

        lax.fori_loop(0, CH // NBUF, body, 0)
        for b in range(NBUF):
            pltpu.make_async_copy(y_hbm.at[pl.ds(0, CHUNK)],
                                  rows.at[b], csem[b]).wait()
        plsc.subcore_barrier()
        pltpu.sync_copy(acc.at[pl.ds(s * RPT, RPT)],
                        out_hbm.at[c, pl.ds(s * RPT, RPT)])

    return k


def _make_sc_degree():
    mesh = plsc.VectorSubcoreMesh(core_axis_name="c", subcore_axis_name="s")

    @functools.partial(
        pl.kernel,
        mesh=mesh,
        out_type=jax.ShapeDtypeStruct((2, NP), jnp.float32),
        scratch_types=[
            pltpu.VMEM((CH, CHUNK), jnp.int32),
            pltpu.VMEM((RPT,), jnp.float32),
            pltpu.VMEM_SHARED((NP,), jnp.float32),
        ],
    )
    def k(dst_hbm, out_hbm, dstv, ones, acc):
        c = lax.axis_index("c")
        s = lax.axis_index("s")
        wid = s * 2 + c
        pltpu.sync_copy(dst_hbm.at[wid], dstv)

        def zero(t, carry):
            ones[pl.ds(t * 16, 16)] = jnp.zeros((16,), jnp.float32)
            return carry

        lax.fori_loop(0, RPT // 16, zero, 0)
        pltpu.sync_copy(ones, acc.at[pl.ds(s * RPT, RPT)])

        def fill(t, carry):
            ones[pl.ds(t * 16, 16)] = jnp.ones((16,), jnp.float32)
            return carry

        lax.fori_loop(0, RPT // 16, fill, 0)
        plsc.subcore_barrier()

        def body(j, carry):
            pltpu.sync_copy(ones.at[pl.ds(0, CHUNK)], acc.at[dstv.at[j]],
                            add=True)
            return carry

        lax.fori_loop(0, CH, body, 0)
        plsc.subcore_barrier()
        pltpu.sync_copy(acc.at[pl.ds(s * RPT, RPT)],
                        out_hbm.at[c, pl.ds(s * RPT, RPT)])

    return k


_sc_layer = _make_sc_gather_scatter()
_sc_degree = _make_sc_degree()


def _tc_prep(xp, W1, d0, d1):

    def body(x_ref, w_ref, d0_ref, d1_ref, y_ref, dinv_ref):
        deg = d0_ref[...] + d1_ref[...] + 1.0
        dinv = lax.rsqrt(deg)
        dinv_ref[...] = dinv
        xw = jnp.dot(x_ref[...], w_ref[...], preferred_element_type=jnp.float32)
        y_ref[...] = dinv * xw

    return pl.pallas_call(
        body,
        out_shape=(jax.ShapeDtypeStruct((NP, F), jnp.float32),
                   jax.ShapeDtypeStruct((NP, 1), jnp.float32)),
    )(xp, W1, d0, d1)


def _tc_layer(sacc, y, dinv, b, W):

    def body(s_ref, y_ref, dinv_ref, b_ref, w_ref, o_ref):
        agg = s_ref[0] + s_ref[1] - y_ref[...]
        h = jax.nn.relu(dinv_ref[...] * agg + b_ref[...])
        o_ref[...] = dinv_ref[...] * jnp.dot(
            h, w_ref[...], preferred_element_type=jnp.float32)

    return pl.pallas_call(
        body,
        out_shape=jax.ShapeDtypeStruct((NP, F), jnp.float32),
    )(sacc, y, dinv, b, W)


def _tc_final(sacc, y, dinv, b, Wm, Wfc, bfc):

    def body(s_ref, y_ref, dinv_ref, b_ref, wm_ref, wfc_ref, bfc_ref, o_ref):
        agg = s_ref[0] + s_ref[1] - y_ref[...]
        h = jax.nn.relu(dinv_ref[...] * agg + b_ref[...])
        rowid = lax.broadcasted_iota(jnp.int32, h.shape, 0)
        h = jnp.where(rowid < N, h, 0.0)
        colsum = jnp.sum(h, axis=0, keepdims=True)
        gc = jnp.dot(colsum / N, wm_ref[...],
                     preferred_element_type=jnp.float32)
        tg = jnp.tanh(gc)
        scores = jax.nn.sigmoid(jnp.sum(h * tg, axis=1, keepdims=True))
        rep = jnp.sum(h * scores, axis=0, keepdims=True)
        o_ref[...] = jax.nn.relu(
            lax.dot_general(rep, wfc_ref[...], (((1,), (1,)), ((), ())),
                            preferred_element_type=jnp.float32)
            + bfc_ref[...])

    return pl.pallas_call(
        body,
        out_shape=jax.ShapeDtypeStruct((1, Wfc.shape[0]), jnp.float32),
    )(sacc, y, dinv, b, Wm, Wfc, bfc)


def _pad2(a, r, c):
    return jnp.pad(a, ((0, r - a.shape[0]), (0, c - a.shape[1])))


def kernel(x, edge_index, W1, b1, W2, b2, W3, b3, Wm, Wfc, bfc):
    ei = edge_index.astype(jnp.int32)
    padv = N + jnp.arange(PE - E, dtype=jnp.int32) % (NP - N)
    pad = jnp.stack([padv, padv])
    eip = jnp.concatenate([ei, pad], axis=1)
    src = eip[0].reshape(NW, EW)
    dst = eip[1].reshape(NW, EW)
    dst3 = eip[1].reshape(NW, CH, CHUNK)

    sdeg = _sc_degree(dst3)
    d0 = sdeg[0].reshape(NP, 1)
    d1 = sdeg[1].reshape(NP, 1)

    xp = jnp.pad(x, ((0, NP - N), (0, 0)))
    W2p = _pad2(W2, F, F)
    W3p = _pad2(W3, F, F)
    Wmp = _pad2(Wm, F, F)
    Wfcp = jnp.pad(Wfc, ((0, 0), (0, F - Wfc.shape[1])))
    b1p = jnp.pad(b1, (0, F - b1.shape[0])).reshape(1, F)
    b2p = jnp.pad(b2, (0, F - b2.shape[0])).reshape(1, F)
    b3p = jnp.pad(b3, (0, F - b3.shape[0])).reshape(1, F)

    y1, dinv = _tc_prep(xp, W1, d0, d1)
    s1 = _sc_layer(y1, src, dst)
    y2 = _tc_layer(s1, y1, dinv, b1p, W2p)
    s2 = _sc_layer(y2, src, dst)
    y3 = _tc_layer(s2, y2, dinv, b2p, W3p)
    s3 = _sc_layer(y3, src, dst)
    return _tc_final(s3, y3, dinv, b3p, Wmp, Wfcp, bfc.reshape(1, -1))

# --- scband reference (transcript-rebuilt; emitter-appended) ---
"""Pipeline reference for scband-gcnmodel-89687507076274 (READ-ONLY COPY).

The authoritative reference and input builder live on the scoring server;
editing this copy changes nothing except your own understanding.
"""

import jax, jax.numpy as jnp
import numpy as np

N = 10000
E = 320000
D_IN = 128
F1 = 128
F2 = 64
F3 = 32
BN = 16


def glorot(k, shape):
    fan_in, fan_out = shape[0], shape[1]
    lim = np.sqrt(6.0 / (fan_in + fan_out))
    return jax.random.uniform(k, shape, jnp.float32, -lim, lim)


def setup_inputs(seed: int = 0) -> dict:
    key = jax.random.key(seed)
    ks = jax.random.split(key, 8)
    x = jax.random.normal(ks[0], (N, D_IN), dtype=jnp.float32)
    edge_index = jax.random.randint(ks[1], (2, E), 0, N, dtype=jnp.int64)
    W1 = glorot(ks[2], (D_IN, F1))
    b1 = jnp.zeros((F1,), jnp.float32)
    W2 = glorot(ks[3], (F1, F2))
    b2 = jnp.zeros((F2,), jnp.float32)
    W3 = glorot(ks[4], (F2, F3))
    b3 = jnp.zeros((F3,), jnp.float32)
    Wm = glorot(ks[5], (F3, F3))
    Wfc = glorot(ks[6], (BN, F3))  # torch Linear weight layout (out, in)
    bfc = jnp.zeros((BN,), jnp.float32)
    return {"x": x, "edge_index": edge_index, "W1": W1, "b1": b1, "W2": W2,
            "b2": b2, "W3": W3, "b3": b3, "Wm": Wm, "Wfc": Wfc, "bfc": bfc}


def gcn_conv(x, edge_index, W, b):
    # PyG GCNConv: add self loops, symmetric normalization, sum aggregation
    loop = jnp.arange(N, dtype=edge_index.dtype)
    src = jnp.concatenate([edge_index[0], loop])
    dst = jnp.concatenate([edge_index[1], loop])
    deg = jnp.zeros((N,), x.dtype).at[dst].add(1.0)
    dinv = 1.0 / jnp.sqrt(deg)  # deg >= 1 due to self loops
    norm = dinv[src] * dinv[dst]
    xw = x @ W
    msgs = jnp.take(xw, src, axis=0) * norm[:, None]
    out = jnp.zeros((N, W.shape[1]), x.dtype).at[dst].add(msgs)
    return out + b


def reference(x, edge_index, W1, b1, W2, b2, W3, b3, Wm, Wfc, bfc):
    # dropout is identity in eval mode
    h = jax.nn.relu(gcn_conv(x, edge_index, W1, b1))
    h = jax.nn.relu(gcn_conv(h, edge_index, W2, b2))
    h = jax.nn.relu(gcn_conv(h, edge_index, W3, b3))
    # AttentionModule
    global_context = jnp.mean(h @ Wm, axis=0)
    transformed_global = jnp.tanh(global_context)
    sigmoid_scores = jax.nn.sigmoid(h @ transformed_global.reshape(-1, 1))
    representation = h.T @ sigmoid_scores
    aggregated = jnp.mean(representation, axis=1).reshape(1, -1)
    out = jax.nn.relu(aggregated @ Wfc.T + bfc)
    return out

if __name__ == "__main__":
    import jax
    _d = setup_inputs()
    print(jax.jit(kernel)(*tuple(_d.values())))

</pallas_src>

<mosaic_0001>
#map = affine_map<(d0, d1) -> (0, 0)>
#map1 = affine_map<(d0, d1) -> (0, 0, 0)>
module attributes {stable_mosaic.version = 14 : i64} {
  func.func @k(%arg0: i32, %arg1: i32, %arg2: memref<10240x128xf32, #tpu.memory_space<hbm>>, %arg3: memref<32x10240xi32, #tpu.memory_space<hbm>>, %arg4: memref<32x10240xi32, #tpu.memory_space<hbm>>, %arg5: memref<2x10240x128xf32, #tpu.memory_space<hbm>>, %arg6: memref<2x128xi32, #tpu.memory_space<vmem>>, %arg7: memref<2x128xi32, #tpu.memory_space<vmem>>, %arg8: memref<2x128x128xf32, #tpu.memory_space<vmem>>, %arg9: memref<10240x128xf32, #tpu.memory_space<vmem_shared>>, %arg10: memref<!tpu.dma_semaphore, #tpu.memory_space<semaphore_mem>>, %arg11: memref<!tpu.dma_semaphore, #tpu.memory_space<semaphore_mem>>, %arg12: memref<!tpu.dma_semaphore, #tpu.memory_space<semaphore_mem>>, %arg13: memref<!tpu.dma_semaphore, #tpu.memory_space<semaphore_mem>>, %arg14: memref<!tpu.dma_semaphore, #tpu.memory_space<semaphore_mem>>, %arg15: memref<!tpu.dma_semaphore, #tpu.memory_space<semaphore_mem>>, %arg16: memref<!tpu.dma_semaphore, #tpu.memory_space<semaphore_mem>>, %arg17: memref<!tpu.dma_semaphore, #tpu.memory_space<semaphore_mem>>) attributes {dimension_semantics = [#tpu.dimension_semantics<core_parallel>, #tpu.dimension_semantics<subcore_parallel>], iteration_bounds = array<i64: 2, 16>, scalar_prefetch = 0 : i64, scratch_operands = 12 : i64, tpu.core_type = #tpu.core_type<sc_vector_subcore>, window_params = [{transform_indices = #map}, {transform_indices = #map}, {transform_indices = #map}, {transform_indices = #map1}]} {
    %mul3A = arith.constant 2 : i32
    %mul3A_0 = arith.muli %arg1, %mul3A : i32
    %add3A = arith.addi %mul3A_0, %arg0 : i32
    %mul3A_1 = arith.constant 640 : i32
    %mul3A_2 = arith.muli %arg1, %mul3A_1 : i32
    %mul3A_3 = arith.constant 640 : i32
    %mul3A_4 = arith.muli %arg1, %mul3A_3 : i32
    "tpu.region"() ({
      %run_scoped3A = tpu.sem_alloc : memref<!tpu.dma_semaphore, #tpu.memory_space<semaphore_mem>>
      %dma_start3A = arith.constant 0 : i32
      %dma_start3A_44 = tpu.memref_slice %arg9[%mul3A_4, %dma_start3A] : memref<10240x128xf32, #tpu.memory_space<vmem_shared>> -> memref<640x128xf32, #tpu.memory_space<vmem_shared>>
      %dma_start3A_45 = arith.constant 0 : i32
      %dma_start3A_46 = tpu.memref_slice %arg2[%mul3A_2, %dma_start3A_45] : memref<10240x128xf32, #tpu.memory_space<hbm>> -> memref<640x128xf32, #tpu.memory_space<hbm>>
      tpu.enqueue_dma source(%dma_start3A_46 : memref<640x128xf32, #tpu.memory_space<hbm>>) target(%dma_start3A_44 : memref<640x128xf32, #tpu.memory_space<vmem_shared>>) target_semaphore(%run_scoped3A : memref<!tpu.dma_semaphore, #tpu.memory_space<semaphore_mem>>)
      %dma_wait3A_47 = arith.constant 0 : i32
      %dma_wait3A_48 = tpu.memref_slice %arg9[%mul3A_4, %dma_wait3A_47] : memref<10240x128xf32, #tpu.memory_space<vmem_shared>> -> memref<640x128xf32, #tpu.memory_space<vmem_shared>>
      %dma_wait3A_49 = arith.constant 0 : i32
      %dma_wait3A_50 = tpu.memref_slice %arg2[%mul3A_2, %dma_wait3A_49] : memref<10240x128xf32, #tpu.memory_space<hbm>> -> memref<640x128xf32, #tpu.memory_space<hbm>>
      tpu.wait_dma2 semaphore(%run_scoped3A : memref<!tpu.dma_semaphore, #tpu.memory_space<semaphore_mem>>) src(%dma_wait3A_50 : memref<640x128xf32, #tpu.memory_space<hbm>>) dst(%dma_wait3A_48 : memref<640x128xf32, #tpu.memory_space<vmem_shared>>)
      tpu.yield
    }) : () -> ()
    %barrier3A = arith.constant 0 : index
    tpu.barrier barrier_id(%barrier3A)
    %scan3A = arith.constant 0 : i32
    %scan3A_5 = arith.constant 0 : i32
    %scan3A_6 = arith.constant 40 : i32
    %scan3A_7 = arith.addi %scan3A_5, %scan3A_6 : i32
    %scan3A_8 = arith.constant 1 : i32
    scf.for %scan3A_44 = %scan3A_5 to %scan3A_7 step %scan3A_8  : i32 {
      %gt3A = arith.constant 0 : i32
      %gt3A_45 = arith.cmpi sgt, %scan3A_44, %gt3A : i32
      %convert_element_type3A = arith.extui %gt3A_45 : i1 to i32
      %cond3A = arith.constant 0 : i32
      %cond3A_46 = arith.cmpi ne, %convert_element_type3A, %cond3A : i32
      scf.if %cond3A_46 {
        %dma_wait3A_227 = arith.constant 0 : i32
        %dma_wait3A_228 = arith.constant 0 : i32
        %dma_wait3A_229 = arith.constant 0 : i32
        %dma_wait3A_230 = tpu.memref_slice %arg8[%dma_wait3A_227, %dma_wait3A_228, %dma_wait3A_229] : memref<2x128x128xf32, #tpu.memory_space<vmem>> -> memref<1x128x128xf32, #tpu.memory_space<vmem>>
        %dma_wait3A_231 = tpu.memref_squeeze %dma_wait3A_230 : memref<1x128x128xf32, #tpu.memory_space<vmem>> -> memref<128x128xf32, #tpu.memory_space<vmem>>
        %dma_wait3A_232 = arith.constant 0 : i32
        %dma_wait3A_233 = arith.constant 0 : i32
        %dma_wait3A_234 = tpu.memref_slice %arg2[%dma_wait3A_232, %dma_wait3A_233] : memref<10240x128xf32, #tpu.memory_space<hbm>> -> memref<128x128xf32, #tpu.memory_space<hbm>>
        %dma_wait3A_235 = arith.constant 0 : i32
        %dma_wait3A_236 = arith.constant 0 : i32
        %dma_wait3A_237 = tpu.memref_slice %arg8[%dma_wait3A_227, %dma_wait3A_235, %dma_wait3A_236] : memref<2x128x128xf32, #tpu.memory_space<vmem>> -> memref<1x128x128xf32, #tpu.memory_space<vmem>>
        %dma_wait3A_238 = tpu.memref_squeeze %dma_wait3A_237 : memref<1x128x128xf32, #tpu.memory_space<vmem>> -> memref<128x128xf32, #tpu.memory_space<vmem>>
        %dma_wait3A_239 = arith.constant 0 : i32
        %dma_wait3A_240 = arith.constant 0 : i32
        %dma_wait3A_241 = tpu.memref_slice %arg2[%dma_wait3A_239, %dma_wait3A_240] : memref<10240x128xf32, #tpu.memory_space<hbm>> -> memref<128x128xf32, #tpu.memory_space<hbm>>
        tpu.wait_dma2 semaphore(%arg16 : memref<!tpu.dma_semaphore, #tpu.memory_space<semaphore_mem>>) src(%dma_wait3A_241 : memref<128x128xf32, #tpu.memory_space<hbm>>) dst(%dma_wait3A_238 : memref<128x128xf32, #tpu.memory_space<vmem>>)
      } else {
      }
      %mul3A_47 = arith.constant 2 : i32
      %mul3A_48 = arith.muli %scan3A_44, %mul3A_47 : i32
      %add3A_49 = arith.constant 0 : i32
      %add3A_50 = arith.addi %mul3A_48, %add3A_49 : i32
      %mul3A_51 = arith.constant 128 : i32
      %mul3A_52 = arith.muli %add3A_50, %mul3A_51 : i32
      %dma_start3A = arith.constant 0 : i32
      %dma_start3A_53 = arith.constant 0 : i32
      %dma_start3A_54 = tpu.memref_slice %arg6[%dma_start3A, %dma_start3A_53] : memref<2x128xi32, #tpu.memory_space<vmem>> -> memref<1x128xi32, #tpu.memory_space<vmem>>
      %dma_start3A_55 = tpu.memref_squeeze %dma_start3A_54 : memref<1x128xi32, #tpu.memory_space<vmem>> -> memref<128xi32, #tpu.memory_space<vmem>>
      %dma_start3A_56 = tpu.memref_slice %arg3[%add3A, %mul3A_52] : memref<32x10240xi32, #tpu.memory_space<hbm>> -> memref<1x128xi32, #tpu.memory_space<hbm>>
      %dma_start3A_57 = tpu.memref_squeeze %dma_start3A_56 : memref<1x128xi32, #tpu.memory_space<hbm>> -> memref<128xi32, #tpu.memory_space<hbm>>
      %dma_start3A_58 = arith.constant 0 : i32
      %dma_start3A_59 = tpu.memref_slice %arg6[%dma_start3A, %dma_start3A_58] : memref<2x128xi32, #tpu.memory_space<vmem>> -> memref<1x128xi32, #tpu.memory_space<vmem>>
      %dma_start3A_60 = tpu.memref_squeeze %dma_start3A_59 : memref<1x128xi32, #tpu.memory_space<vmem>> -> memref<128xi32, #tpu.memory_space<vmem>>
      %dma_start3A_61 = tpu.memref_slice %arg3[%add3A, %mul3A_52] : memref<32x10240xi32, #tpu.memory_space<hbm>> -> memref<1x128xi32, #tpu.memory_space<hbm>>
      %dma_start3A_62 = tpu.memref_squeeze %dma_start3A_61 : memref<1x128xi32, #tpu.memory_space<hbm>> -> memref<128xi32, #tpu.memory_space<hbm>>
      tpu.enqueue_dma source(%dma_start3A_62 : memref<128xi32, #tpu.memory_space<hbm>>) target(%dma_start3A_60 : memref<128xi32, #tpu.memory_space<vmem>>) target_semaphore(%arg10 : memref<!tpu.dma_semaphore, #tpu.memory_space<semaphore_mem>>)
      %mul3A_63 = arith.constant 128 : i32
      %mul3A_64 = arith.muli %add3A_50, %mul3A_63 : i32
      %dma_start3A_65 = arith.constant 0 : i32
      %dma_start3A_66 = arith.constant 0 : i32
      %dma_start3A_67 = tpu.memref_slice %arg7[%dma_start3A_65, %dma_start3A_66] : memref<2x128xi32, #tpu.memory_space<vmem>> -> memref<1x128xi32, #tpu.memory_space<vmem>>
      %dma_start3A_68 = tpu.memref_squeeze %dma_start3A_67 : memref<1x128xi32, #tpu.memory_space<vmem>> -> memref<128xi32, #tpu.memory_space<vmem>>
      %dma_start3A_69 = tpu.memref_slice %arg4[%add3A, %mul3A_64] : memref<32x10240xi32, #tpu.memory_space<hbm>> -> memref<1x128xi32, #tpu.memory_space<hbm>>
      %dma_start3A_70 = tpu.memref_squeeze %dma_start3A_69 : memref<1x128xi32, #tpu.memory_space<hbm>> -> memref<128xi32, #tpu.memory_space<hbm>>
      %dma_start3A_71 = arith.constant 0 : i32
      %dma_start3A_72 = tpu.memref_slice %arg7[%dma_start3A_65, %dma_start3A_71] : memref<2x128xi32, #tpu.memory_space<vmem>> -> memref<1x128xi32, #tpu.memory_space<vmem>>
      %dma_start3A_73 = tpu.memref_squeeze %dma_start3A_72 : memref<1x128xi32, #tpu.memory_space<vmem>> -> memref<128xi32, #tpu.memory_space<vmem>>
      %dma_start3A_74 = tpu.memref_slice %arg4[%add3A, %mul3A_64] : memref<32x10240xi32, #tpu.memory_space<hbm>> -> memref<1x128xi32, #tpu.memory_space<hbm>>
      %dma_start3A_75 = tpu.memref_squeeze %dma_start3A_74 : memref<1x128xi32, #tpu.memory_space<hbm>> -> memref<128xi32, #tpu.memory_space<hbm>>
      tpu.enqueue_dma source(%dma_start3A_75 : memref<128xi32, #tpu.memory_space<hbm>>) target(%dma_start3A_73 : memref<128xi32, #tpu.memory_space<vmem>>) target_semaphore(%arg12 : memref<!tpu.dma_semaphore, #tpu.memory_space<semaphore_mem>>)
      %gt3A_76 = arith.constant 0 : i32
      %gt3A_77 = arith.cmpi sgt, %scan3A_44, %gt3A_76 : i32
      %convert_element_type3A_78 = arith.extui %gt3A_77 : i1 to i32
      %cond3A_79 = arith.constant 0 : i32
      %cond3A_80 = arith.cmpi ne, %convert_element_type3A_78, %cond3A_79 : i32
      scf.if %cond3A_80 {
        %dma_wait3A_227 = arith.constant 1 : i32
        %dma_wait3A_228 = arith.constant 0 : i32
        %dma_wait3A_229 = arith.constant 0 : i32
        %dma_wait3A_230 = tpu.memref_slice %arg8[%dma_wait3A_227, %dma_wait3A_228, %dma_wait3A_229] : memref<2x128x128xf32, #tpu.memory_space<vmem>> -> memref<1x128x128xf32, #tpu.memory_space<vmem>>
        %dma_wait3A_231 = tpu.memref_squeeze %dma_wait3A_230 : memref<1x128x128xf32, #tpu.memory_space<vmem>> -> memref<128x128xf32, #tpu.memory_space<vmem>>
        %dma_wait3A_232 = arith.constant 0 : i32
        %dma_wait3A_233 = arith.constant 0 : i32
        %dma_wait3A_234 = tpu.memref_slice %arg2[%dma_wait3A_232, %dma_wait3A_233] : memref<10240x128xf32, #tpu.memory_space<hbm>> -> memref<128x128xf32, #tpu.memory_space<hbm>>
        %dma_wait3A_235 = arith.constant 0 : i32
        %dma_wait3A_236 = arith.constant 0 : i32
        %dma_wait3A_237 = tpu.memref_slice %arg8[%dma_wait3A_227, %dma_wait3A_235, %dma_wait3A_236] : memref<2x128x128xf32, #tpu.memory_space<vmem>> -> memref<1x128x128xf32, #tpu.memory_space<vmem>>
        %dma_wait3A_238 = tpu.memref_squeeze %dma_wait3A_237 : memref<1x128x128xf32, #tpu.memory_space<vmem>> -> memref<128x128xf32, #tpu.memory_space<vmem>>
        %dma_wait3A_239 = arith.constant 0 : i32
        %dma_wait3A_240 = arith.constant 0 : i32
        %dma_wait3A_241 = tpu.memref_slice %arg2[%dma_wait3A_239, %dma_wait3A_240] : memref<10240x128xf32, #tpu.memory_space<hbm>> -> memref<128x128xf32, #tpu.memory_space<hbm>>
        tpu.wait_dma2 semaphore(%arg17 : memref<!tpu.dma_semaphore, #tpu.memory_space<semaphore_mem>>) src(%dma_wait3A_241 : memref<128x128xf32, #tpu.memory_space<hbm>>) dst(%dma_wait3A_238 : memref<128x128xf32, #tpu.memory_space<vmem>>)
      } else {
      }
      %mul3A_81 = arith.constant 2 : i32
      %mul3A_82 = arith.muli %scan3A_44, %mul3A_81 : i32
      %add3A_83 = arith.constant 1 : i32
      %add3A_84 = arith.addi %mul3A_82, %add3A_83 : i32
      %mul3A_85 = arith.constant 128 : i32
      %mul3A_86 = arith.muli %add3A_84, %mul3A_85 : i32
      %dma_start3A_87 = arith.constant 1 : i32
      %dma_start3A_88 = arith.constant 0 : i32
      %dma_start3A_89 = tpu.memref_slice %arg6[%dma_start3A_87, %dma_start3A_88] : memref<2x128xi32, #tpu.memory_space<vmem>> -> memref<1x128xi32, #tpu.memory_space<vmem>>
      %dma_start3A_90 = tpu.memref_squeeze %dma_start3A_89 : memref<1x128xi32, #tpu.memory_space<vmem>> -> memref<128xi32, #tpu.memory_space<vmem>>
      %dma_start3A_91 = tpu.memref_slice %arg3[%add3A, %mul3A_86] : memref<32x10240xi32, #tpu.memory_space<hbm>> -> memref<1x128xi32, #tpu.memory_space<hbm>>
      %dma_start3A_92 = tpu.memref_squeeze %dma_start3A_91 : memref<1x128xi32, #tpu.memory_space<hbm>> -> memref<128xi32, #tpu.memory_space<hbm>>
      %dma_start3A_93 = arith.constant 0 : i32
      %dma_start3A_94 = tpu.memref_slice %arg6[%dma_start3A_87, %dma_start3A_93] : memref<2x128xi32, #tpu.memory_space<vmem>> -> memref<1x128xi32, #tpu.memory_space<vmem>>
      %dma_start3A_95 = tpu.memref_squeeze %dma_start3A_94 : memref<1x128xi32, #tpu.memory_space<vmem>> -> memref<128xi32, #tpu.memory_space<vmem>>
      %dma_start3A_96 = tpu.memref_slice %arg3[%add3A, %mul3A_86] : memref<32x10240xi32, #tpu.memory_space<hbm>> -> memref<1x128xi32, #tpu.memory_space<hbm>>
      %dma_start3A_97 = tpu.memref_squeeze %dma_start3A_96 : memref<1x128xi32, #tpu.memory_space<hbm>> -> memref<128xi32, #tpu.memory_space<hbm>>
      tpu.enqueue_dma source(%dma_start3A_97 : memref<128xi32, #tpu.memory_space<hbm>>) target(%dma_start3A_95 : memref<128xi32, #tpu.memory_space<vmem>>) target_semaphore(%arg11 : memref<!tpu.dma_semaphore, #tpu.memory_space<semaphore_mem>>)
      %mul3A_98 = arith.constant 128 : i32
      %mul3A_99 = arith.muli %add3A_84, %mul3A_98 : i32
      %dma_start3A_100 = arith.constant 1 : i32
      %dma_start3A_101 = arith.constant 0 : i32
      %dma_start3A_102 = tpu.memref_slice %arg7[%dma_start3A_100, %dma_start3A_101] : memref<2x128xi32, #tpu.memory_space<vmem>> -> memref<1x128xi32, #tpu.memory_space<vmem>>
      %dma_start3A_103 = tpu.memref_squeeze %dma_start3A_102 : memref<1x128xi32, #tpu.memory_space<vmem>> -> memref<128xi32, #tpu.memory_space<vmem>>
      %dma_start3A_104 = tpu.memref_slice %arg4[%add3A, %mul3A_99] : memref<32x10240xi32, #tpu.memory_space<hbm>> -> memref<1x128xi32, #tpu.memory_space<hbm>>
      %dma_start3A_105 = tpu.memref_squeeze %dma_start3A_104 : memref<1x128xi32, #tpu.memory_space<hbm>> -> memref<128xi32, #tpu.memory_space<hbm>>
      %dma_start3A_106 = arith.constant 0 : i32
      %dma_start3A_107 = tpu.memref_slice %arg7[%dma_start3A_100, %dma_start3A_106] : memref<2x128xi32, #tpu.memory_space<vmem>> -> memref<1x128xi32, #tpu.memory_space<vmem>>
      %dma_start3A_108 = tpu.memref_squeeze %dma_start3A_107 : memref<1x128xi32, #tpu.memory_space<vmem>> -> memref<128xi32, #tpu.memory_space<vmem>>
      %dma_start3A_109 = tpu.memref_slice %arg4[%add3A, %mul3A_99] : memref<32x10240xi32, #tpu.memory_space<hbm>> -> memref<1x128xi32, #tpu.memory_space<hbm>>
      %dma_start3A_110 = tpu.memref_squeeze %dma_start3A_109 : memref<1x128xi32, #tpu.memory_space<hbm>> -> memref<128xi32, #tpu.memory_space<hbm>>
      tpu.enqueue_dma source(%dma_start3A_110 : memref<128xi32, #tpu.memory_space<hbm>>) target(%dma_start3A_108 : memref<128xi32, #tpu.memory_space<vmem>>) target_semaphore(%arg13 : memref<!tpu.dma_semaphore, #tpu.memory_space<semaphore_mem>>)
      %dma_wait3A_111 = arith.constant 0 : i32
      %dma_wait3A_112 = arith.constant 0 : i32
      %dma_wait3A_113 = tpu.memref_slice %arg6[%dma_wait3A_111, %dma_wait3A_112] : memref<2x128xi32, #tpu.memory_space<vmem>> -> memref<1x128xi32, #tpu.memory_space<vmem>>
      %dma_wait3A_114 = tpu.memref_squeeze %dma_wait3A_113 : memref<1x128xi32, #tpu.memory_space<vmem>> -> memref<128xi32, #tpu.memory_space<vmem>>
      %dma_wait3A_115 = tpu.memref_slice %arg3[%add3A, %mul3A_52] : memref<32x10240xi32, #tpu.memory_space<hbm>> -> memref<1x128xi32, #tpu.memory_space<hbm>>
      %dma_wait3A_116 = tpu.memref_squeeze %dma_wait3A_115 : memref<1x128xi32, #tpu.memory_space<hbm>> -> memref<128xi32, #tpu.memory_space<hbm>>
      %dma_wait3A_117 = arith.constant 0 : i32
      %dma_wait3A_118 = tpu.memref_slice %arg6[%dma_wait3A_111, %dma_wait3A_117] : memref<2x128xi32, #tpu.memory_space<vmem>> -> memref<1x128xi32, #tpu.memory_space<vmem>>
      %dma_wait3A_119 = tpu.memref_squeeze %dma_wait3A_118 : memref<1x128xi32, #tpu.memory_space<vmem>> -> memref<128xi32, #tpu.memory_space<vmem>>
      %dma_wait3A_120 = tpu.memref_slice %arg3[%add3A, %mul3A_52] : memref<32x10240xi32, #tpu.memory_space<hbm>> -> memref<1x128xi32, #tpu.memory_space<hbm>>
      %dma_wait3A_121 = tpu.memref_squeeze %dma_wait3A_120 : memref<1x128xi32, #tpu.memory_space<hbm>> -> memref<128xi32, #tpu.memory_space<hbm>>
      tpu.wait_dma2 semaphore(%arg10 : memref<!tpu.dma_semaphore, #tpu.memory_space<semaphore_mem>>) src(%dma_wait3A_121 : memref<128xi32, #tpu.memory_space<hbm>>) dst(%dma_wait3A_119 : memref<128xi32, #tpu.memory_space<vmem>>)
      %dma_start3A_122 = arith.constant 0 : i32
      %dma_start3A_123 = arith.constant 0 : i32
      %dma_start3A_124 = arith.constant 0 : i32
      %dma_start3A_125 = arith.constant 0 : i32
      %dma_start3A_126 = tpu.memref_slice %arg8[%dma_start3A_123, %dma_start3A_124, %dma_start3A_125] : memref<2x128x128xf32, #tpu.memory_space<vmem>> -> memref<1x128x128xf32, #tpu.memory_space<vmem>>
      %dma_start3A_127 = tpu.memref_squeeze %dma_start3A_126 : memref<1x128x128xf32, #tpu.memory_space<vmem>> -> memref<128x128xf32, #tpu.memory_space<vmem>>
      %dma_start3A_128 = arith.constant 0 : i32
      %dma_start3A_129 = tpu.memref_slice %arg6[%dma_start3A_122, %dma_start3A_128] : memref<2x128xi32, #tpu.memory_space<vmem>> -> memref<1x128xi32, #tpu.memory_space<vmem>>
      %dma_start3A_130 = tpu.memref_squeeze %dma_start3A_129 : memref<1x128xi32, #tpu.memory_space<vmem>> -> memref<128xi32, #tpu.memory_space<vmem>>
      %dma_start3A_131 = arith.constant 0 : i32
      %dma_start3A_132 = arith.constant 0 : i32
      %dma_start3A_133 = tpu.memref_slice %arg2[%dma_start3A_131, %dma_start3A_132] : memref<10240x128xf32, #tpu.memory_space<hbm>> -> memref<10240x128xf32, #tpu.memory_space<hbm>>
      tpu.enqueue_indirect_dma source(%dma_start3A_133 : memref<10240x128xf32, #tpu.memory_space<hbm>>) target(%dma_start3A_127 : memref<128x128xf32, #tpu.memory_space<vmem>>) offsets(%dma_start3A_130 : memref<128xi32, #tpu.memory_space<vmem>>) semaphore(%arg14 : memref<!tpu.dma_semaphore, #tpu.memory_space<semaphore_mem>>)
      %dma_wait3A_134 = arith.constant 1 : i32
      %dma_wait3A_135 = arith.constant 0 : i32
      %dma_wait3A_136 = tpu.memref_slice %arg6[%dma_wait3A_134, %dma_wait3A_135] : memref<2x128xi32, #tpu.memory_space<vmem>> -> memref<1x128xi32, #tpu.memory_space<vmem>>
      %dma_wait3A_137 = tpu.memref_squeeze %dma_wait3A_136 : memref<1x128xi32, #tpu.memory_space<vmem>> -> memref<128xi32, #tpu.memory_space<vmem>>
      %dma_wait3A_138 = tpu.memref_slice %arg3[%add3A, %mul3A_86] : memref<32x10240xi32, #tpu.memory_space<hbm>> -> memref<1x128xi32, #tpu.memory_space<hbm>>
      %dma_wait3A_139 = tpu.memref_squeeze %dma_wait3A_138 : memref<1x128xi32, #tpu.memory_space<hbm>> -> memref<128xi32, #tpu.memory_space<hbm>>
      %dma_wait3A_140 = arith.constant 0 : i32
      %dma_wait3A_141 = tpu.memref_slice %arg6[%dma_wait3A_134, %dma_wait3A_140] : memref<2x128xi32, #tpu.memory_space<vmem>> -> memref<1x128xi32, #tpu.memory_space<vmem>>
      %dma_wait3A_142 = tpu.memref_squeeze %dma_wait3A_141 : memref<1x128xi32, #tpu.memory_space<vmem>> -> memref<128xi32, #tpu.memory_space<vmem>>
      %dma_wait3A_143 = tpu.memref_slice %arg3[%add3A, %mul3A_86] : memref<32x10240xi32, #tpu.memory_space<hbm>> -> memref<1x128xi32, #tpu.memory_space<hbm>>
      %dma_wait3A_144 = tpu.memref_squeeze %dma_wait3A_143 : memref<1x128xi32, #tpu.memory_space<hbm>> -> memref<128xi32, #tpu.memory_space<hbm>>
      tpu.wait_dma2 semaphore(%arg11 : memref<!tpu.dma_semaphore, #tpu.memory_space<semaphore_mem>>) src(%dma_wait3A_144 : memref<128xi32, #tpu.memory_space<hbm>>) dst(%dma_wait3A_142 : memref<128xi32, #tpu.memory_space<vmem>>)
      %dma_start3A_145 = arith.constant 1 : i32
      %dma_start3A_146 = arith.constant 1 : i32
      %dma_start3A_147 = arith.constant 0 : i32
      %dma_start3A_148 = arith.constant 0 : i32
      %dma_start3A_149 = tpu.memref_slice %arg8[%dma_start3A_146, %dma_start3A_147, %dma_start3A_148] : memref<2x128x128xf32, #tpu.memory_space<vmem>> -> memref<1x128x128xf32, #tpu.memory_space<vmem>>
      %dma_start3A_150 = tpu.memref_squeeze %dma_start3A_149 : memref<1x128x128xf32, #tpu.memory_space<vmem>> -> memref<128x128xf32, #tpu.memory_space<vmem>>
      %dma_start3A_151 = arith.constant 0 : i32
      %dma_start3A_152 = tpu.memref_slice %arg6[%dma_start3A_145, %dma_start3A_151] : memref<2x128xi32, #tpu.memory_space<vmem>> -> memref<1x128xi32, #tpu.memory_space<vmem>>
      %dma_start3A_153 = tpu.memref_squeeze %dma_start3A_152 : memref<1x128xi32, #tpu.memory_space<vmem>> -> memref<128xi32, #tpu.memory_space<vmem>>
      %dma_start3A_154 = arith.constant 0 : i32
      %dma_start3A_155 = arith.constant 0 : i32
      %dma_start3A_156 = tpu.memref_slice %arg2[%dma_start3A_154, %dma_start3A_155] : memref<10240x128xf32, #tpu.memory_space<hbm>> -> memref<10240x128xf32, #tpu.memory_space<hbm>>
      tpu.enqueue_indirect_dma source(%dma_start3A_156 : memref<10240x128xf32, #tpu.memory_space<hbm>>) target(%dma_start3A_150 : memref<128x128xf32, #tpu.memory_space<vmem>>) offsets(%dma_start3A_153 : memref<128xi32, #tpu.memory_space<vmem>>) semaphore(%arg15 : memref<!tpu.dma_semaphore, #tpu.memory_space<semaphore_mem>>)
      %dma_wait3A_157 = arith.constant 0 : i32
      %dma_wait3A_158 = arith.constant 0 : i32
      %dma_wait3A_159 = arith.constant 0 : i32
      %dma_wait3A_160 = arith.constant 0 : i32
      %dma_wait3A_161 = tpu.memref_slice %arg8[%dma_wait3A_158, %dma_wait3A_159, %dma_wait3A_160] : memref<2x128x128xf32, #tpu.memory_space<vmem>> -> memref<1x128x128xf32, #tpu.memory_space<vmem>>
      %dma_wait3A_162 = tpu.memref_squeeze %dma_wait3A_161 : memref<1x128x128xf32, #tpu.memory_space<vmem>> -> memref<128x128xf32, #tpu.memory_space<vmem>>
      %dma_wait3A_163 = arith.constant 0 : i32
      %dma_wait3A_164 = tpu.memref_slice %arg6[%dma_wait3A_157, %dma_wait3A_163] : memref<2x128xi32, #tpu.memory_space<vmem>> -> memref<1x128xi32, #tpu.memory_space<vmem>>
      %dma_wait3A_165 = tpu.memref_squeeze %dma_wait3A_164 : memref<1x128xi32, #tpu.memory_space<vmem>> -> memref<128xi32, #tpu.memory_space<vmem>>
      %dma_wait3A_166 = arith.constant 0 : i32
      %dma_wait3A_167 = arith.constant 0 : i32
      %dma_wait3A_168 = tpu.memref_slice %arg2[%dma_wait3A_166, %dma_wait3A_167] : memref<10240x128xf32, #tpu.memory_space<hbm>> -> memref<10240x128xf32, #tpu.memory_space<hbm>>
      tpu.wait_indirect_dma semaphore(%arg14 : memref<!tpu.dma_semaphore, #tpu.memory_space<semaphore_mem>>) src(%dma_wait3A_168 : memref<10240x128xf32, #tpu.memory_space<hbm>>) dst(%dma_wait3A_162 : memref<128x128xf32, #tpu.memory_space<vmem>>)
      %dma_wait3A_169 = arith.constant 0 : i32
      %dma_wait3A_170 = arith.constant 0 : i32
      %dma_wait3A_171 = tpu.memref_slice %arg7[%dma_wait3A_169, %dma_wait3A_170] : memref<2x128xi32, #tpu.memory_space<vmem>> -> memref<1x128xi32, #tpu.memory_space<vmem>>
      %dma_wait3A_172 = tpu.memref_squeeze %dma_wait3A_171 : memref<1x128xi32, #tpu.memory_space<vmem>> -> memref<128xi32, #tpu.memory_space<vmem>>
      %dma_wait3A_173 = tpu.memref_slice %arg4[%add3A, %mul3A_64] : memref<32x10240xi32, #tpu.memory_space<hbm>> -> memref<1x128xi32, #tpu.memory_space<hbm>>
      %dma_wait3A_174 = tpu.memref_squeeze %dma_wait3A_173 : memref<1x128xi32, #tpu.memory_space<hbm>> -> memref<128xi32, #tpu.memory_space<hbm>>
      %dma_wait3A_175 = arith.constant 0 : i32
      %dma_wait3A_176 = tpu.memref_slice %arg7[%dma_wait3A_169, %dma_wait3A_175] : memref<2x128xi32, #tpu.memory_space<vmem>> -> memref<1x128xi32, #tpu.memory_space<vmem>>
      %dma_wait3A_177 = tpu.memref_squeeze %dma_wait3A_176 : memref<1x128xi32, #tpu.memory_space<vmem>> -> memref<128xi32, #tpu.memory_space<vmem>>
      %dma_wait3A_178 = tpu.memref_slice %arg4[%add3A, %mul3A_64] : memref<32x10240xi32, #tpu.memory_space<hbm>> -> memref<1x128xi32, #tpu.memory_space<hbm>>
      %dma_wait3A_179 = tpu.memref_squeeze %dma_wait3A_178 : memref<1x128xi32, #tpu.memory_space<hbm>> -> memref<128xi32, #tpu.memory_space<hbm>>
      tpu.wait_dma2 semaphore(%arg12 : memref<!tpu.dma_semaphore, #tpu.memory_space<semaphore_mem>>) src(%dma_wait3A_179 : memref<128xi32, #tpu.memory_space<hbm>>) dst(%dma_wait3A_177 : memref<128xi32, #tpu.memory_space<vmem>>)
      %dma_start3A_180 = arith.constant 0 : i32
      %dma_start3A_181 = arith.constant 0 : i32
      %dma_start3A_182 = arith.constant 0 : i32
      %dma_start3A_183 = arith.constant 0 : i32
      %dma_start3A_184 = tpu.memref_slice %arg8[%dma_start3A_180, %dma_start3A_182, %dma_start3A_183] : memref<2x128x128xf32, #tpu.memory_space<vmem>> -> memref<1x128x128xf32, #tpu.memory_space<vmem>>
      %dma_start3A_185 = tpu.memref_squeeze %dma_start3A_184 : memref<1x128x128xf32, #tpu.memory_space<vmem>> -> memref<128x128xf32, #tpu.memory_space<vmem>>
      %dma_start3A_186 = arith.constant 0 : i32
      %dma_start3A_187 = tpu.memref_slice %arg7[%dma_start3A_181, %dma_start3A_186] : memref<2x128xi32, #tpu.memory_space<vmem>> -> memref<1x128xi32, #tpu.memory_space<vmem>>
      %dma_start3A_188 = tpu.memref_squeeze %dma_start3A_187 : memref<1x128xi32, #tpu.memory_space<vmem>> -> memref<128xi32, #tpu.memory_space<vmem>>
      %dma_start3A_189 = arith.constant 0 : i32
      %dma_start3A_190 = arith.constant 0 : i32
      %dma_start3A_191 = tpu.memref_slice %arg9[%dma_start3A_189, %dma_start3A_190] : memref<10240x128xf32, #tpu.memory_space<vmem_shared>> -> memref<10240x128xf32, #tpu.memory_space<vmem_shared>>
      tpu.enqueue_indirect_dma source(%dma_start3A_185 : memref<128x128xf32, #tpu.memory_space<vmem>>) target(%dma_start3A_191 : memref<10240x128xf32, #tpu.memory_space<vmem_shared>>) offsets(%dma_start3A_188 : memref<128xi32, #tpu.memory_space<vmem>>) semaphore(%arg16 : memref<!tpu.dma_semaphore, #tpu.memory_space<semaphore_mem>>) {add = true}
      %dma_wait3A_192 = arith.constant 1 : i32
      %dma_wait3A_193 = arith.constant 1 : i32
      %dma_wait3A_194 = arith.constant 0 : i32
      %dma_wait3A_195 = arith.constant 0 : i32
      %dma_wait3A_196 = tpu.memref_slice %arg8[%dma_wait3A_193, %dma_wait3A_194, %dma_wait3A_195] : memref<2x128x128xf32, #tpu.memory_space<vmem>> -> memref<1x128x128xf32, #tpu.memory_space<vmem>>
      %dma_wait3A_197 = tpu.memref_squeeze %dma_wait3A_196 : memref<1x128x128xf32, #tpu.memory_space<vmem>> -> memref<128x128xf32, #tpu.memory_space<vmem>>
      %dma_wait3A_198 = arith.constant 0 : i32
      %dma_wait3A_199 = tpu.memref_slice %arg6[%dma_wait3A_192, %dma_wait3A_198] : memref<2x128xi32, #tpu.memory_space<vmem>> -> memref<1x128xi32, #tpu.memory_space<vmem>>
      %dma_wait3A_200 = tpu.memref_squeeze %dma_wait3A_199 : memref<1x128xi32, #tpu.memory_space<vmem>> -> memref<128xi32, #tpu.memory_space<vmem>>
      %dma_wait3A_201 = arith.constant 0 : i32
      %dma_wait3A_202 = arith.constant 0 : i32
      %dma_wait3A_203 = tpu.memref_slice %arg2[%dma_wait3A_201, %dma_wait3A_202] : memref<10240x128xf32, #tpu.memory_space<hbm>> -> memref<10240x128xf32, #tpu.memory_space<hbm>>
      tpu.wait_indirect_dma semaphore(%arg15 : memref<!tpu.dma_semaphore, #tpu.memory_space<semaphore_mem>>) src(%dma_wait3A_203 : memref<10240x128xf32, #tpu.memory_space<hbm>>) dst(%dma_wait3A_197 : memref<128x128xf32, #tpu.memory_space<vmem>>)
      %dma_wait3A_204 = arith.constant 1 : i32
      %dma_wait3A_205 = arith.constant 0 : i32
      %dma_wait3A_206 = tpu.memref_slice %arg7[%dma_wait3A_204, %dma_wait3A_205] : memref<2x128xi32, #tpu.memory_space<vmem>> -> memref<1x128xi32, #tpu.memory_space<vmem>>
      %dma_wait3A_207 = tpu.memref_squeeze %dma_wait3A_206 : memref<1x128xi32, #tpu.memory_space<vmem>> -> memref<128xi32, #tpu.memory_space<vmem>>
      %dma_wait3A_208 = tpu.memref_slice %arg4[%add3A, %mul3A_99] : memref<32x10240xi32, #tpu.memory_space<hbm>> -> memref<1x128xi32, #tpu.memory_space<hbm>>
      %dma_wait3A_209 = tpu.memref_squeeze %dma_wait3A_208 : memref<1x128xi32, #tpu.memory_space<hbm>> -> memref<128xi32, #tpu.memory_space<hbm>>
      %dma_wait3A_210 = arith.constant 0 : i32
      %dma_wait3A_211 = tpu.memref_slice %arg7[%dma_wait3A_204, %dma_wait3A_210] : memref<2x128xi32, #tpu.memory_space<vmem>> -> memref<1x128xi32, #tpu.memory_space<vmem>>
      %dma_wait3A_212 = tpu.memref_squeeze %dma_wait3A_211 : memref<1x128xi32, #tpu.memory_space<vmem>> -> memref<128xi32, #tpu.memory_space<vmem>>
      %dma_wait3A_213 = tpu.memref_slice %arg4[%add3A, %mul3A_99] : memref<32x10240xi32, #tpu.memory_space<hbm>> -> memref<1x128xi32, #tpu.memory_space<hbm>>
      %dma_wait3A_214 = tpu.memref_squeeze %dma_wait3A_213 : memref<1x128xi32, #tpu.memory_space<hbm>> -> memref<128xi32, #tpu.memory_space<hbm>>
      tpu.wait_dma2 semaphore(%arg13 : memref<!tpu.dma_semaphore, #tpu.memory_space<semaphore_mem>>) src(%dma_wait3A_214 : memref<128xi32, #tpu.memory_space<hbm>>) dst(%dma_wait3A_212 : memref<128xi32, #tpu.memory_space<vmem>>)
      %dma_start3A_215 = arith.constant 1 : i32
      %dma_start3A_216 = arith.constant 1 : i32
      %dma_start3A_217 = arith.constant 0 : i32
      %dma_start3A_218 = arith.constant 0 : i32
      %dma_start3A_219 = tpu.memref_slice %arg8[%dma_start3A_215, %dma_start3A_217, %dma_start3A_218] : memref<2x128x128xf32, #tpu.memory_space<vmem>> -> memref<1x128x128xf32, #tpu.memory_space<vmem>>
      %dma_start3A_220 = tpu.memref_squeeze %dma_start3A_219 : memref<1x128x128xf32, #tpu.memory_space<vmem>> -> memref<128x128xf32, #tpu.memory_space<vmem>>
      %dma_start3A_221 = arith.constant 0 : i32
      %dma_start3A_222 = tpu.memref_slice %arg7[%dma_start3A_216, %dma_start3A_221] : memref<2x128xi32, #tpu.memory_space<vmem>> -> memref<1x128xi32, #tpu.memory_space<vmem>>
      %dma_start3A_223 = tpu.memref_squeeze %dma_start3A_222 : memref<1x128xi32, #tpu.memory_space<vmem>> -> memref<128xi32, #tpu.memory_space<vmem>>
      %dma_start3A_224 = arith.constant 0 : i32
      %dma_start3A_225 = arith.constant 0 : i32
      %dma_start3A_226 = tpu.memref_slice %arg9[%dma_start3A_224, %dma_start3A_225] : memref<10240x128xf32, #tpu.memory_space<vmem_shared>> -> memref<10240x128xf32, #tpu.memory_space<vmem_shared>>
      tpu.enqueue_indirect_dma source(%dma_start3A_220 : memref<128x128xf32, #tpu.memory_space<vmem>>) target(%dma_start3A_226 : memref<10240x128xf32, #tpu.memory_space<vmem_shared>>) offsets(%dma_start3A_223 : memref<128xi32, #tpu.memory_space<vmem>>) semaphore(%arg17 : memref<!tpu.dma_semaphore, #tpu.memory_space<semaphore_mem>>) {add = true}
    }
    %scan3A_9 = arith.constant 40 : i32
    %dma_wait3A = arith.constant 0 : i32
    %dma_wait3A_10 = arith.constant 0 : i32
    %dma_wait3A_11 = arith.constant 0 : i32
    %dma_wait3A_12 = tpu.memref_slice %arg8[%dma_wait3A, %dma_wait3A_10, %dma_wait3A_11] : memref<2x128x128xf32, #tpu.memory_space<vmem>> -> memref<1x128x128xf32, #tpu.memory_space<vmem>>
    %dma_wait3A_13 = tpu.memref_squeeze %dma_wait3A_12 : memref<1x128x128xf32, #tpu.memory_space<vmem>> -> memref<128x128xf32, #tpu.memory_space<vmem>>
    %dma_wait3A_14 = arith.constant 0 : i32
    %dma_wait3A_15 = arith.constant 0 : i32
    %dma_wait3A_16 = tpu.memref_slice %arg2[%dma_wait3A_14, %dma_wait3A_15] : memref<10240x128xf32, #tpu.memory_space<hbm>> -> memref<128x128xf32, #tpu.memory_space<hbm>>
    %dma_wait3A_17 = arith.constant 0 : i32
    %dma_wait3A_18 = arith.constant 0 : i32
    %dma_wait3A_19 = tpu.memref_slice %arg8[%dma_wait3A, %dma_wait3A_17, %dma_wait3A_18] : memref<2x128x128xf32, #tpu.memory_space<vmem>> -> memref<1x128x128xf32, #tpu.memory_space<vmem>>
    %dma_wait3A_20 = tpu.memref_squeeze %dma_wait3A_19 : memref<1x128x128xf32, #tpu.memory_space<vmem>> -> memref<128x128xf32, #tpu.memory_space<vmem>>
    %dma_wait3A_21 = arith.constant 0 : i32
    %dma_wait3A_22 = arith.constant 0 : i32
    %dma_wait3A_23 = tpu.memref_slice %arg2[%dma_wait3A_21, %dma_wait3A_22] : memref<10240x128xf32, #tpu.memory_space<hbm>> -> memref<128x128xf32, #tpu.memory_space<hbm>>
    tpu.wait_dma2 semaphore(%arg16 : memref<!tpu.dma_semaphore, #tpu.memory_space<semaphore_mem>>) src(%dma_wait3A_23 : memref<128x128xf32, #tpu.memory_space<hbm>>) dst(%dma_wait3A_20 : memref<128x128xf32, #tpu.memory_space<vmem>>)
    %dma_wait3A_24 = arith.constant 1 : i32
    %dma_wait3A_25 = arith.constant 0 : i32
    %dma_wait3A_26 = arith.constant 0 : i32
    %dma_wait3A_27 = tpu.memref_slice %arg8[%dma_wait3A_24, %dma_wait3A_25, %dma_wait3A_26] : memref<2x128x128xf32, #tpu.memory_space<vmem>> -> memref<1x128x128xf32, #tpu.memory_space<vmem>>
    %dma_wait3A_28 = tpu.memref_squeeze %dma_wait3A_27 : memref<1x128x128xf32, #tpu.memory_space<vmem>> -> memref<128x128xf32, #tpu.memory_space<vmem>>
    %dma_wait3A_29 = arith.constant 0 : i32
    %dma_wait3A_30 = arith.constant 0 : i32
    %dma_wait3A_31 = tpu.memref_slice %arg2[%dma_wait3A_29, %dma_wait3A_30] : memref<10240x128xf32, #tpu.memory_space<hbm>> -> memref<128x128xf32, #tpu.memory_space<hbm>>
    %dma_wait3A_32 = arith.constant 0 : i32
    %dma_wait3A_33 = arith.constant 0 : i32
    %dma_wait3A_34 = tpu.memref_slice %arg8[%dma_wait3A_24, %dma_wait3A_32, %dma_wait3A_33] : memref<2x128x128xf32, #tpu.memory_space<vmem>> -> memref<1x128x128xf32, #tpu.memory_space<vmem>>
    %dma_wait3A_35 = tpu.memref_squeeze %dma_wait3A_34 : memref<1x128x128xf32, #tpu.memory_space<vmem>> -> memref<128x128xf32, #tpu.memory_space<vmem>>
    %dma_wait3A_36 = arith.constant 0 : i32
    %dma_wait3A_37 = arith.constant 0 : i32
    %dma_wait3A_38 = tpu.memref_slice %arg2[%dma_wait3A_36, %dma_wait3A_37] : memref<10240x128xf32, #tpu.memory_space<hbm>> -> memref<128x128xf32, #tpu.memory_space<hbm>>
    tpu.wait_dma2 semaphore(%arg17 : memref<!tpu.dma_semaphore, #tpu.memory_space<semaphore_mem>>) src(%dma_wait3A_38 : memref<128x128xf32, #tpu.memory_space<hbm>>) dst(%dma_wait3A_35 : memref<128x128xf32, #tpu.memory_space<vmem>>)
    %barrier3A_39 = arith.constant 0 : index
    tpu.barrier barrier_id(%barrier3A_39)
    %mul3A_40 = arith.constant 640 : i32
    %mul3A_41 = arith.muli %arg1, %mul3A_40 : i32
    %mul3A_42 = arith.constant 640 : i32
    %mul3A_43 = arith.muli %arg1, %mul3A_42 : i32
    "tpu.region"() ({
      %run_scoped3A = tpu.sem_alloc : memref<!tpu.dma_semaphore, #tpu.memory_space<semaphore_mem>>
      %dma_start3A = arith.constant 0 : i32
      %dma_start3A_44 = tpu.memref_slice %arg5[%arg0, %mul3A_43, %dma_start3A] : memref<2x10240x128xf32, #tpu.memory_space<hbm>> -> memref<1x640x128xf32, #tpu.memory_space<hbm>>
      %dma_start3A_45 = tpu.memref_squeeze %dma_start3A_44 : memref<1x640x128xf32, #tpu.memory_space<hbm>> -> memref<640x128xf32, #tpu.memory_space<hbm>>
      %dma_start3A_46 = arith.constant 0 : i32
      %dma_start3A_47 = tpu.memref_slice %arg9[%mul3A_41, %dma_start3A_46] : memref<10240x128xf32, #tpu.memory_space<vmem_shared>> -> memref<640x128xf32, #tpu.memory_space<vmem_shared>>
      tpu.enqueue_dma source(%dma_start3A_47 : memref<640x128xf32, #tpu.memory_space<vmem_shared>>) target(%dma_start3A_45 : memref<640x128xf32, #tpu.memory_space<hbm>>) target_semaphore(%run_scoped3A : memref<!tpu.dma_semaphore, #tpu.memory_space<semaphore_mem>>)
      %dma_wait3A_48 = arith.constant 0 : i32
      %dma_wait3A_49 = tpu.memref_slice %arg5[%arg0, %mul3A_43, %dma_wait3A_48] : memref<2x10240x128xf32, #tpu.memory_space<hbm>> -> memref<1x640x128xf32, #tpu.memory_space<hbm>>
      %dma_wait3A_50 = tpu.memref_squeeze %dma_wait3A_49 : memref<1x640x128xf32, #tpu.memory_space<hbm>> -> memref<640x128xf32, #tpu.memory_space<hbm>>
      %dma_wait3A_51 = arith.constant 0 : i32
      %dma_wait3A_52 = tpu.memref_slice %arg9[%mul3A_41, %dma_wait3A_51] : memref<10240x128xf32, #tpu.memory_space<vmem_shared>> -> memref<640x128xf32, #tpu.memory_space<vmem_shared>>
      tpu.wait_dma2 semaphore(%run_scoped3A : memref<!tpu.dma_semaphore, #tpu.memory_space<semaphore_mem>>) src(%dma_wait3A_52 : memref<640x128xf32, #tpu.memory_space<vmem_shared>>) dst(%dma_wait3A_50 : memref<640x128xf32, #tpu.memory_space<hbm>>)
      tpu.yield
    }) : () -> ()
    return
  }
}

#map = affine_map<(d0, d1) -> (0, 0, 0)>
#map1 = affine_map<(d0, d1) -> (0, 0)>
module attributes {stable_mosaic.version = 14 : i64} {
  func.func @k(%arg0: i32, %arg1: i32, %arg2: memref<32x80x128xi32, #tpu.memory_space<hbm>>, %arg3: memref<2x10240xf32, #tpu.memory_space<hbm>>, %arg4: memref<80x128xi32, #tpu.memory_space<vmem>>, %arg5: memref<640xf32, #tpu.memory_space<vmem>>, %arg6: memref<10240xf32, #tpu.memory_space<vmem_shared>>) attributes {dimension_semantics = [#tpu.dimension_semantics<core_parallel>, #tpu.dimension_semantics<subcore_parallel>], iteration_bounds = array<i64: 2, 16>, scalar_prefetch = 0 : i64, scratch_operands = 3 : i64, tpu.core_type = #tpu.core_type<sc_vector_subcore>, window_params = [{transform_indices = #map}, {transform_indices = #map1}]} {
    %mul3A = arith.constant 2 : i32
    %mul3A_0 = arith.muli %arg1, %mul3A : i32
    %add3A = arith.addi %mul3A_0, %arg0 : i32
    "tpu.region"() ({
      %run_scoped3A = tpu.sem_alloc : memref<!tpu.dma_semaphore, #tpu.memory_space<semaphore_mem>>
      %dma_start3A = arith.constant 0 : i32
      %dma_start3A_25 = arith.constant 0 : i32
      %dma_start3A_26 = tpu.memref_slice %arg2[%add3A, %dma_start3A, %dma_start3A_25] : memref<32x80x128xi32, #tpu.memory_space<hbm>> -> memref<1x80x128xi32, #tpu.memory_space<hbm>>
      %dma_start3A_27 = tpu.memref_squeeze %dma_start3A_26 : memref<1x80x128xi32, #tpu.memory_space<hbm>> -> memref<80x128xi32, #tpu.memory_space<hbm>>
      %dma_start3A_28 = arith.constant 0 : i32
      %dma_start3A_29 = arith.constant 0 : i32
      %dma_start3A_30 = tpu.memref_slice %arg2[%add3A, %dma_start3A_28, %dma_start3A_29] : memref<32x80x128xi32, #tpu.memory_space<hbm>> -> memref<1x80x128xi32, #tpu.memory_space<hbm>>
      %dma_start3A_31 = tpu.memref_squeeze %dma_start3A_30 : memref<1x80x128xi32, #tpu.memory_space<hbm>> -> memref<80x128xi32, #tpu.memory_space<hbm>>
      tpu.enqueue_dma source(%dma_start3A_31 : memref<80x128xi32, #tpu.memory_space<hbm>>) target(%arg4 : memref<80x128xi32, #tpu.memory_space<vmem>>) target_semaphore(%run_scoped3A : memref<!tpu.dma_semaphore, #tpu.memory_space<semaphore_mem>>)
      %dma_wait3A = arith.constant 0 : i32
      %dma_wait3A_32 = arith.constant 0 : i32
      %dma_wait3A_33 = tpu.memref_slice %arg2[%add3A, %dma_wait3A, %dma_wait3A_32] : memref<32x80x128xi32, #tpu.memory_space<hbm>> -> memref<1x80x128xi32, #tpu.memory_space<hbm>>
      %dma_wait3A_34 = tpu.memref_squeeze %dma_wait3A_33 : memref<1x80x128xi32, #tpu.memory_space<hbm>> -> memref<80x128xi32, #tpu.memory_space<hbm>>
      %dma_wait3A_35 = arith.constant 0 : i32
      %dma_wait3A_36 = arith.constant 0 : i32
      %dma_wait3A_37 = tpu.memref_slice %arg2[%add3A, %dma_wait3A_35, %dma_wait3A_36] : memref<32x80x128xi32, #tpu.memory_space<hbm>> -> memref<1x80x128xi32, #tpu.memory_space<hbm>>
      %dma_wait3A_38 = tpu.memref_squeeze %dma_wait3A_37 : memref<1x80x128xi32, #tpu.memory_space<hbm>> -> memref<80x128xi32, #tpu.memory_space<hbm>>
      tpu.wait_dma2 semaphore(%run_scoped3A : memref<!tpu.dma_semaphore, #tpu.memory_space<semaphore_mem>>) src(%dma_wait3A_38 : memref<80x128xi32, #tpu.memory_space<hbm>>) dst(%arg4 : memref<80x128xi32, #tpu.memory_space<vmem>>)
      tpu.yield
    }) : () -> ()
    %scan3A = arith.constant 0 : i32
    %scan3A_1 = arith.constant 0 : i32
    %scan3A_2 = arith.constant 40 : i32
    %scan3A_3 = arith.addi %scan3A_1, %scan3A_2 : i32
    %scan3A_4 = arith.constant 1 : i32
    scf.for %scan3A_25 = %scan3A_1 to %scan3A_3 step %scan3A_4  : i32 {
      %broadcast_in_dim3A = arith.constant 0.000000e+00 : f32
      %broadcast_in_dim3A_26 = vector.broadcast %broadcast_in_dim3A : f32 to vector<16xf32>
      %mul3A_27 = arith.constant 16 : i32
      %mul3A_28 = arith.muli %scan3A_25, %mul3A_27 : i32
      %swap3A = arith.index_cast %mul3A_28 : i32 to index
      %swap3A_29 = tpu.vector_load %arg5[%swap3A] {strides = array<i32>} : memref<640xf32, #tpu.memory_space<vmem>>, vector<16xf32>,
      %swap3A_30 = vector.shape_cast %swap3A_29 : vector<16xf32> to vector<16xf32>
      %swap3A_31 = vector.shape_cast %broadcast_in_dim3A_26 : vector<16xf32> to vector<16xf32>
      tpu.vector_store %arg5[%swap3A], %swap3A_31 {strides = array<i32>} : memref<640xf32, #tpu.memory_space<vmem>>, vector<16xf32>,
    }
    %scan3A_5 = arith.constant 40 : i32
    %mul3A_6 = arith.constant 640 : i32
    %mul3A_7 = arith.muli %arg1, %mul3A_6 : i32
    "tpu.region"() ({
      %run_scoped3A = tpu.sem_alloc : memref<!tpu.dma_semaphore, #tpu.memory_space<semaphore_mem>>
      %dma_start3A = tpu.memref_slice %arg6[%mul3A_7] : memref<10240xf32, #tpu.memory_space<vmem_shared>> -> memref<640xf32, #tpu.memory_space<vmem_shared>>
      %dma_start3A_25 = tpu.memref_slice %arg6[%mul3A_7] : memref<10240xf32, #tpu.memory_space<vmem_shared>> -> memref<640xf32, #tpu.memory_space<vmem_shared>>
      tpu.enqueue_dma source(%arg5 : memref<640xf32, #tpu.memory_space<vmem>>) target(%dma_start3A_25 : memref<640xf32, #tpu.memory_space<vmem_shared>>) target_semaphore(%run_scoped3A : memref<!tpu.dma_semaphore, #tpu.memory_space<semaphore_mem>>)
      %dma_wait3A = tpu.memref_slice %arg6[%mul3A_7] : memref<10240xf32, #tpu.memory_space<vmem_shared>> -> memref<640xf32, #tpu.memory_space<vmem_shared>>
      %dma_wait3A_26 = tpu.memref_slice %arg6[%mul3A_7] : memref<10240xf32, #tpu.memory_space<vmem_shared>> -> memref<640xf32, #tpu.memory_space<vmem_shared>>
      tpu.wait_dma2 semaphore(%run_scoped3A : memref<!tpu.dma_semaphore, #tpu.memory_space<semaphore_mem>>) src(%arg5 : memref<640xf32, #tpu.memory_space<vmem>>) dst(%dma_wait3A_26 : memref<640xf32, #tpu.memory_space<vmem_shared>>)
      tpu.yield
    }) : () -> ()
    %scan3A_8 = arith.constant 0 : i32
    %scan3A_9 = arith.constant 0 : i32
    %scan3A_10 = arith.constant 40 : i32
    %scan3A_11 = arith.addi %scan3A_9, %scan3A_10 : i32
    %scan3A_12 = arith.constant 1 : i32
    scf.for %scan3A_25 = %scan3A_9 to %scan3A_11 step %scan3A_12  : i32 {
      %broadcast_in_dim3A = arith.constant 1.000000e+00 : f32
      %broadcast_in_dim3A_26 = vector.broadcast %broadcast_in_dim3A : f32 to vector<16xf32>
      %mul3A_27 = arith.constant 16 : i32
      %mul3A_28 = arith.muli %scan3A_25, %mul3A_27 : i32
      %swap3A = arith.index_cast %mul3A_28 : i32 to index
      %swap3A_29 = tpu.vector_load %arg5[%swap3A] {strides = array<i32>} : memref<640xf32, #tpu.memory_space<vmem>>, vector<16xf32>,
      %swap3A_30 = vector.shape_cast %swap3A_29 : vector<16xf32> to vector<16xf32>
      %swap3A_31 = vector.shape_cast %broadcast_in_dim3A_26 : vector<16xf32> to vector<16xf32>
      tpu.vector_store %arg5[%swap3A], %swap3A_31 {strides = array<i32>} : memref<640xf32, #tpu.memory_space<vmem>>, vector<16xf32>,
    }
    %scan3A_13 = arith.constant 40 : i32
    %barrier3A = arith.constant 0 : index
    tpu.barrier barrier_id(%barrier3A)
    %scan3A_14 = arith.constant 0 : i32
    %scan3A_15 = arith.constant 0 : i32
    %scan3A_16 = arith.constant 80 : i32
    %scan3A_17 = arith.addi %scan3A_15, %scan3A_16 : i32
    %scan3A_18 = arith.constant 1 : i32
    scf.for %scan3A_25 = %scan3A_15 to %scan3A_17 step %scan3A_18  : i32 {
      "tpu.region"() ({
        %run_scoped3A = tpu.sem_alloc : memref<!tpu.dma_semaphore, #tpu.memory_space<semaphore_mem>>
        %dma_start3A = arith.constant 0 : i32
        %dma_start3A_26 = tpu.memref_slice %arg5[%dma_start3A] : memref<640xf32, #tpu.memory_space<vmem>> -> memref<128xf32, #tpu.memory_space<vmem>>
        %dma_start3A_27 = arith.constant 0 : i32
        %dma_start3A_28 = tpu.memref_slice %arg4[%scan3A_25, %dma_start3A_27] : memref<80x128xi32, #tpu.memory_space<vmem>> -> memref<1x128xi32, #tpu.memory_space<vmem>>
        %dma_start3A_29 = tpu.memref_squeeze %dma_start3A_28 : memref<1x128xi32, #tpu.memory_space<vmem>> -> memref<128xi32, #tpu.memory_space<vmem>>
        %dma_start3A_30 = arith.constant 0 : i32
        %dma_start3A_31 = tpu.memref_slice %arg6[%dma_start3A_30] : memref<10240xf32, #tpu.memory_space<vmem_shared>> -> memref<10240xf32, #tpu.memory_space<vmem_shared>>
        tpu.enqueue_indirect_dma source(%dma_start3A_26 : memref<128xf32, #tpu.memory_space<vmem>>) target(%dma_start3A_31 : memref<10240xf32, #tpu.memory_space<vmem_shared>>) offsets(%dma_start3A_29 : memref<128xi32, #tpu.memory_space<vmem>>) semaphore(%run_scoped3A : memref<!tpu.dma_semaphore, #tpu.memory_space<semaphore_mem>>) {add = true}
        %dma_wait3A = arith.constant 0 : i32
        %dma_wait3A_32 = tpu.memref_slice %arg5[%dma_wait3A] : memref<640xf32, #tpu.memory_space<vmem>> -> memref<128xf32, #tpu.memory_space<vmem>>
        %dma_wait3A_33 = arith.constant 0 : i32
        %dma_wait3A_34 = tpu.memref_slice %arg4[%scan3A_25, %dma_wait3A_33] : memref<80x128xi32, #tpu.memory_space<vmem>> -> memref<1x128xi32, #tpu.memory_space<vmem>>
        %dma_wait3A_35 = tpu.memref_squeeze %dma_wait3A_34 : memref<1x128xi32, #tpu.memory_space<vmem>> -> memref<128xi32, #tpu.memory_space<vmem>>
        %dma_wait3A_36 = arith.constant 0 : i32
        %dma_wait3A_37 = tpu.memref_slice %arg6[%dma_wait3A_36] : memref<10240xf32, #tpu.memory_space<vmem_shared>> -> memref<10240xf32, #tpu.memory_space<vmem_shared>>
        tpu.wait_indirect_dma semaphore(%run_scoped3A : memref<!tpu.dma_semaphore, #tpu.memory_space<semaphore_mem>>) src(%dma_wait3A_32 : memref<128xf32, #tpu.memory_space<vmem>>) dst(%dma_wait3A_37 : memref<10240xf32, #tpu.memory_space<vmem_shared>>)
        tpu.yield
      }) : () -> ()
    }
    %scan3A_19 = arith.constant 80 : i32
    %barrier3A_20 = arith.constant 0 : index
    tpu.barrier barrier_id(%barrier3A_20)
    %mul3A_21 = arith.constant 640 : i32
    %mul3A_22 = arith.muli %arg1, %mul3A_21 : i32
    %mul3A_23 = arith.constant 640 : i32
    %mul3A_24 = arith.muli %arg1, %mul3A_23 : i32
    "tpu.region"() ({
      %run_scoped3A = tpu.sem_alloc : memref<!tpu.dma_semaphore, #tpu.memory_space<semaphore_mem>>
      %dma_start3A = tpu.memref_slice %arg3[%arg0, %mul3A_24] : memref<2x10240xf32, #tpu.memory_space<hbm>> -> memref<1x640xf32, #tpu.memory_space<hbm>>
      %dma_start3A_25 = tpu.memref_squeeze %dma_start3A : memref<1x640xf32, #tpu.memory_space<hbm>> -> memref<640xf32, #tpu.memory_space<hbm>>
      %dma_start3A_26 = tpu.memref_slice %arg6[%mul3A_22] : memref<10240xf32, #tpu.memory_space<vmem_shared>> -> memref<640xf32, #tpu.memory_space<vmem_shared>>
      tpu.enqueue_dma source(%dma_start3A_26 : memref<640xf32, #tpu.memory_space<vmem_shared>>) target(%dma_start3A_25 : memref<640xf32, #tpu.memory_space<hbm>>) target_semaphore(%run_scoped3A : memref<!tpu.dma_semaphore, #tpu.memory_space<semaphore_mem>>)
      %dma_wait3A = tpu.memref_slice %arg3[%arg0, %mul3A_24] : memref<2x10240xf32, #tpu.memory_space<hbm>> -> memref<1x640xf32, #tpu.memory_space<hbm>>
      %dma_wait3A_27 = tpu.memref_squeeze %dma_wait3A : memref<1x640xf32, #tpu.memory_space<hbm>> -> memref<640xf32, #tpu.memory_space<hbm>>
      %dma_wait3A_28 = tpu.memref_slice %arg6[%mul3A_22] : memref<10240xf32, #tpu.memory_space<vmem_shared>> -> memref<640xf32, #tpu.memory_space<vmem_shared>>
      tpu.wait_dma2 semaphore(%run_scoped3A : memref<!tpu.dma_semaphore, #tpu.memory_space<semaphore_mem>>) src(%dma_wait3A_28 : memref<640xf32, #tpu.memory_space<vmem_shared>>) dst(%dma_wait3A_27 : memref<640xf32, #tpu.memory_space<hbm>>)
      tpu.yield
    }) : () -> ()
    return
  }
}

#map = affine_map<(d0, d1) -> (0, 0)>
#map1 = affine_map<(d0, d1) -> (0, 0, 0)>
module attributes {stable_mosaic.version = 14 : i64} {
  func.func @k(%arg0: i32, %arg1: i32, %arg2: memref<10240x128xf32, #tpu.memory_space<hbm>>, %arg3: memref<32x10240xi32, #tpu.memory_space<hbm>>, %arg4: memref<32x10240xi32, #tpu.memory_space<hbm>>, %arg5: memref<2x10240x128xf32, #tpu.memory_space<hbm>>, %arg6: memref<2x128xi32, #tpu.memory_space<vmem>>, %arg7: memref<2x128xi32, #tpu.memory_space<vmem>>, %arg8: memref<2x128x128xf32, #tpu.memory_space<vmem>>, %arg9: memref<10240x128xf32, #tpu.memory_space<vmem_shared>>, %arg10: memref<!tpu.dma_semaphore, #tpu.memory_space<semaphore_mem>>, %arg11: memref<!tpu.dma_semaphore, #tpu.memory_space<semaphore_mem>>, %arg12: memref<!tpu.dma_semaphore, #tpu.memory_space<semaphore_mem>>, %arg13: memref<!tpu.dma_semaphore, #tpu.memory_space<semaphore_mem>>, %arg14: memref<!tpu.dma_semaphore, #tpu.memory_space<semaphore_mem>>, %arg15: memref<!tpu.dma_semaphore, #tpu.memory_space<semaphore_mem>>, %arg16: memref<!tpu.dma_semaphore, #tpu.memory_space<semaphore_mem>>, %arg17: memref<!tpu.dma_semaphore, #tpu.memory_space<semaphore_mem>>) attributes {dimension_semantics = [#tpu.dimension_semantics<core_parallel>, #tpu.dimension_semantics<subcore_parallel>], iteration_bounds = array<i64: 2, 16>, scalar_prefetch = 0 : i64, scratch_operands = 12 : i64, tpu.core_type = #tpu.core_type<sc_vector_subcore>, window_params = [{transform_indices = #map}, {transform_indices = #map}, {transform_indices = #map}, {transform_indices = #map1}]} {
    %mul3A = arith.constant 2 : i32
    %mul3A_0 = arith.muli %arg1, %mul3A : i32
    %add3A = arith.addi %mul3A_0, %arg0 : i32
    %mul3A_1 = arith.constant 640 : i32
    %mul3A_2 = arith.muli %arg1, %mul3A_1 : i32
    %mul3A_3 = arith.constant 640 : i32
    %mul3A_4 = arith.muli %arg1, %mul3A_3 : i32
    "tpu.region"() ({
      %run_scoped3A = tpu.sem_alloc : memref<!tpu.dma_semaphore, #tpu.memory_space<semaphore_mem>>
      %dma_start3A = arith.constant 0 : i32
      %dma_start3A_44 = tpu.memref_slice %arg9[%mul3A_4, %dma_start3A] : memref<10240x128xf32, #tpu.memory_space<vmem_shared>> -> memref<640x128xf32, #tpu.memory_space<vmem_shared>>
      %dma_start3A_45 = arith.constant 0 : i32
      %dma_start3A_46 = tpu.memref_slice %arg2[%mul3A_2, %dma_start3A_45] : memref<10240x128xf32, #tpu.memory_space<hbm>> -> memref<640x128xf32, #tpu.memory_space<hbm>>
      tpu.enqueue_dma source(%dma_start3A_46 : memref<640x128xf32, #tpu.memory_space<hbm>>) target(%dma_start3A_44 : memref<640x128xf32, #tpu.memory_space<vmem_shared>>) target_semaphore(%run_scoped3A : memref<!tpu.dma_semaphore, #tpu.memory_space<semaphore_mem>>)
      %dma_wait3A_47 = arith.constant 0 : i32
      %dma_wait3A_48 = tpu.memref_slice %arg9[%mul3A_4, %dma_wait3A_47] : memref<10240x128xf32, #tpu.memory_space<vmem_shared>> -> memref<640x128xf32, #tpu.memory_space<vmem_shared>>
      %dma_wait3A_49 = arith.constant 0 : i32
      %dma_wait3A_50 = tpu.memref_slice %arg2[%mul3A_2, %dma_wait3A_49] : memref<10240x128xf32, #tpu.memory_space<hbm>> -> memref<640x128xf32, #tpu.memory_space<hbm>>
      tpu.wait_dma2 semaphore(%run_scoped3A : memref<!tpu.dma_semaphore, #tpu.memory_space<semaphore_mem>>) src(%dma_wait3A_50 : memref<640x128xf32, #tpu.memory_space<hbm>>) dst(%dma_wait3A_48 : memref<640x128xf32, #tpu.memory_space<vmem_shared>>)
      tpu.yield
    }) : () -> ()
    %barrier3A = arith.constant 0 : index
    tpu.barrier barrier_id(%barrier3A)
    %scan3A = arith.constant 0 : i32
    %scan3A_5 = arith.constant 0 : i32
    %scan3A_6 = arith.constant 40 : i32
    %scan3A_7 = arith.addi %scan3A_5, %scan3A_6 : i32
    %scan3A_8 = arith.constant 1 : i32
    scf.for %scan3A_44 = %scan3A_5 to %scan3A_7 step %scan3A_8  : i32 {
      %gt3A = arith.constant 0 : i32
      %gt3A_45 = arith.cmpi sgt, %scan3A_44, %gt3A : i32
      %convert_element_type3A = arith.extui %gt3A_45 : i1 to i32
      %cond3A = arith.constant 0 : i32
      %cond3A_46 = arith.cmpi ne, %convert_element_type3A, %cond3A : i32
      scf.if %cond3A_46 {
        %dma_wait3A_227 = arith.constant 0 : i32
        %dma_wait3A_228 = arith.constant 0 : i32
        %dma_wait3A_229 = arith.constant 0 : i32
        %dma_wait3A_230 = tpu.memref_slice %arg8[%dma_wait3A_227, %dma_wait3A_228, %dma_wait3A_229] : memref<2x128x128xf32, #tpu.memory_space<vmem>> -> memref<1x128x128xf32, #tpu.memory_space<vmem>>
        %dma_wait3A_231 = tpu.memref_squeeze %dma_wait3A_230 : memref<1x128x128xf32, #tpu.memory_space<vmem>> -> memref<128x128xf32, #tpu.memory_space<vmem>>
        %dma_wait3A_232 = arith.constant 0 : i32
        %dma_wait3A_233 = arith.constant 0 : i32
        %dma_wait3A_234 = tpu.memref_slice %arg2[%dma_wait3A_232, %dma_wait3A_233] : memref<10240x128xf32, #tpu.memory_space<hbm>> -> memref<128x128xf32, #tpu.memory_space<hbm>>
        %dma_wait3A_235 = arith.constant 0 : i32
        %dma_wait3A_236 = arith.constant 0 : i32
        %dma_wait3A_237 = tpu.memref_slice %arg8[%dma_wait3A_227, %dma_wait3A_235, %dma_wait3A_236] : memref<2x128x128xf32, #tpu.memory_space<vmem>> -> memref<1x128x128xf32, #tpu.memory_space<vmem>>
        %dma_wait3A_238 = tpu.memref_squeeze %dma_wait3A_237 : memref<1x128x128xf32, #tpu.memory_space<vmem>> -> memref<128x128xf32, #tpu.memory_space<vmem>>
        %dma_wait3A_239 = arith.constant 0 : i32
        %dma_wait3A_240 = arith.constant 0 : i32
        %dma_wait3A_241 = tpu.memref_slice %arg2[%dma_wait3A_239, %dma_wait3A_240] : memref<10240x128xf32, #tpu.memory_space<hbm>> -> memref<128x128xf32, #tpu.memory_space<hbm>>
        tpu.wait_dma2 semaphore(%arg16 : memref<!tpu.dma_semaphore, #tpu.memory_space<semaphore_mem>>) src(%dma_wait3A_241 : memref<128x128xf32, #tpu.memory_space<hbm>>) dst(%dma_wait3A_238 : memref<128x128xf32, #tpu.memory_space<vmem>>)
      } else {
      }
      %mul3A_47 = arith.constant 2 : i32
      %mul3A_48 = arith.muli %scan3A_44, %mul3A_47 : i32
      %add3A_49 = arith.constant 0 : i32
      %add3A_50 = arith.addi %mul3A_48, %add3A_49 : i32
      %mul3A_51 = arith.constant 128 : i32
      %mul3A_52 = arith.muli %add3A_50, %mul3A_51 : i32
      %dma_start3A = arith.constant 0 : i32
      %dma_start3A_53 = arith.constant 0 : i32
      %dma_start3A_54 = tpu.memref_slice %arg6[%dma_start3A, %dma_start3A_53] : memref<2x128xi32, #tpu.memory_space<vmem>> -> memref<1x128xi32, #tpu.memory_space<vmem>>
      %dma_start3A_55 = tpu.memref_squeeze %dma_start3A_54 : memref<1x128xi32, #tpu.memory_space<vmem>> -> memref<128xi32, #tpu.memory_space<vmem>>
      %dma_start3A_56 = tpu.memref_slice %arg3[%add3A, %mul3A_52] : memref<32x10240xi32, #tpu.memory_space<hbm>> -> memref<1x128xi32, #tpu.memory_space<hbm>>
      %dma_start3A_57 = tpu.memref_squeeze %dma_start3A_56 : memref<1x128xi32, #tpu.memory_space<hbm>> -> memref<128xi32, #tpu.memory_space<hbm>>
      %dma_start3A_58 = arith.constant 0 : i32
      %dma_start3A_59 = tpu.memref_slice %arg6[%dma_start3A, %dma_start3A_58] : memref<2x128xi32, #tpu.memory_space<vmem>> -> memref<1x128xi32, #tpu.memory_space<vmem>>
      %dma_start3A_60 = tpu.memref_squeeze %dma_start3A_59 : memref<1x128xi32, #tpu.memory_space<vmem>> -> memref<128xi32, #tpu.memory_space<vmem>>
      %dma_start3A_61 = tpu.memref_slice %arg3[%add3A, %mul3A_52] : memref<32x10240xi32, #tpu.memory_space<hbm>> -> memref<1x128xi32, #tpu.memory_space<hbm>>
      %dma_start3A_62 = tpu.memref_squeeze %dma_start3A_61 : memref<1x128xi32, #tpu.memory_space<hbm>> -> memref<128xi32, #tpu.memory_space<hbm>>
      tpu.enqueue_dma source(%dma_start3A_62 : memref<128xi32, #tpu.memory_space<hbm>>) target(%dma_start3A_60 : memref<128xi32, #tpu.memory_space<vmem>>) target_semaphore(%arg10 : memref<!tpu.dma_semaphore, #tpu.memory_space<semaphore_mem>>)
      %mul3A_63 = arith.constant 128 : i32
      %mul3A_64 = arith.muli %add3A_50, %mul3A_63 : i32
      %dma_start3A_65 = arith.constant 0 : i32
      %dma_start3A_66 = arith.constant 0 : i32
      %dma_start3A_67 = tpu.memref_slice %arg7[%dma_start3A_65, %dma_start3A_66] : memref<2x128xi32, #tpu.memory_space<vmem>> -> memref<1x128xi32, #tpu.memory_space<vmem>>
      %dma_start3A_68 = tpu.memref_squeeze %dma_start3A_67 : memref<1x128xi32, #tpu.memory_space<vmem>> -> memref<128xi32, #tpu.memory_space<vmem>>
      %dma_start3A_69 = tpu.memref_slice %arg4[%add3A, %mul3A_64] : memref<32x10240xi32, #tpu.memory_space<hbm>> -> memref<1x128xi32, #tpu.memory_space<hbm>>
      %dma_start3A_70 = tpu.memref_squeeze %dma_start3A_69 : memref<1x128xi32, #tpu.memory_space<hbm>> -> memref<128xi32, #tpu.memory_space<hbm>>
      %dma_start3A_71 = arith.constant 0 : i32
      %dma_start3A_72 = tpu.memref_slice %arg7[%dma_start3A_65, %dma_start3A_71] : memref<2x128xi32, #tpu.memory_space<vmem>> -> memref<1x128xi32, #tpu.memory_space<vmem>>
      %dma_start3A_73 = tpu.memref_squeeze %dma_start3A_72 : memref<1x128xi32, #tpu.memory_space<vmem>> -> memref<128xi32, #tpu.memory_space<vmem>>
      %dma_start3A_74 = tpu.memref_slice %arg4[%add3A, %mul3A_64] : memref<32x10240xi32, #tpu.memory_space<hbm>> -> memref<1x128xi32, #tpu.memory_space<hbm>>
      %dma_start3A_75 = tpu.memref_squeeze %dma_start3A_74 : memref<1x128xi32, #tpu.memory_space<hbm>> -> memref<128xi32, #tpu.memory_space<hbm>>
      tpu.enqueue_dma source(%dma_start3A_75 : memref<128xi32, #tpu.memory_space<hbm>>) target(%dma_start3A_73 : memref<128xi32, #tpu.memory_space<vmem>>) target_semaphore(%arg12 : memref<!tpu.dma_semaphore, #tpu.memory_space<semaphore_mem>>)
      %gt3A_76 = arith.constant 0 : i32
      %gt3A_77 = arith.cmpi sgt, %scan3A_44, %gt3A_76 : i32
      %convert_element_type3A_78 = arith.extui %gt3A_77 : i1 to i32
      %cond3A_79 = arith.constant 0 : i32
      %cond3A_80 = arith.cmpi ne, %convert_element_type3A_78, %cond3A_79 : i32
      scf.if %cond3A_80 {
        %dma_wait3A_227 = arith.constant 1 : i32
        %dma_wait3A_228 = arith.constant 0 : i32
        %dma_wait3A_229 = arith.constant 0 : i32
        %dma_wait3A_230 = tpu.memref_slice %arg8[%dma_wait3A_227, %dma_wait3A_228, %dma_wait3A_229] : memref<2x128x128xf32, #tpu.memory_space<vmem>> -> memref<1x128x128xf32, #tpu.memory_space<vmem>>
        %dma_wait3A_231 = tpu.memref_squeeze %dma_wait3A_230 : memref<1x128x128xf32, #tpu.memory_space<vmem>> -> memref<128x128xf32, #tpu.memory_space<vmem>>
        %dma_wait3A_232 = arith.constant 0 : i32
        %dma_wait3A_233 = arith.constant 0 : i32
        %dma_wait3A_234 = tpu.memref_slice %arg2[%dma_wait3A_232, %dma_wait3A_233] : memref<10240x128xf32, #tpu.memory_space<hbm>> -> memref<128x128xf32, #tpu.memory_space<hbm>>
        %dma_wait3A_235 = arith.constant 0 : i32
        %dma_wait3A_236 = arith.constant 0 : i32
        %dma_wait3A_237 = tpu.memref_slice %arg8[%dma_wait3A_227, %dma_wait3A_235, %dma_wait3A_236] : memref<2x128x128xf32, #tpu.memory_space<vmem>> -> memref<1x128x128xf32, #tpu.memory_space<vmem>>
        %dma_wait3A_238 = tpu.memref_squeeze %dma_wait3A_237 : memref<1x128x128xf32, #tpu.memory_space<vmem>> -> memref<128x128xf32, #tpu.memory_space<vmem>>
        %dma_wait3A_239 = arith.constant 0 : i32
        %dma_wait3A_240 = arith.constant 0 : i32
        %dma_wait3A_241 = tpu.memref_slice %arg2[%dma_wait3A_239, %dma_wait3A_240] : memref<10240x128xf32, #tpu.memory_space<hbm>> -> memref<128x128xf32, #tpu.memory_space<hbm>>
        tpu.wait_dma2 semaphore(%arg17 : memref<!tpu.dma_semaphore, #tpu.memory_space<semaphore_mem>>) src(%dma_wait3A_241 : memref<128x128xf32, #tpu.memory_space<hbm>>) dst(%dma_wait3A_238 : memref<128x128xf32, #tpu.memory_space<vmem>>)
      } else {
      }
      %mul3A_81 = arith.constant 2 : i32
      %mul3A_82 = arith.muli %scan3A_44, %mul3A_81 : i32
      %add3A_83 = arith.constant 1 : i32
      %add3A_84 = arith.addi %mul3A_82, %add3A_83 : i32
      %mul3A_85 = arith.constant 128 : i32
      %mul3A_86 = arith.muli %add3A_84, %mul3A_85 : i32
      %dma_start3A_87 = arith.constant 1 : i32
      %dma_start3A_88 = arith.constant 0 : i32
      %dma_start3A_89 = tpu.memref_slice %arg6[%dma_start3A_87, %dma_start3A_88] : memref<2x128xi32, #tpu.memory_space<vmem>> -> memref<1x128xi32, #tpu.memory_space<vmem>>
      %dma_start3A_90 = tpu.memref_squeeze %dma_start3A_89 : memref<1x128xi32, #tpu.memory_space<vmem>> -> memref<128xi32, #tpu.memory_space<vmem>>
      %dma_start3A_91 = tpu.memref_slice %arg3[%add3A, %mul3A_86] : memref<32x10240xi32, #tpu.memory_space<hbm>> -> memref<1x128xi32, #tpu.memory_space<hbm>>
      %dma_start3A_92 = tpu.memref_squeeze %dma_start3A_91 : memref<1x128xi32, #tpu.memory_space<hbm>> -> memref<128xi32, #tpu.memory_space<hbm>>
      %dma_start3A_93 = arith.constant 0 : i32
      %dma_start3A_94 = tpu.memref_slice %arg6[%dma_start3A_87, %dma_start3A_93] : memref<2x128xi32, #tpu.memory_space<vmem>> -> memref<1x128xi32, #tpu.memory_space<vmem>>
      %dma_start3A_95 = tpu.memref_squeeze %dma_start3A_94 : memref<1x128xi32, #tpu.memory_space<vmem>> -> memref<128xi32, #tpu.memory_space<vmem>>
      %dma_start3A_96 = tpu.memref_slice %arg3[%add3A, %mul3A_86] : memref<32x10240xi32, #tpu.memory_space<hbm>> -> memref<1x128xi32, #tpu.memory_space<hbm>>
      %dma_start3A_97 = tpu.memref_squeeze %dma_start3A_96 : memref<1x128xi32, #tpu.memory_space<hbm>> -> memref<128xi32, #tpu.memory_space<hbm>>
      tpu.enqueue_dma source(%dma_start3A_97 : memref<128xi32, #tpu.memory_space<hbm>>) target(%dma_start3A_95 : memref<128xi32, #tpu.memory_space<vmem>>) target_semaphore(%arg11 : memref<!tpu.dma_semaphore, #tpu.memory_space<semaphore_mem>>)
      %mul3A_98 = arith.constant 128 : i32
      %mul3A_99 = arith.muli %add3A_84, %mul3A_98 : i32
      %dma_start3A_100 = arith.constant 1 : i32
      %dma_start3A_101 = arith.constant 0 : i32
      %dma_start3A_102 = tpu.memref_slice %arg7[%dma_start3A_100, %dma_start3A_101] : memref<2x128xi32, #tpu.memory_space<vmem>> -> memref<1x128xi32, #tpu.memory_space<vmem>>
      %dma_start3A_103 = tpu.memref_squeeze %dma_start3A_102 : memref<1x128xi32, #tpu.memory_space<vmem>> -> memref<128xi32, #tpu.memory_space<vmem>>
      %dma_start3A_104 = tpu.memref_slice %arg4[%add3A, %mul3A_99] : memref<32x10240xi32, #tpu.memory_space<hbm>> -> memref<1x128xi32, #tpu.memory_space<hbm>>
      %dma_start3A_105 = tpu.memref_squeeze %dma_start3A_104 : memref<1x128xi32, #tpu.memory_space<hbm>> -> memref<128xi32, #tpu.memory_space<hbm>>
      %dma_start3A_106 = arith.constant 0 : i32
      %dma_start3A_107 = tpu.memref_slice %arg7[%dma_start3A_100, %dma_start3A_106] : memref<2x128xi32, #tpu.memory_space<vmem>> -> memref<1x128xi32, #tpu.memory_space<vmem>>
      %dma_start3A_108 = tpu.memref_squeeze %dma_start3A_107 : memref<1x128xi32, #tpu.memory_space<vmem>> -> memref<128xi32, #tpu.memory_space<vmem>>
      %dma_start3A_109 = tpu.memref_slice %arg4[%add3A, %mul3A_99] : memref<32x10240xi32, #tpu.memory_space<hbm>> -> memref<1x128xi32, #tpu.memory_space<hbm>>
      %dma_start3A_110 = tpu.memref_squeeze %dma_start3A_109 : memref<1x128xi32, #tpu.memory_space<hbm>> -> memref<128xi32, #tpu.memory_space<hbm>>
      tpu.enqueue_dma source(%dma_start3A_110 : memref<128xi32, #tpu.memory_space<hbm>>) target(%dma_start3A_108 : memref<128xi32, #tpu.memory_space<vmem>>) target_semaphore(%arg13 : memref<!tpu.dma_semaphore, #tpu.memory_space<semaphore_mem>>)
      %dma_wait3A_111 = arith.constant 0 : i32
      %dma_wait3A_112 = arith.constant 0 : i32
      %dma_wait3A_113 = tpu.memref_slice %arg6[%dma_wait3A_111, %dma_wait3A_112] : memref<2x128xi32, #tpu.memory_space<vmem>> -> memref<1x128xi32, #tpu.memory_space<vmem>>
      %dma_wait3A_114 = tpu.memref_squeeze %dma_wait3A_113 : memref<1x128xi32, #tpu.memory_space<vmem>> -> memref<128xi32, #tpu.memory_space<vmem>>
      %dma_wait3A_115 = tpu.memref_slice %arg3[%add3A, %mul3A_52] : memref<32x10240xi32, #tpu.memory_space<hbm>> -> memref<1x128xi32, #tpu.memory_space<hbm>>
      %dma_wait3A_116 = tpu.memref_squeeze %dma_wait3A_115 : memref<1x128xi32, #tpu.memory_space<hbm>> -> memref<128xi32, #tpu.memory_space<hbm>>
      %dma_wait3A_117 = arith.constant 0 : i32
      %dma_wait3A_118 = tpu.memref_slice %arg6[%dma_wait3A_111, %dma_wait3A_117] : memref<2x128xi32, #tpu.memory_space<vmem>> -> memref<1x128xi32, #tpu.memory_space<vmem>>
      %dma_wait3A_119 = tpu.memref_squeeze %dma_wait3A_118 : memref<1x128xi32, #tpu.memory_space<vmem>> -> memref<128xi32, #tpu.memory_space<vmem>>
      %dma_wait3A_120 = tpu.memref_slice %arg3[%add3A, %mul3A_52] : memref<32x10240xi32, #tpu.memory_space<hbm>> -> memref<1x128xi32, #tpu.memory_space<hbm>>
      %dma_wait3A_121 = tpu.memref_squeeze %dma_wait3A_120 : memref<1x128xi32, #tpu.memory_space<hbm>> -> memref<128xi32, #tpu.memory_space<hbm>>
      tpu.wait_dma2 semaphore(%arg10 : memref<!tpu.dma_semaphore, #tpu.memory_space<semaphore_mem>>) src(%dma_wait3A_121 : memref<128xi32, #tpu.memory_space<hbm>>) dst(%dma_wait3A_119 : memref<128xi32, #tpu.memory_space<vmem>>)
      %dma_start3A_122 = arith.constant 0 : i32
      %dma_start3A_123 = arith.constant 0 : i32
      %dma_start3A_124 = arith.constant 0 : i32
      %dma_start3A_125 = arith.constant 0 : i32
      %dma_start3A_126 = tpu.memref_slice %arg8[%dma_start3A_123, %dma_start3A_124, %dma_start3A_125] : memref<2x128x128xf32, #tpu.memory_space<vmem>> -> memref<1x128x128xf32, #tpu.memory_space<vmem>>
      %dma_start3A_127 = tpu.memref_squeeze %dma_start3A_126 : memref<1x128x128xf32, #tpu.memory_space<vmem>> -> memref<128x128xf32, #tpu.memory_space<vmem>>
      %dma_start3A_128 = arith.constant 0 : i32
      %dma_start3A_129 = tpu.memref_slice %arg6[%dma_start3A_122, %dma_start3A_128] : memref<2x128xi32, #tpu.memory_space<vmem>> -> memref<1x128xi32, #tpu.memory_space<vmem>>
      %dma_start3A_130 = tpu.memref_squeeze %dma_start3A_129 : memref<1x128xi32, #tpu.memory_space<vmem>> -> memref<128xi32, #tpu.memory_space<vmem>>
      %dma_start3A_131 = arith.constant 0 : i32
      %dma_start3A_132 = arith.constant 0 : i32
      %dma_start3A_133 = tpu.memref_slice %arg2[%dma_start3A_131, %dma_start3A_132] : memref<10240x128xf32, #tpu.memory_space<hbm>> -> memref<10240x128xf32, #tpu.memory_space<hbm>>
      tpu.enqueue_indirect_dma source(%dma_start3A_133 : memref<10240x128xf32, #tpu.memory_space<hbm>>) target(%dma_start3A_127 : memref<128x128xf32, #tpu.memory_space<vmem>>) offsets(%dma_start3A_130 : memref<128xi32, #tpu.memory_space<vmem>>) semaphore(%arg14 : memref<!tpu.dma_semaphore, #tpu.memory_space<semaphore_mem>>)
      %dma_wait3A_134 = arith.constant 1 : i32
      %dma_wait3A_135 = arith.constant 0 : i32
      %dma_wait3A_136 = tpu.memref_slice %arg6[%dma_wait3A_134, %dma_wait3A_135] : memref<2x128xi32, #tpu.memory_space<vmem>> -> memref<1x128xi32, #tpu.memory_space<vmem>>
      %dma_wait3A_137 = tpu.memref_squeeze %dma_wait3A_136 : memref<1x128xi32, #tpu.memory_space<vmem>> -> memref<128xi32, #tpu.memory_space<vmem>>
      %dma_wait3A_138 = tpu.memref_slice %arg3[%add3A, %mul3A_86] : memref<32x10240xi32, #tpu.memory_space<hbm>> -> memref<1x128xi32, #tpu.memory_space<hbm>>
      %dma_wait3A_139 = tpu.memref_squeeze %dma_wait3A_138 : memref<1x128xi32, #tpu.memory_space<hbm>> -> memref<128xi32, #tpu.memory_space<hbm>>
      %dma_wait3A_140 = arith.constant 0 : i32
      %dma_wait3A_141 = tpu.memref_slice %arg6[%dma_wait3A_134, %dma_wait3A_140] : memref<2x128xi32, #tpu.memory_space<vmem>> -> memref<1x128xi32, #tpu.memory_space<vmem>>
      %dma_wait3A_142 = tpu.memref_squeeze %dma_wait3A_141 : memref<1x128xi32, #tpu.memory_space<vmem>> -> memref<128xi32, #tpu.memory_space<vmem>>
      %dma_wait3A_143 = tpu.memref_slice %arg3[%add3A, %mul3A_86] : memref<32x10240xi32, #tpu.memory_space<hbm>> -> memref<1x128xi32, #tpu.memory_space<hbm>>
      %dma_wait3A_144 = tpu.memref_squeeze %dma_wait3A_143 : memref<1x128xi32, #tpu.memory_space<hbm>> -> memref<128xi32, #tpu.memory_space<hbm>>
      tpu.wait_dma2 semaphore(%arg11 : memref<!tpu.dma_semaphore, #tpu.memory_space<semaphore_mem>>) src(%dma_wait3A_144 : memref<128xi32, #tpu.memory_space<hbm>>) dst(%dma_wait3A_142 : memref<128xi32, #tpu.memory_space<vmem>>)
      %dma_start3A_145 = arith.constant 1 : i32
      %dma_start3A_146 = arith.constant 1 : i32
      %dma_start3A_147 = arith.constant 0 : i32
      %dma_start3A_148 = arith.constant 0 : i32
      %dma_start3A_149 = tpu.memref_slice %arg8[%dma_start3A_146, %dma_start3A_147, %dma_start3A_148] : memref<2x128x128xf32, #tpu.memory_space<vmem>> -> memref<1x128x128xf32, #tpu.memory_space<vmem>>
      %dma_start3A_150 = tpu.memref_squeeze %dma_start3A_149 : memref<1x128x128xf32, #tpu.memory_space<vmem>> -> memref<128x128xf32, #tpu.memory_space<vmem>>
      %dma_start3A_151 = arith.constant 0 : i32
      %dma_start3A_152 = tpu.memref_slice %arg6[%dma_start3A_145, %dma_start3A_151] : memref<2x128xi32, #tpu.memory_space<vmem>> -> memref<1x128xi32, #tpu.memory_space<vmem>>
      %dma_start3A_153 = tpu.memref_squeeze %dma_start3A_152 : memref<1x128xi32, #tpu.memory_space<vmem>> -> memref<128xi32, #tpu.memory_space<vmem>>
      %dma_start3A_154 = arith.constant 0 : i32
      %dma_start3A_155 = arith.constant 0 : i32
      %dma_start3A_156 = tpu.memref_slice %arg2[%dma_start3A_154, %dma_start3A_155] : memref<10240x128xf32, #tpu.memory_space<hbm>> -> memref<10240x128xf32, #tpu.memory_space<hbm>>
      tpu.enqueue_indirect_dma source(%dma_start3A_156 : memref<10240x128xf32, #tpu.memory_space<hbm>>) target(%dma_start3A_150 : memref<128x128xf32, #tpu.memory_space<vmem>>) offsets(%dma_start3A_153 : memref<128xi32, #tpu.memory_space<vmem>>) semaphore(%arg15 : memref<!tpu.dma_semaphore, #tpu.memory_space<semaphore_mem>>)
      %dma_wait3A_157 = arith.constant 0 : i32
      %dma_wait3A_158 = arith.constant 0 : i32
      %dma_wait3A_159 = arith.constant 0 : i32
      %dma_wait3A_160 = arith.constant 0 : i32
      %dma_wait3A_161 = tpu.memref_slice %arg8[%dma_wait3A_158, %dma_wait3A_159, %dma_wait3A_160] : memref<2x128x128xf32, #tpu.memory_space<vmem>> -> memref<1x128x128xf32, #tpu.memory_space<vmem>>
      %dma_wait3A_162 = tpu.memref_squeeze %dma_wait3A_161 : memref<1x128x128xf32, #tpu.memory_space<vmem>> -> memref<128x128xf32, #tpu.memory_space<vmem>>
      %dma_wait3A_163 = arith.constant 0 : i32
      %dma_wait3A_164 = tpu.memref_slice %arg6[%dma_wait3A_157, %dma_wait3A_163] : memref<2x128xi32, #tpu.memory_space<vmem>> -> memref<1x128xi32, #tpu.memory_space<vmem>>
      %dma_wait3A_165 = tpu.memref_squeeze %dma_wait3A_164 : memref<1x128xi32, #tpu.memory_space<vmem>> -> memref<128xi32, #tpu.memory_space<vmem>>
      %dma_wait3A_166 = arith.constant 0 : i32
      %dma_wait3A_167 = arith.constant 0 : i32
      %dma_wait3A_168 = tpu.memref_slice %arg2[%dma_wait3A_166, %dma_wait3A_167] : memref<10240x128xf32, #tpu.memory_space<hbm>> -> memref<10240x128xf32, #tpu.memory_space<hbm>>
      tpu.wait_indirect_dma semaphore(%arg14 : memref<!tpu.dma_semaphore, #tpu.memory_space<semaphore_mem>>) src(%dma_wait3A_168 : memref<10240x128xf32, #tpu.memory_space<hbm>>) dst(%dma_wait3A_162 : memref<128x128xf32, #tpu.memory_space<vmem>>)
      %dma_wait3A_169 = arith.constant 0 : i32
      %dma_wait3A_170 = arith.constant 0 : i32
      %dma_wait3A_171 = tpu.memref_slice %arg7[%dma_wait3A_169, %dma_wait3A_170] : memref<2x128xi32, #tpu.memory_space<vmem>> -> memref<1x128xi32, #tpu.memory_space<vmem>>
      %dma_wait3A_172 = tpu.memref_squeeze %dma_wait3A_171 : memref<1x128xi32, #tpu.memory_space<vmem>> -> memref<128xi32, #tpu.memory_space<vmem>>
      %dma_wait3A_173 = tpu.memref_slice %arg4[%add3A, %mul3A_64] : memref<32x10240xi32, #tpu.memory_space<hbm>> -> memref<1x128xi32, #tpu.memory_space<hbm>>
      %dma_wait3A_174 = tpu.memref_squeeze %dma_wait3A_173 : memref<1x128xi32, #tpu.memory_space<hbm>> -> memref<128xi32, #tpu.memory_space<hbm>>
      %dma_wait3A_175 = arith.constant 0 : i32
      %dma_wait3A_176 = tpu.memref_slice %arg7[%dma_wait3A_169, %dma_wait3A_175] : memref<2x128xi32, #tpu.memory_space<vmem>> -> memref<1x128xi32, #tpu.memory_space<vmem>>
      %dma_wait3A_177 = tpu.memref_squeeze %dma_wait3A_176 : memref<1x128xi32, #tpu.memory_space<vmem>> -> memref<128xi32, #tpu.memory_space<vmem>>
      %dma_wait3A_178 = tpu.memref_slice %arg4[%add3A, %mul3A_64] : memref<32x10240xi32, #tpu.memory_space<hbm>> -> memref<1x128xi32, #tpu.memory_space<hbm>>
      %dma_wait3A_179 = tpu.memref_squeeze %dma_wait3A_178 : memref<1x128xi32, #tpu.memory_space<hbm>> -> memref<128xi32, #tpu.memory_space<hbm>>
      tpu.wait_dma2 semaphore(%arg12 : memref<!tpu.dma_semaphore, #tpu.memory_space<semaphore_mem>>) src(%dma_wait3A_179 : memref<128xi32, #tpu.memory_space<hbm>>) dst(%dma_wait3A_177 : memref<128xi32, #tpu.memory_space<vmem>>)
      %dma_start3A_180 = arith.constant 0 : i32
      %dma_start3A_181 = arith.constant 0 : i32
      %dma_start3A_182 = arith.constant 0 : i32
      %dma_start3A_183 = arith.constant 0 : i32
      %dma_start3A_184 = tpu.memref_slice %arg8[%dma_start3A_180, %dma_start3A_182, %dma_start3A_183] : memref<2x128x128xf32, #tpu.memory_space<vmem>> -> memref<1x128x128xf32, #tpu.memory_space<vmem>>
      %dma_start3A_185 = tpu.memref_squeeze %dma_start3A_184 : memref<1x128x128xf32, #tpu.memory_space<vmem>> -> memref<128x128xf32, #tpu.memory_space<vmem>>
      %dma_start3A_186 = arith.constant 0 : i32
      %dma_start3A_187 = tpu.memref_slice %arg7[%dma_start3A_181, %dma_start3A_186] : memref<2x128xi32, #tpu.memory_space<vmem>> -> memref<1x128xi32, #tpu.memory_space<vmem>>
      %dma_start3A_188 = tpu.memref_squeeze %dma_start3A_187 : memref<1x128xi32, #tpu.memory_space<vmem>> -> memref<128xi32, #tpu.memory_space<vmem>>
      %dma_start3A_189 = arith.constant 0 : i32
      %dma_start3A_190 = arith.constant 0 : i32
      %dma_start3A_191 = tpu.memref_slice %arg9[%dma_start3A_189, %dma_start3A_190] : memref<10240x128xf32, #tpu.memory_space<vmem_shared>> -> memref<10240x128xf32, #tpu.memory_space<vmem_shared>>
      tpu.enqueue_indirect_dma source(%dma_start3A_185 : memref<128x128xf32, #tpu.memory_space<vmem>>) target(%dma_start3A_191 : memref<10240x128xf32, #tpu.memory_space<vmem_shared>>) offsets(%dma_start3A_188 : memref<128xi32, #tpu.memory_space<vmem>>) semaphore(%arg16 : memref<!tpu.dma_semaphore, #tpu.memory_space<semaphore_mem>>) {add = true}
      %dma_wait3A_192 = arith.constant 1 : i32
      %dma_wait3A_193 = arith.constant 1 : i32
      %dma_wait3A_194 = arith.constant 0 : i32
      %dma_wait3A_195 = arith.constant 0 : i32
      %dma_wait3A_196 = tpu.memref_slice %arg8[%dma_wait3A_193, %dma_wait3A_194, %dma_wait3A_195] : memref<2x128x128xf32, #tpu.memory_space<vmem>> -> memref<1x128x128xf32, #tpu.memory_space<vmem>>
      %dma_wait3A_197 = tpu.memref_squeeze %dma_wait3A_196 : memref<1x128x128xf32, #tpu.memory_space<vmem>> -> memref<128x128xf32, #tpu.memory_space<vmem>>
      %dma_wait3A_198 = arith.constant 0 : i32
      %dma_wait3A_199 = tpu.memref_slice %arg6[%dma_wait3A_192, %dma_wait3A_198] : memref<2x128xi32, #tpu.memory_space<vmem>> -> memref<1x128xi32, #tpu.memory_space<vmem>>
      %dma_wait3A_200 = tpu.memref_squeeze %dma_wait3A_199 : memref<1x128xi32, #tpu.memory_space<vmem>> -> memref<128xi32, #tpu.memory_space<vmem>>
      %dma_wait3A_201 = arith.constant 0 : i32
      %dma_wait3A_202 = arith.constant 0 : i32
      %dma_wait3A_203 = tpu.memref_slice %arg2[%dma_wait3A_201, %dma_wait3A_202] : memref<10240x128xf32, #tpu.memory_space<hbm>> -> memref<10240x128xf32, #tpu.memory_space<hbm>>
      tpu.wait_indirect_dma semaphore(%arg15 : memref<!tpu.dma_semaphore, #tpu.memory_space<semaphore_mem>>) src(%dma_wait3A_203 : memref<10240x128xf32, #tpu.memory_space<hbm>>) dst(%dma_wait3A_197 : memref<128x128xf32, #tpu.memory_space<vmem>>)
      %dma_wait3A_204 = arith.constant 1 : i32
      %dma_wait3A_205 = arith.constant 0 : i32
      %dma_wait3A_206 = tpu.memref_slice %arg7[%dma_wait3A_204, %dma_wait3A_205] : memref<2x128xi32, #tpu.memory_space<vmem>> -> memref<1x128xi32, #tpu.memory_space<vmem>>
      %dma_wait3A_207 = tpu.memref_squeeze %dma_wait3A_206 : memref<1x128xi32, #tpu.memory_space<vmem>> -> memref<128xi32, #tpu.memory_space<vmem>>
      %dma_wait3A_208 = tpu.memref_slice %arg4[%add3A, %mul3A_99] : memref<32x10240xi32, #tpu.memory_space<hbm>> -> memref<1x128xi32, #tpu.memory_space<hbm>>
      %dma_wait3A_209 = tpu.memref_squeeze %dma_wait3A_208 : memref<1x128xi32, #tpu.memory_space<hbm>> -> memref<128xi32, #tpu.memory_space<hbm>>
      %dma_wait3A_210 = arith.constant 0 : i32
      %dma_wait3A_211 = tpu.memref_slice %arg7[%dma_wait3A_204, %dma_wait3A_210] : memref<2x128xi32, #tpu.memory_space<vmem>> -> memref<1x128xi32, #tpu.memory_space<vmem>>
      %dma_wait3A_212 = tpu.memref_squeeze %dma_wait3A_211 : memref<1x128xi32, #tpu.memory_space<vmem>> -> memref<128xi32, #tpu.memory_space<vmem>>
      %dma_wait3A_213 = tpu.memref_slice %arg4[%add3A, %mul3A_99] : memref<32x10240xi32, #tpu.memory_space<hbm>> -> memref<1x128xi32, #tpu.memory_space<hbm>>
      %dma_wait3A_214 = tpu.memref_squeeze %dma_wait3A_213 : memref<1x128xi32, #tpu.memory_space<hbm>> -> memref<128xi32, #tpu.memory_space<hbm>>
      tpu.wait_dma2 semaphore(%arg13 : memref<!tpu.dma_semaphore, #tpu.memory_space<semaphore_mem>>) src(%dma_wait3A_214 : memref<128xi32, #tpu.memory_space<hbm>>) dst(%dma_wait3A_212 : memref<128xi32, #tpu.memory_space<vmem>>)
      %dma_start3A_215 = arith.constant 1 : i32
      %dma_start3A_216 = arith.constant 1 : i32
      %dma_start3A_217 = arith.constant 0 : i32
      %dma_start3A_218 = arith.constant 0 : i32
      %dma_start3A_219 = tpu.memref_slice %arg8[%dma_start3A_215, %dma_start3A_217, %dma_start3A_218] : memref<2x128x128xf32, #tpu.memory_space<vmem>> -> memref<1x128x128xf32, #tpu.memory_space<vmem>>
      %dma_start3A_220 = tpu.memref_squeeze %dma_start3A_219 : memref<1x128x128xf32, #tpu.memory_space<vmem>> -> memref<128x128xf32, #tpu.memory_space<vmem>>
      %dma_start3A_221 = arith.constant 0 : i32
      %dma_start3A_222 = tpu.memref_slice %arg7[%dma_start3A_216, %dma_start3A_221] : memref<2x128xi32, #tpu.memory_space<vmem>> -> memref<1x128xi32, #tpu.memory_space<vmem>>
      %dma_start3A_223 = tpu.memref_squeeze %dma_start3A_222 : memref<1x128xi32, #tpu.memory_space<vmem>> -> memref<128xi32, #tpu.memory_space<vmem>>
      %dma_start3A_224 = arith.constant 0 : i32
      %dma_start3A_225 = arith.constant 0 : i32
      %dma_start3A_226 = tpu.memref_slice %arg9[%dma_start3A_224, %dma_start3A_225] : memref<10240x128xf32, #tpu.memory_space<vmem_shared>> -> memref<10240x128xf32, #tpu.memory_space<vmem_shared>>
      tpu.enqueue_indirect_dma source(%dma_start3A_220 : memref<128x128xf32, #tpu.memory_space<vmem>>) target(%dma_start3A_226 : memref<10240x128xf32, #tpu.memory_space<vmem_shared>>) offsets(%dma_start3A_223 : memref<128xi32, #tpu.memory_space<vmem>>) semaphore(%arg17 : memref<!tpu.dma_semaphore, #tpu.memory_space<semaphore_mem>>) {add = true}
    }
    %scan3A_9 = arith.constant 40 : i32
    %dma_wait3A = arith.constant 0 : i32
    %dma_wait3A_10 = arith.constant 0 : i32
    %dma_wait3A_11 = arith.constant 0 : i32
    %dma_wait3A_12 = tpu.memref_slice %arg8[%dma_wait3A, %dma_wait3A_10, %dma_wait3A_11] : memref<2x128x128xf32, #tpu.memory_space<vmem>> -> memref<1x128x128xf32, #tpu.memory_space<vmem>>
    %dma_wait3A_13 = tpu.memref_squeeze %dma_wait3A_12 : memref<1x128x128xf32, #tpu.memory_space<vmem>> -> memref<128x128xf32, #tpu.memory_space<vmem>>
    %dma_wait3A_14 = arith.constant 0 : i32
    %dma_wait3A_15 = arith.constant 0 : i32
    %dma_wait3A_16 = tpu.memref_slice %arg2[%dma_wait3A_14, %dma_wait3A_15] : memref<10240x128xf32, #tpu.memory_space<hbm>> -> memref<128x128xf32, #tpu.memory_space<hbm>>
    %dma_wait3A_17 = arith.constant 0 : i32
    %dma_wait3A_18 = arith.constant 0 : i32
    %dma_wait3A_19 = tpu.memref_slice %arg8[%dma_wait3A, %dma_wait3A_17, %dma_wait3A_18] : memref<2x128x128xf32, #tpu.memory_space<vmem>> -> memref<1x128x128xf32, #tpu.memory_space<vmem>>
    %dma_wait3A_20 = tpu.memref_squeeze %dma_wait3A_19 : memref<1x128x128xf32, #tpu.memory_space<vmem>> -> memref<128x128xf32, #tpu.memory_space<vmem>>
    %dma_wait3A_21 = arith.constant 0 : i32
    %dma_wait3A_22 = arith.constant 0 : i32
    %dma_wait3A_23 = tpu.memref_slice %arg2[%dma_wait3A_21, %dma_wait3A_22] : memref<10240x128xf32, #tpu.memory_space<hbm>> -> memref<128x128xf32, #tpu.memory_space<hbm>>
    tpu.wait_dma2 semaphore(%arg16 : memref<!tpu.dma_semaphore, #tpu.memory_space<semaphore_mem>>) src(%dma_wait3A_23 : memref<128x128xf32, #tpu.memory_space<hbm>>) dst(%dma_wait3A_20 : memref<128x128xf32, #tpu.memory_space<vmem>>)
    %dma_wait3A_24 = arith.constant 1 : i32
    %dma_wait3A_25 = arith.constant 0 : i32
    %dma_wait3A_26 = arith.constant 0 : i32
    %dma_wait3A_27 = tpu.memref_slice %arg8[%dma_wait3A_24, %dma_wait3A_25, %dma_wait3A_26] : memref<2x128x128xf32, #tpu.memory_space<vmem>> -> memref<1x128x128xf32, #tpu.memory_space<vmem>>
    %dma_wait3A_28 = tpu.memref_squeeze %dma_wait3A_27 : memref<1x128x128xf32, #tpu.memory_space<vmem>> -> memref<128x128xf32, #tpu.memory_space<vmem>>
    %dma_wait3A_29 = arith.constant 0 : i32
    %dma_wait3A_30 = arith.constant 0 : i32
    %dma_wait3A_31 = tpu.memref_slice %arg2[%dma_wait3A_29, %dma_wait3A_30] : memref<10240x128xf32, #tpu.memory_space<hbm>> -> memref<128x128xf32, #tpu.memory_space<hbm>>
    %dma_wait3A_32 = arith.constant 0 : i32
    %dma_wait3A_33 = arith.constant 0 : i32
    %dma_wait3A_34 = tpu.memref_slice %arg8[%dma_wait3A_24, %dma_wait3A_32, %dma_wait3A_33] : memref<2x128x128xf32, #tpu.memory_space<vmem>> -> memref<1x128x128xf32, #tpu.memory_space<vmem>>
    %dma_wait3A_35 = tpu.memref_squeeze %dma_wait3A_34 : memref<1x128x128xf32, #tpu.memory_space<vmem>> -> memref<128x128xf32, #tpu.memory_space<vmem>>
    %dma_wait3A_36 = arith.constant 0 : i32
    %dma_wait3A_37 = arith.constant 0 : i32
    %dma_wait3A_38 = tpu.memref_slice %arg2[%dma_wait3A_36, %dma_wait3A_37] : memref<10240x128xf32, #tpu.memory_space<hbm>> -> memref<128x128xf32, #tpu.memory_space<hbm>>
    tpu.wait_dma2 semaphore(%arg17 : memref<!tpu.dma_semaphore, #tpu.memory_space<semaphore_mem>>) src(%dma_wait3A_38 : memref<128x128xf32, #tpu.memory_space<hbm>>) dst(%dma_wait3A_35 : memref<128x128xf32, #tpu.memory_space<vmem>>)
    %barrier3A_39 = arith.constant 0 : index
    tpu.barrier barrier_id(%barrier3A_39)
    %mul3A_40 = arith.constant 640 : i32
    %mul3A_41 = arith.muli %arg1, %mul3A_40 : i32
    %mul3A_42 = arith.constant 640 : i32
    %mul3A_43 = arith.muli %arg1, %mul3A_42 : i32
    "tpu.region"() ({
      %run_scoped3A = tpu.sem_alloc : memref<!tpu.dma_semaphore, #tpu.memory_space<semaphore_mem>>
      %dma_start3A = arith.constant 0 : i32
      %dma_start3A_44 = tpu.memref_slice %arg5[%arg0, %mul3A_43, %dma_start3A] : memref<2x10240x128xf32, #tpu.memory_space<hbm>> -> memref<1x640x128xf32, #tpu.memory_space<hbm>>
      %dma_start3A_45 = tpu.memref_squeeze %dma_start3A_44 : memref<1x640x128xf32, #tpu.memory_space<hbm>> -> memref<640x128xf32, #tpu.memory_space<hbm>>
      %dma_start3A_46 = arith.constant 0 : i32
      %dma_start3A_47 = tpu.memref_slice %arg9[%mul3A_41, %dma_start3A_46] : memref<10240x128xf32, #tpu.memory_space<vmem_shared>> -> memref<640x128xf32, #tpu.memory_space<vmem_shared>>
      tpu.enqueue_dma source(%dma_start3A_47 : memref<640x128xf32, #tpu.memory_space<vmem_shared>>) target(%dma_start3A_45 : memref<640x128xf32, #tpu.memory_space<hbm>>) target_semaphore(%run_scoped3A : memref<!tpu.dma_semaphore, #tpu.memory_space<semaphore_mem>>)
      %dma_wait3A_48 = arith.constant 0 : i32
      %dma_wait3A_49 = tpu.memref_slice %arg5[%arg0, %mul3A_43, %dma_wait3A_48] : memref<2x10240x128xf32, #tpu.memory_space<hbm>> -> memref<1x640x128xf32, #tpu.memory_space<hbm>>
      %dma_wait3A_50 = tpu.memref_squeeze %dma_wait3A_49 : memref<1x640x128xf32, #tpu.memory_space<hbm>> -> memref<640x128xf32, #tpu.memory_space<hbm>>
      %dma_wait3A_51 = arith.constant 0 : i32
      %dma_wait3A_52 = tpu.memref_slice %arg9[%mul3A_41, %dma_wait3A_51] : memref<10240x128xf32, #tpu.memory_space<vmem_shared>> -> memref<640x128xf32, #tpu.memory_space<vmem_shared>>
      tpu.wait_dma2 semaphore(%run_scoped3A : memref<!tpu.dma_semaphore, #tpu.memory_space<semaphore_mem>>) src(%dma_wait3A_52 : memref<640x128xf32, #tpu.memory_space<vmem_shared>>) dst(%dma_wait3A_50 : memref<640x128xf32, #tpu.memory_space<hbm>>)
      tpu.yield
    }) : () -> ()
    return
  }
}

#map = affine_map<(d0, d1) -> (0, 0)>
#map1 = affine_map<(d0, d1) -> (0, 0, 0)>
module attributes {stable_mosaic.version = 14 : i64} {
  func.func @k(%arg0: i32, %arg1: i32, %arg2: memref<10240x128xf32, #tpu.memory_space<hbm>>, %arg3: memref<32x10240xi32, #tpu.memory_space<hbm>>, %arg4: memref<32x10240xi32, #tpu.memory_space<hbm>>, %arg5: memref<2x10240x128xf32, #tpu.memory_space<hbm>>, %arg6: memref<2x128xi32, #tpu.memory_space<vmem>>, %arg7: memref<2x128xi32, #tpu.memory_space<vmem>>, %arg8: memref<2x128x128xf32, #tpu.memory_space<vmem>>, %arg9: memref<10240x128xf32, #tpu.memory_space<vmem_shared>>, %arg10: memref<!tpu.dma_semaphore, #tpu.memory_space<semaphore_mem>>, %arg11: memref<!tpu.dma_semaphore, #tpu.memory_space<semaphore_mem>>, %arg12: memref<!tpu.dma_semaphore, #tpu.memory_space<semaphore_mem>>, %arg13: memref<!tpu.dma_semaphore, #tpu.memory_space<semaphore_mem>>, %arg14: memref<!tpu.dma_semaphore, #tpu.memory_space<semaphore_mem>>, %arg15: memref<!tpu.dma_semaphore, #tpu.memory_space<semaphore_mem>>, %arg16: memref<!tpu.dma_semaphore, #tpu.memory_space<semaphore_mem>>, %arg17: memref<!tpu.dma_semaphore, #tpu.memory_space<semaphore_mem>>) attributes {dimension_semantics = [#tpu.dimension_semantics<core_parallel>, #tpu.dimension_semantics<subcore_parallel>], iteration_bounds = array<i64: 2, 16>, scalar_prefetch = 0 : i64, scratch_operands = 12 : i64, tpu.core_type = #tpu.core_type<sc_vector_subcore>, window_params = [{transform_indices = #map}, {transform_indices = #map}, {transform_indices = #map}, {transform_indices = #map1}]} {
    %mul3A = arith.constant 2 : i32
    %mul3A_0 = arith.muli %arg1, %mul3A : i32
    %add3A = arith.addi %mul3A_0, %arg0 : i32
    %mul3A_1 = arith.constant 640 : i32
    %mul3A_2 = arith.muli %arg1, %mul3A_1 : i32
    %mul3A_3 = arith.constant 640 : i32
    %mul3A_4 = arith.muli %arg1, %mul3A_3 : i32
    "tpu.region"() ({
      %run_scoped3A = tpu.sem_alloc : memref<!tpu.dma_semaphore, #tpu.memory_space<semaphore_mem>>
      %dma_start3A = arith.constant 0 : i32
      %dma_start3A_44 = tpu.memref_slice %arg9[%mul3A_4, %dma_start3A] : memref<10240x128xf32, #tpu.memory_space<vmem_shared>> -> memref<640x128xf32, #tpu.memory_space<vmem_shared>>
      %dma_start3A_45 = arith.constant 0 : i32
      %dma_start3A_46 = tpu.memref_slice %arg2[%mul3A_2, %dma_start3A_45] : memref<10240x128xf32, #tpu.memory_space<hbm>> -> memref<640x128xf32, #tpu.memory_space<hbm>>
      tpu.enqueue_dma source(%dma_start3A_46 : memref<640x128xf32, #tpu.memory_space<hbm>>) target(%dma_start3A_44 : memref<640x128xf32, #tpu.memory_space<vmem_shared>>) target_semaphore(%run_scoped3A : memref<!tpu.dma_semaphore, #tpu.memory_space<semaphore_mem>>)
      %dma_wait3A_47 = arith.constant 0 : i32
      %dma_wait3A_48 = tpu.memref_slice %arg9[%mul3A_4, %dma_wait3A_47] : memref<10240x128xf32, #tpu.memory_space<vmem_shared>> -> memref<640x128xf32, #tpu.memory_space<vmem_shared>>
      %dma_wait3A_49 = arith.constant 0 : i32
      %dma_wait3A_50 = tpu.memref_slice %arg2[%mul3A_2, %dma_wait3A_49] : memref<10240x128xf32, #tpu.memory_space<hbm>> -> memref<640x128xf32, #tpu.memory_space<hbm>>
      tpu.wait_dma2 semaphore(%run_scoped3A : memref<!tpu.dma_semaphore, #tpu.memory_space<semaphore_mem>>) src(%dma_wait3A_50 : memref<640x128xf32, #tpu.memory_space<hbm>>) dst(%dma_wait3A_48 : memref<640x128xf32, #tpu.memory_space<vmem_shared>>)
      tpu.yield
    }) : () -> ()
    %barrier3A = arith.constant 0 : index
    tpu.barrier barrier_id(%barrier3A)
    %scan3A = arith.constant 0 : i32
    %scan3A_5 = arith.constant 0 : i32
    %scan3A_6 = arith.constant 40 : i32
    %scan3A_7 = arith.addi %scan3A_5, %scan3A_6 : i32
    %scan3A_8 = arith.constant 1 : i32
    scf.for %scan3A_44 = %scan3A_5 to %scan3A_7 step %scan3A_8  : i32 {
      %gt3A = arith.constant 0 : i32
      %gt3A_45 = arith.cmpi sgt, %scan3A_44, %gt3A : i32
      %convert_element_type3A = arith.extui %gt3A_45 : i1 to i32
      %cond3A = arith.constant 0 : i32
      %cond3A_46 = arith.cmpi ne, %convert_element_type3A, %cond3A : i32
      scf.if %cond3A_46 {
        %dma_wait3A_227 = arith.constant 0 : i32
        %dma_wait3A_228 = arith.constant 0 : i32
        %dma_wait3A_229 = arith.constant 0 : i32
        %dma_wait3A_230 = tpu.memref_slice %arg8[%dma_wait3A_227, %dma_wait3A_228, %dma_wait3A_229] : memref<2x128x128xf32, #tpu.memory_space<vmem>> -> memref<1x128x128xf32, #tpu.memory_space<vmem>>
        %dma_wait3A_231 = tpu.memref_squeeze %dma_wait3A_230 : memref<1x128x128xf32, #tpu.memory_space<vmem>> -> memref<128x128xf32, #tpu.memory_space<vmem>>
        %dma_wait3A_232 = arith.constant 0 : i32
        %dma_wait3A_233 = arith.constant 0 : i32
        %dma_wait3A_234 = tpu.memref_slice %arg2[%dma_wait3A_232, %dma_wait3A_233] : memref<10240x128xf32, #tpu.memory_space<hbm>> -> memref<128x128xf32, #tpu.memory_space<hbm>>
        %dma_wait3A_235 = arith.constant 0 : i32
        %dma_wait3A_236 = arith.constant 0 : i32
        %dma_wait3A_237 = tpu.memref_slice %arg8[%dma_wait3A_227, %dma_wait3A_235, %dma_wait3A_236] : memref<2x128x128xf32, #tpu.memory_space<vmem>> -> memref<1x128x128xf32, #tpu.memory_space<vmem>>
        %dma_wait3A_238 = tpu.memref_squeeze %dma_wait3A_237 : memref<1x128x128xf32, #tpu.memory_space<vmem>> -> memref<128x128xf32, #tpu.memory_space<vmem>>
        %dma_wait3A_239 = arith.constant 0 : i32
        %dma_wait3A_240 = arith.constant 0 : i32
        %dma_wait3A_241 = tpu.memref_slice %arg2[%dma_wait3A_239, %dma_wait3A_240] : memref<10240x128xf32, #tpu.memory_space<hbm>> -> memref<128x128xf32, #tpu.memory_space<hbm>>
        tpu.wait_dma2 semaphore(%arg16 : memref<!tpu.dma_semaphore, #tpu.memory_space<semaphore_mem>>) src(%dma_wait3A_241 : memref<128x128xf32, #tpu.memory_space<hbm>>) dst(%dma_wait3A_238 : memref<128x128xf32, #tpu.memory_space<vmem>>)
      } else {
      }
      %mul3A_47 = arith.constant 2 : i32
      %mul3A_48 = arith.muli %scan3A_44, %mul3A_47 : i32
      %add3A_49 = arith.constant 0 : i32
      %add3A_50 = arith.addi %mul3A_48, %add3A_49 : i32
      %mul3A_51 = arith.constant 128 : i32
      %mul3A_52 = arith.muli %add3A_50, %mul3A_51 : i32
      %dma_start3A = arith.constant 0 : i32
      %dma_start3A_53 = arith.constant 0 : i32
      %dma_start3A_54 = tpu.memref_slice %arg6[%dma_start3A, %dma_start3A_53] : memref<2x128xi32, #tpu.memory_space<vmem>> -> memref<1x128xi32, #tpu.memory_space<vmem>>
      %dma_start3A_55 = tpu.memref_squeeze %dma_start3A_54 : memref<1x128xi32, #tpu.memory_space<vmem>> -> memref<128xi32, #tpu.memory_space<vmem>>
      %dma_start3A_56 = tpu.memref_slice %arg3[%add3A, %mul3A_52] : memref<32x10240xi32, #tpu.memory_space<hbm>> -> memref<1x128xi32, #tpu.memory_space<hbm>>
      %dma_start3A_57 = tpu.memref_squeeze %dma_start3A_56 : memref<1x128xi32, #tpu.memory_space<hbm>> -> memref<128xi32, #tpu.memory_space<hbm>>
      %dma_start3A_58 = arith.constant 0 : i32
      %dma_start3A_59 = tpu.memref_slice %arg6[%dma_start3A, %dma_start3A_58] : memref<2x128xi32, #tpu.memory_space<vmem>> -> memref<1x128xi32, #tpu.memory_space<vmem>>
      %dma_start3A_60 = tpu.memref_squeeze %dma_start3A_59 : memref<1x128xi32, #tpu.memory_space<vmem>> -> memref<128xi32, #tpu.memory_space<vmem>>
      %dma_start3A_61 = tpu.memref_slice %arg3[%add3A, %mul3A_52] : memref<32x10240xi32, #tpu.memory_space<hbm>> -> memref<1x128xi32, #tpu.memory_space<hbm>>
      %dma_start3A_62 = tpu.memref_squeeze %dma_start3A_61 : memref<1x128xi32, #tpu.memory_space<hbm>> -> memref<128xi32, #tpu.memory_space<hbm>>
      tpu.enqueue_dma source(%dma_start3A_62 : memref<128xi32, #tpu.memory_space<hbm>>) target(%dma_start3A_60 : memref<128xi32, #tpu.memory_space<vmem>>) target_semaphore(%arg10 : memref<!tpu.dma_semaphore, #tpu.memory_space<semaphore_mem>>)
      %mul3A_63 = arith.constant 128 : i32
      %mul3A_64 = arith.muli %add3A_50, %mul3A_63 : i32
      %dma_start3A_65 = arith.constant 0 : i32
      %dma_start3A_66 = arith.constant 0 : i32
      %dma_start3A_67 = tpu.memref_slice %arg7[%dma_start3A_65, %dma_start3A_66] : memref<2x128xi32, #tpu.memory_space<vmem>> -> memref<1x128xi32, #tpu.memory_space<vmem>>
      %dma_start3A_68 = tpu.memref_squeeze %dma_start3A_67 : memref<1x128xi32, #tpu.memory_space<vmem>> -> memref<128xi32, #tpu.memory_space<vmem>>
      %dma_start3A_69 = tpu.memref_slice %arg4[%add3A, %mul3A_64] : memref<32x10240xi32, #tpu.memory_space<hbm>> -> memref<1x128xi32, #tpu.memory_space<hbm>>
      %dma_start3A_70 = tpu.memref_squeeze %dma_start3A_69 : memref<1x128xi32, #tpu.memory_space<hbm>> -> memref<128xi32, #tpu.memory_space<hbm>>
      %dma_start3A_71 = arith.constant 0 : i32
      %dma_start3A_72 = tpu.memref_slice %arg7[%dma_start3A_65, %dma_start3A_71] : memref<2x128xi32, #tpu.memory_space<vmem>> -> memref<1x128xi32, #tpu.memory_space<vmem>>
      %dma_start3A_73 = tpu.memref_squeeze %dma_start3A_72 : memref<1x128xi32, #tpu.memory_space<vmem>> -> memref<128xi32, #tpu.memory_space<vmem>>
      %dma_start3A_74 = tpu.memref_slice %arg4[%add3A, %mul3A_64] : memref<32x10240xi32, #tpu.memory_space<hbm>> -> memref<1x128xi32, #tpu.memory_space<hbm>>
      %dma_start3A_75 = tpu.memref_squeeze %dma_start3A_74 : memref<1x128xi32, #tpu.memory_space<hbm>> -> memref<128xi32, #tpu.memory_space<hbm>>
      tpu.enqueue_dma source(%dma_start3A_75 : memref<128xi32, #tpu.memory_space<hbm>>) target(%dma_start3A_73 : memref<128xi32, #tpu.memory_space<vmem>>) target_semaphore(%arg12 : memref<!tpu.dma_semaphore, #tpu.memory_space<semaphore_mem>>)
      %gt3A_76 = arith.constant 0 : i32
      %gt3A_77 = arith.cmpi sgt, %scan3A_44, %gt3A_76 : i32
      %convert_element_type3A_78 = arith.extui %gt3A_77 : i1 to i32
      %cond3A_79 = arith.constant 0 : i32
      %cond3A_80 = arith.cmpi ne, %convert_element_type3A_78, %cond3A_79 : i32
      scf.if %cond3A_80 {
        %dma_wait3A_227 = arith.constant 1 : i32
        %dma_wait3A_228 = arith.constant 0 : i32
        %dma_wait3A_229 = arith.constant 0 : i32
        %dma_wait3A_230 = tpu.memref_slice %arg8[%dma_wait3A_227, %dma_wait3A_228, %dma_wait3A_229] : memref<2x128x128xf32, #tpu.memory_space<vmem>> -> memref<1x128x128xf32, #tpu.memory_space<vmem>>
        %dma_wait3A_231 = tpu.memref_squeeze %dma_wait3A_230 : memref<1x128x128xf32, #tpu.memory_space<vmem>> -> memref<128x128xf32, #tpu.memory_space<vmem>>
        %dma_wait3A_232 = arith.constant 0 : i32
        %dma_wait3A_233 = arith.constant 0 : i32
        %dma_wait3A_234 = tpu.memref_slice %arg2[%dma_wait3A_232, %dma_wait3A_233] : memref<10240x128xf32, #tpu.memory_space<hbm>> -> memref<128x128xf32, #tpu.memory_space<hbm>>
        %dma_wait3A_235 = arith.constant 0 : i32
        %dma_wait3A_236 = arith.constant 0 : i32
        %dma_wait3A_237 = tpu.memref_slice %arg8[%dma_wait3A_227, %dma_wait3A_235, %dma_wait3A_236] : memref<2x128x128xf32, #tpu.memory_space<vmem>> -> memref<1x128x128xf32, #tpu.memory_space<vmem>>
        %dma_wait3A_238 = tpu.memref_squeeze %dma_wait3A_237 : memref<1x128x128xf32, #tpu.memory_space<vmem>> -> memref<128x128xf32, #tpu.memory_space<vmem>>
        %dma_wait3A_239 = arith.constant 0 : i32
        %dma_wait3A_240 = arith.constant 0 : i32
        %dma_wait3A_241 = tpu.memref_slice %arg2[%dma_wait3A_239, %dma_wait3A_240] : memref<10240x128xf32, #tpu.memory_space<hbm>> -> memref<128x128xf32, #tpu.memory_space<hbm>>
        tpu.wait_dma2 semaphore(%arg17 : memref<!tpu.dma_semaphore, #tpu.memory_space<semaphore_mem>>) src(%dma_wait3A_241 : memref<128x128xf32, #tpu.memory_space<hbm>>) dst(%dma_wait3A_238 : memref<128x128xf32, #tpu.memory_space<vmem>>)
      } else {
      }
      %mul3A_81 = arith.constant 2 : i32
      %mul3A_82 = arith.muli %scan3A_44, %mul3A_81 : i32
      %add3A_83 = arith.constant 1 : i32
      %add3A_84 = arith.addi %mul3A_82, %add3A_83 : i32
      %mul3A_85 = arith.constant 128 : i32
      %mul3A_86 = arith.muli %add3A_84, %mul3A_85 : i32
      %dma_start3A_87 = arith.constant 1 : i32
      %dma_start3A_88 = arith.constant 0 : i32
      %dma_start3A_89 = tpu.memref_slice %arg6[%dma_start3A_87, %dma_start3A_88] : memref<2x128xi32, #tpu.memory_space<vmem>> -> memref<1x128xi32, #tpu.memory_space<vmem>>
      %dma_start3A_90 = tpu.memref_squeeze %dma_start3A_89 : memref<1x128xi32, #tpu.memory_space<vmem>> -> memref<128xi32, #tpu.memory_space<vmem>>
      %dma_start3A_91 = tpu.memref_slice %arg3[%add3A, %mul3A_86] : memref<32x10240xi32, #tpu.memory_space<hbm>> -> memref<1x128xi32, #tpu.memory_space<hbm>>
      %dma_start3A_92 = tpu.memref_squeeze %dma_start3A_91 : memref<1x128xi32, #tpu.memory_space<hbm>> -> memref<128xi32, #tpu.memory_space<hbm>>
      %dma_start3A_93 = arith.constant 0 : i32
      %dma_start3A_94 = tpu.memref_slice %arg6[%dma_start3A_87, %dma_start3A_93] : memref<2x128xi32, #tpu.memory_space<vmem>> -> memref<1x128xi32, #tpu.memory_space<vmem>>
      %dma_start3A_95 = tpu.memref_squeeze %dma_start3A_94 : memref<1x128xi32, #tpu.memory_space<vmem>> -> memref<128xi32, #tpu.memory_space<vmem>>
      %dma_start3A_96 = tpu.memref_slice %arg3[%add3A, %mul3A_86] : memref<32x10240xi32, #tpu.memory_space<hbm>> -> memref<1x128xi32, #tpu.memory_space<hbm>>
      %dma_start3A_97 = tpu.memref_squeeze %dma_start3A_96 : memref<1x128xi32, #tpu.memory_space<hbm>> -> memref<128xi32, #tpu.memory_space<hbm>>
      tpu.enqueue_dma source(%dma_start3A_97 : memref<128xi32, #tpu.memory_space<hbm>>) target(%dma_start3A_95 : memref<128xi32, #tpu.memory_space<vmem>>) target_semaphore(%arg11 : memref<!tpu.dma_semaphore, #tpu.memory_space<semaphore_mem>>)
      %mul3A_98 = arith.constant 128 : i32
      %mul3A_99 = arith.muli %add3A_84, %mul3A_98 : i32
      %dma_start3A_100 = arith.constant 1 : i32
      %dma_start3A_101 = arith.constant 0 : i32
      %dma_start3A_102 = tpu.memref_slice %arg7[%dma_start3A_100, %dma_start3A_101] : memref<2x128xi32, #tpu.memory_space<vmem>> -> memref<1x128xi32, #tpu.memory_space<vmem>>
      %dma_start3A_103 = tpu.memref_squeeze %dma_start3A_102 : memref<1x128xi32, #tpu.memory_space<vmem>> -> memref<128xi32, #tpu.memory_space<vmem>>
      %dma_start3A_104 = tpu.memref_slice %arg4[%add3A, %mul3A_99] : memref<32x10240xi32, #tpu.memory_space<hbm>> -> memref<1x128xi32, #tpu.memory_space<hbm>>
      %dma_start3A_105 = tpu.memref_squeeze %dma_start3A_104 : memref<1x128xi32, #tpu.memory_space<hbm>> -> memref<128xi32, #tpu.memory_space<hbm>>
      %dma_start3A_106 = arith.constant 0 : i32
      %dma_start3A_107 = tpu.memref_slice %arg7[%dma_start3A_100, %dma_start3A_106] : memref<2x128xi32, #tpu.memory_space<vmem>> -> memref<1x128xi32, #tpu.memory_space<vmem>>
      %dma_start3A_108 = tpu.memref_squeeze %dma_start3A_107 : memref<1x128xi32, #tpu.memory_space<vmem>> -> memref<128xi32, #tpu.memory_space<vmem>>
      %dma_start3A_109 = tpu.memref_slice %arg4[%add3A, %mul3A_99] : memref<32x10240xi32, #tpu.memory_space<hbm>> -> memref<1x128xi32, #tpu.memory_space<hbm>>
      %dma_start3A_110 = tpu.memref_squeeze %dma_start3A_109 : memref<1x128xi32, #tpu.memory_space<hbm>> -> memref<128xi32, #tpu.memory_space<hbm>>
      tpu.enqueue_dma source(%dma_start3A_110 : memref<128xi32, #tpu.memory_space<hbm>>) target(%dma_start3A_108 : memref<128xi32, #tpu.memory_space<vmem>>) target_semaphore(%arg13 : memref<!tpu.dma_semaphore, #tpu.memory_space<semaphore_mem>>)
      %dma_wait3A_111 = arith.constant 0 : i32
      %dma_wait3A_112 = arith.constant 0 : i32
      %dma_wait3A_113 = tpu.memref_slice %arg6[%dma_wait3A_111, %dma_wait3A_112] : memref<2x128xi32, #tpu.memory_space<vmem>> -> memref<1x128xi32, #tpu.memory_space<vmem>>
      %dma_wait3A_114 = tpu.memref_squeeze %dma_wait3A_113 : memref<1x128xi32, #tpu.memory_space<vmem>> -> memref<128xi32, #tpu.memory_space<vmem>>
      %dma_wait3A_115 = tpu.memref_slice %arg3[%add3A, %mul3A_52] : memref<32x10240xi32, #tpu.memory_space<hbm>> -> memref<1x128xi32, #tpu.memory_space<hbm>>
      %dma_wait3A_116 = tpu.memref_squeeze %dma_wait3A_115 : memref<1x128xi32, #tpu.memory_space<hbm>> -> memref<128xi32, #tpu.memory_space<hbm>>
      %dma_wait3A_117 = arith.constant 0 : i32
      %dma_wait3A_118 = tpu.memref_slice %arg6[%dma_wait3A_111, %dma_wait3A_117] : memref<2x128xi32, #tpu.memory_space<vmem>> -> memref<1x128xi32, #tpu.memory_space<vmem>>
      %dma_wait3A_119 = tpu.memref_squeeze %dma_wait3A_118 : memref<1x128xi32, #tpu.memory_space<vmem>> -> memref<128xi32, #tpu.memory_space<vmem>>
      %dma_wait3A_120 = tpu.memref_slice %arg3[%add3A, %mul3A_52] : memref<32x10240xi32, #tpu.memory_space<hbm>> -> memref<1x128xi32, #tpu.memory_space<hbm>>
      %dma_wait3A_121 = tpu.memref_squeeze %dma_wait3A_120 : memref<1x128xi32, #tpu.memory_space<hbm>> -> memref<128xi32, #tpu.memory_space<hbm>>
      tpu.wait_dma2 semaphore(%arg10 : memref<!tpu.dma_semaphore, #tpu.memory_space<semaphore_mem>>) src(%dma_wait3A_121 : memref<128xi32, #tpu.memory_space<hbm>>) dst(%dma_wait3A_119 : memref<128xi32, #tpu.memory_space<vmem>>)
      %dma_start3A_122 = arith.constant 0 : i32
      %dma_start3A_123 = arith.constant 0 : i32
      %dma_start3A_124 = arith.constant 0 : i32
      %dma_start3A_125 = arith.constant 0 : i32
      %dma_start3A_126 = tpu.memref_slice %arg8[%dma_start3A_123, %dma_start3A_124, %dma_start3A_125] : memref<2x128x128xf32, #tpu.memory_space<vmem>> -> memref<1x128x128xf32, #tpu.memory_space<vmem>>
      %dma_start3A_127 = tpu.memref_squeeze %dma_start3A_126 : memref<1x128x128xf32, #tpu.memory_space<vmem>> -> memref<128x128xf32, #tpu.memory_space<vmem>>
      %dma_start3A_128 = arith.constant 0 : i32
      %dma_start3A_129 = tpu.memref_slice %arg6[%dma_start3A_122, %dma_start3A_128] : memref<2x128xi32, #tpu.memory_space<vmem>> -> memref<1x128xi32, #tpu.memory_space<vmem>>
      %dma_start3A_130 = tpu.memref_squeeze %dma_start3A_129 : memref<1x128xi32, #tpu.memory_space<vmem>> -> memref<128xi32, #tpu.memory_space<vmem>>
      %dma_start3A_131 = arith.constant 0 : i32
      %dma_start3A_132 = arith.constant 0 : i32
      %dma_start3A_133 = tpu.memref_slice %arg2[%dma_start3A_131, %dma_start3A_132] : memref<10240x128xf32, #tpu.memory_space<hbm>> -> memref<10240x128xf32, #tpu.memory_space<hbm>>
      tpu.enqueue_indirect_dma source(%dma_start3A_133 : memref<10240x128xf32, #tpu.memory_space<hbm>>) target(%dma_start3A_127 : memref<128x128xf32, #tpu.memory_space<vmem>>) offsets(%dma_start3A_130 : memref<128xi32, #tpu.memory_space<vmem>>) semaphore(%arg14 : memref<!tpu.dma_semaphore, #tpu.memory_space<semaphore_mem>>)
      %dma_wait3A_134 = arith.constant 1 : i32
      %dma_wait3A_135 = arith.constant 0 : i32
      %dma_wait3A_136 = tpu.memref_slice %arg6[%dma_wait3A_134, %dma_wait3A_135] : memref<2x128xi32, #tpu.memory_space<vmem>> -> memref<1x128xi32, #tpu.memory_space<vmem>>
      %dma_wait3A_137 = tpu.memref_squeeze %dma_wait3A_136 : memref<1x128xi32, #tpu.memory_space<vmem>> -> memref<128xi32, #tpu.memory_space<vmem>>
      %dma_wait3A_138 = tpu.memref_slice %arg3[%add3A, %mul3A_86] : memref<32x10240xi32, #tpu.memory_space<hbm>> -> memref<1x128xi32, #tpu.memory_space<hbm>>
      %dma_wait3A_139 = tpu.memref_squeeze %dma_wait3A_138 : memref<1x128xi32, #tpu.memory_space<hbm>> -> memref<128xi32, #tpu.memory_space<hbm>>
      %dma_wait3A_140 = arith.constant 0 : i32
      %dma_wait3A_141 = tpu.memref_slice %arg6[%dma_wait3A_134, %dma_wait3A_140] : memref<2x128xi32, #tpu.memory_space<vmem>> -> memref<1x128xi32, #tpu.memory_space<vmem>>
      %dma_wait3A_142 = tpu.memref_squeeze %dma_wait3A_141 : memref<1x128xi32, #tpu.memory_space<vmem>> -> memref<128xi32, #tpu.memory_space<vmem>>
      %dma_wait3A_143 = tpu.memref_slice %arg3[%add3A, %mul3A_86] : memref<32x10240xi32, #tpu.memory_space<hbm>> -> memref<1x128xi32, #tpu.memory_space<hbm>>
      %dma_wait3A_144 = tpu.memref_squeeze %dma_wait3A_143 : memref<1x128xi32, #tpu.memory_space<hbm>> -> memref<128xi32, #tpu.memory_space<hbm>>
      tpu.wait_dma2 semaphore(%arg11 : memref<!tpu.dma_semaphore, #tpu.memory_space<semaphore_mem>>) src(%dma_wait3A_144 : memref<128xi32, #tpu.memory_space<hbm>>) dst(%dma_wait3A_142 : memref<128xi32, #tpu.memory_space<vmem>>)
      %dma_start3A_145 = arith.constant 1 : i32
      %dma_start3A_146 = arith.constant 1 : i32
      %dma_start3A_147 = arith.constant 0 : i32
      %dma_start3A_148 = arith.constant 0 : i32
      %dma_start3A_149 = tpu.memref_slice %arg8[%dma_start3A_146, %dma_start3A_147, %dma_start3A_148] : memref<2x128x128xf32, #tpu.memory_space<vmem>> -> memref<1x128x128xf32, #tpu.memory_space<vmem>>
      %dma_start3A_150 = tpu.memref_squeeze %dma_start3A_149 : memref<1x128x128xf32, #tpu.memory_space<vmem>> -> memref<128x128xf32, #tpu.memory_space<vmem>>
      %dma_start3A_151 = arith.constant 0 : i32
      %dma_start3A_152 = tpu.memref_slice %arg6[%dma_start3A_145, %dma_start3A_151] : memref<2x128xi32, #tpu.memory_space<vmem>> -> memref<1x128xi32, #tpu.memory_space<vmem>>
      %dma_start3A_153 = tpu.memref_squeeze %dma_start3A_152 : memref<1x128xi32, #tpu.memory_space<vmem>> -> memref<128xi32, #tpu.memory_space<vmem>>
      %dma_start3A_154 = arith.constant 0 : i32
      %dma_start3A_155 = arith.constant 0 : i32
      %dma_start3A_156 = tpu.memref_slice %arg2[%dma_start3A_154, %dma_start3A_155] : memref<10240x128xf32, #tpu.memory_space<hbm>> -> memref<10240x128xf32, #tpu.memory_space<hbm>>
      tpu.enqueue_indirect_dma source(%dma_start3A_156 : memref<10240x128xf32, #tpu.memory_space<hbm>>) target(%dma_start3A_150 : memref<128x128xf32, #tpu.memory_space<vmem>>) offsets(%dma_start3A_153 : memref<128xi32, #tpu.memory_space<vmem>>) semaphore(%arg15 : memref<!tpu.dma_semaphore, #tpu.memory_space<semaphore_mem>>)
      %dma_wait3A_157 = arith.constant 0 : i32
      %dma_wait3A_158 = arith.constant 0 : i32
      %dma_wait3A_159 = arith.constant 0 : i32
      %dma_wait3A_160 = arith.constant 0 : i32
      %dma_wait3A_161 = tpu.memref_slice %arg8[%dma_wait3A_158, %dma_wait3A_159, %dma_wait3A_160] : memref<2x128x128xf32, #tpu.memory_space<vmem>> -> memref<1x128x128xf32, #tpu.memory_space<vmem>>
      %dma_wait3A_162 = tpu.memref_squeeze %dma_wait3A_161 : memref<1x128x128xf32, #tpu.memory_space<vmem>> -> memref<128x128xf32, #tpu.memory_space<vmem>>
      %dma_wait3A_163 = arith.constant 0 : i32
      %dma_wait3A_164 = tpu.memref_slice %arg6[%dma_wait3A_157, %dma_wait3A_163] : memref<2x128xi32, #tpu.memory_space<vmem>> -> memref<1x128xi32, #tpu.memory_space<vmem>>
      %dma_wait3A_165 = tpu.memref_squeeze %dma_wait3A_164 : memref<1x128xi32, #tpu.memory_space<vmem>> -> memref<128xi32, #tpu.memory_space<vmem>>
      %dma_wait3A_166 = arith.constant 0 : i32
      %dma_wait3A_167 = arith.constant 0 : i32
      %dma_wait3A_168 = tpu.memref_slice %arg2[%dma_wait3A_166, %dma_wait3A_167] : memref<10240x128xf32, #tpu.memory_space<hbm>> -> memref<10240x128xf32, #tpu.memory_space<hbm>>
      tpu.wait_indirect_dma semaphore(%arg14 : memref<!tpu.dma_semaphore, #tpu.memory_space<semaphore_mem>>) src(%dma_wait3A_168 : memref<10240x128xf32, #tpu.memory_space<hbm>>) dst(%dma_wait3A_162 : memref<128x128xf32, #tpu.memory_space<vmem>>)
      %dma_wait3A_169 = arith.constant 0 : i32
      %dma_wait3A_170 = arith.constant 0 : i32
      %dma_wait3A_171 = tpu.memref_slice %arg7[%dma_wait3A_169, %dma_wait3A_170] : memref<2x128xi32, #tpu.memory_space<vmem>> -> memref<1x128xi32, #tpu.memory_space<vmem>>
      %dma_wait3A_172 = tpu.memref_squeeze %dma_wait3A_171 : memref<1x128xi32, #tpu.memory_space<vmem>> -> memref<128xi32, #tpu.memory_space<vmem>>
      %dma_wait3A_173 = tpu.memref_slice %arg4[%add3A, %mul3A_64] : memref<32x10240xi32, #tpu.memory_space<hbm>> -> memref<1x128xi32, #tpu.memory_space<hbm>>
      %dma_wait3A_174 = tpu.memref_squeeze %dma_wait3A_173 : memref<1x128xi32, #tpu.memory_space<hbm>> -> memref<128xi32, #tpu.memory_space<hbm>>
      %dma_wait3A_175 = arith.constant 0 : i32
      %dma_wait3A_176 = tpu.memref_slice %arg7[%dma_wait3A_169, %dma_wait3A_175] : memref<2x128xi32, #tpu.memory_space<vmem>> -> memref<1x128xi32, #tpu.memory_space<vmem>>
      %dma_wait3A_177 = tpu.memref_squeeze %dma_wait3A_176 : memref<1x128xi32, #tpu.memory_space<vmem>> -> memref<128xi32, #tpu.memory_space<vmem>>
      %dma_wait3A_178 = tpu.memref_slice %arg4[%add3A, %mul3A_64] : memref<32x10240xi32, #tpu.memory_space<hbm>> -> memref<1x128xi32, #tpu.memory_space<hbm>>
      %dma_wait3A_179 = tpu.memref_squeeze %dma_wait3A_178 : memref<1x128xi32, #tpu.memory_space<hbm>> -> memref<128xi32, #tpu.memory_space<hbm>>
      tpu.wait_dma2 semaphore(%arg12 : memref<!tpu.dma_semaphore, #tpu.memory_space<semaphore_mem>>) src(%dma_wait3A_179 : memref<128xi32, #tpu.memory_space<hbm>>) dst(%dma_wait3A_177 : memref<128xi32, #tpu.memory_space<vmem>>)
      %dma_start3A_180 = arith.constant 0 : i32
      %dma_start3A_181 = arith.constant 0 : i32
      %dma_start3A_182 = arith.constant 0 : i32
      %dma_start3A_183 = arith.constant 0 : i32
      %dma_start3A_184 = tpu.memref_slice %arg8[%dma_start3A_180, %dma_start3A_182, %dma_start3A_183] : memref<2x128x128xf32, #tpu.memory_space<vmem>> -> memref<1x128x128xf32, #tpu.memory_space<vmem>>
      %dma_start3A_185 = tpu.memref_squeeze %dma_start3A_184 : memref<1x128x128xf32, #tpu.memory_space<vmem>> -> memref<128x128xf32, #tpu.memory_space<vmem>>
      %dma_start3A_186 = arith.constant 0 : i32
      %dma_start3A_187 = tpu.memref_slice %arg7[%dma_start3A_181, %dma_start3A_186] : memref<2x128xi32, #tpu.memory_space<vmem>> -> memref<1x128xi32, #tpu.memory_space<vmem>>
      %dma_start3A_188 = tpu.memref_squeeze %dma_start3A_187 : memref<1x128xi32, #tpu.memory_space<vmem>> -> memref<128xi32, #tpu.memory_space<vmem>>
      %dma_start3A_189 = arith.constant 0 : i32
      %dma_start3A_190 = arith.constant 0 : i32
      %dma_start3A_191 = tpu.memref_slice %arg9[%dma_start3A_189, %dma_start3A_190] : memref<10240x128xf32, #tpu.memory_space<vmem_shared>> -> memref<10240x128xf32, #tpu.memory_space<vmem_shared>>
      tpu.enqueue_indirect_dma source(%dma_start3A_185 : memref<128x128xf32, #tpu.memory_space<vmem>>) target(%dma_start3A_191 : memref<10240x128xf32, #tpu.memory_space<vmem_shared>>) offsets(%dma_start3A_188 : memref<128xi32, #tpu.memory_space<vmem>>) semaphore(%arg16 : memref<!tpu.dma_semaphore, #tpu.memory_space<semaphore_mem>>) {add = true}
      %dma_wait3A_192 = arith.constant 1 : i32
      %dma_wait3A_193 = arith.constant 1 : i32
      %dma_wait3A_194 = arith.constant 0 : i32
      %dma_wait3A_195 = arith.constant 0 : i32
      %dma_wait3A_196 = tpu.memref_slice %arg8[%dma_wait3A_193, %dma_wait3A_194, %dma_wait3A_195] : memref<2x128x128xf32, #tpu.memory_space<vmem>> -> memref<1x128x128xf32, #tpu.memory_space<vmem>>
      %dma_wait3A_197 = tpu.memref_squeeze %dma_wait3A_196 : memref<1x128x128xf32, #tpu.memory_space<vmem>> -> memref<128x128xf32, #tpu.memory_space<vmem>>
      %dma_wait3A_198 = arith.constant 0 : i32
      %dma_wait3A_199 = tpu.memref_slice %arg6[%dma_wait3A_192, %dma_wait3A_198] : memref<2x128xi32, #tpu.memory_space<vmem>> -> memref<1x128xi32, #tpu.memory_space<vmem>>
      %dma_wait3A_200 = tpu.memref_squeeze %dma_wait3A_199 : memref<1x128xi32, #tpu.memory_space<vmem>> -> memref<128xi32, #tpu.memory_space<vmem>>
      %dma_wait3A_201 = arith.constant 0 : i32
      %dma_wait3A_202 = arith.constant 0 : i32
      %dma_wait3A_203 = tpu.memref_slice %arg2[%dma_wait3A_201, %dma_wait3A_202] : memref<10240x128xf32, #tpu.memory_space<hbm>> -> memref<10240x128xf32, #tpu.memory_space<hbm>>
      tpu.wait_indirect_dma semaphore(%arg15 : memref<!tpu.dma_semaphore, #tpu.memory_space<semaphore_mem>>) src(%dma_wait3A_203 : memref<10240x128xf32, #tpu.memory_space<hbm>>) dst(%dma_wait3A_197 : memref<128x128xf32, #tpu.memory_space<vmem>>)
      %dma_wait3A_204 = arith.constant 1 : i32
      %dma_wait3A_205 = arith.constant 0 : i32
      %dma_wait3A_206 = tpu.memref_slice %arg7[%dma_wait3A_204, %dma_wait3A_205] : memref<2x128xi32, #tpu.memory_space<vmem>> -> memref<1x128xi32, #tpu.memory_space<vmem>>
      %dma_wait3A_207 = tpu.memref_squeeze %dma_wait3A_206 : memref<1x128xi32, #tpu.memory_space<vmem>> -> memref<128xi32, #tpu.memory_space<vmem>>
      %dma_wait3A_208 = tpu.memref_slice %arg4[%add3A, %mul3A_99] : memref<32x10240xi32, #tpu.memory_space<hbm>> -> memref<1x128xi32, #tpu.memory_space<hbm>>
      %dma_wait3A_209 = tpu.memref_squeeze %dma_wait3A_208 : memref<1x128xi32, #tpu.memory_space<hbm>> -> memref<128xi32, #tpu.memory_space<hbm>>
      %dma_wait3A_210 = arith.constant 0 : i32
      %dma_wait3A_211 = tpu.memref_slice %arg7[%dma_wait3A_204, %dma_wait3A_210] : memref<2x128xi32, #tpu.memory_space<vmem>> -> memref<1x128xi32, #tpu.memory_space<vmem>>
      %dma_wait3A_212 = tpu.memref_squeeze %dma_wait3A_211 : memref<1x128xi32, #tpu.memory_space<vmem>> -> memref<128xi32, #tpu.memory_space<vmem>>
      %dma_wait3A_213 = tpu.memref_slice %arg4[%add3A, %mul3A_99] : memref<32x10240xi32, #tpu.memory_space<hbm>> -> memref<1x128xi32, #tpu.memory_space<hbm>>
      %dma_wait3A_214 = tpu.memref_squeeze %dma_wait3A_213 : memref<1x128xi32, #tpu.memory_space<hbm>> -> memref<128xi32, #tpu.memory_space<hbm>>
      tpu.wait_dma2 semaphore(%arg13 : memref<!tpu.dma_semaphore, #tpu.memory_space<semaphore_mem>>) src(%dma_wait3A_214 : memref<128xi32, #tpu.memory_space<hbm>>) dst(%dma_wait3A_212 : memref<128xi32, #tpu.memory_space<vmem>>)
      %dma_start3A_215 = arith.constant 1 : i32
      %dma_start3A_216 = arith.constant 1 : i32
      %dma_start3A_217 = arith.constant 0 : i32
      %dma_start3A_218 = arith.constant 0 : i32
      %dma_start3A_219 = tpu.memref_slice %arg8[%dma_start3A_215, %dma_start3A_217, %dma_start3A_218] : memref<2x128x128xf32, #tpu.memory_space<vmem>> -> memref<1x128x128xf32, #tpu.memory_space<vmem>>
      %dma_start3A_220 = tpu.memref_squeeze %dma_start3A_219 : memref<1x128x128xf32, #tpu.memory_space<vmem>> -> memref<128x128xf32, #tpu.memory_space<vmem>>
      %dma_start3A_221 = arith.constant 0 : i32
      %dma_start3A_222 = tpu.memref_slice %arg7[%dma_start3A_216, %dma_start3A_221] : memref<2x128xi32, #tpu.memory_space<vmem>> -> memref<1x128xi32, #tpu.memory_space<vmem>>
      %dma_start3A_223 = tpu.memref_squeeze %dma_start3A_222 : memref<1x128xi32, #tpu.memory_space<vmem>> -> memref<128xi32, #tpu.memory_space<vmem>>
      %dma_start3A_224 = arith.constant 0 : i32
      %dma_start3A_225 = arith.constant 0 : i32
      %dma_start3A_226 = tpu.memref_slice %arg9[%dma_start3A_224, %dma_start3A_225] : memref<10240x128xf32, #tpu.memory_space<vmem_shared>> -> memref<10240x128xf32, #tpu.memory_space<vmem_shared>>
      tpu.enqueue_indirect_dma source(%dma_start3A_220 : memref<128x128xf32, #tpu.memory_space<vmem>>) target(%dma_start3A_226 : memref<10240x128xf32, #tpu.memory_space<vmem_shared>>) offsets(%dma_start3A_223 : memref<128xi32, #tpu.memory_space<vmem>>) semaphore(%arg17 : memref<!tpu.dma_semaphore, #tpu.memory_space<semaphore_mem>>) {add = true}
    }
    %scan3A_9 = arith.constant 40 : i32
    %dma_wait3A = arith.constant 0 : i32
    %dma_wait3A_10 = arith.constant 0 : i32
    %dma_wait3A_11 = arith.constant 0 : i32
    %dma_wait3A_12 = tpu.memref_slice %arg8[%dma_wait3A, %dma_wait3A_10, %dma_wait3A_11] : memref<2x128x128xf32, #tpu.memory_space<vmem>> -> memref<1x128x128xf32, #tpu.memory_space<vmem>>
    %dma_wait3A_13 = tpu.memref_squeeze %dma_wait3A_12 : memref<1x128x128xf32, #tpu.memory_space<vmem>> -> memref<128x128xf32, #tpu.memory_space<vmem>>
    %dma_wait3A_14 = arith.constant 0 : i32
    %dma_wait3A_15 = arith.constant 0 : i32
    %dma_wait3A_16 = tpu.memref_slice %arg2[%dma_wait3A_14, %dma_wait3A_15] : memref<10240x128xf32, #tpu.memory_space<hbm>> -> memref<128x128xf32, #tpu.memory_space<hbm>>
    %dma_wait3A_17 = arith.constant 0 : i32
    %dma_wait3A_18 = arith.constant 0 : i32
    %dma_wait3A_19 = tpu.memref_slice %arg8[%dma_wait3A, %dma_wait3A_17, %dma_wait3A_18] : memref<2x128x128xf32, #tpu.memory_space<vmem>> -> memref<1x128x128xf32, #tpu.memory_space<vmem>>
    %dma_wait3A_20 = tpu.memref_squeeze %dma_wait3A_19 : memref<1x128x128xf32, #tpu.memory_space<vmem>> -> memref<128x128xf32, #tpu.memory_space<vmem>>
    %dma_wait3A_21 = arith.constant 0 : i32
    %dma_wait3A_22 = arith.constant 0 : i32
    %dma_wait3A_23 = tpu.memref_slice %arg2[%dma_wait3A_21, %dma_wait3A_22] : memref<10240x128xf32, #tpu.memory_space<hbm>> -> memref<128x128xf32, #tpu.memory_space<hbm>>
    tpu.wait_dma2 semaphore(%arg16 : memref<!tpu.dma_semaphore, #tpu.memory_space<semaphore_mem>>) src(%dma_wait3A_23 : memref<128x128xf32, #tpu.memory_space<hbm>>) dst(%dma_wait3A_20 : memref<128x128xf32, #tpu.memory_space<vmem>>)
    %dma_wait3A_24 = arith.constant 1 : i32
    %dma_wait3A_25 = arith.constant 0 : i32
    %dma_wait3A_26 = arith.constant 0 : i32
    %dma_wait3A_27 = tpu.memref_slice %arg8[%dma_wait3A_24, %dma_wait3A_25, %dma_wait3A_26] : memref<2x128x128xf32, #tpu.memory_space<vmem>> -> memref<1x128x128xf32, #tpu.memory_space<vmem>>
    %dma_wait3A_28 = tpu.memref_squeeze %dma_wait3A_27 : memref<1x128x128xf32, #tpu.memory_space<vmem>> -> memref<128x128xf32, #tpu.memory_space<vmem>>
    %dma_wait3A_29 = arith.constant 0 : i32
    %dma_wait3A_30 = arith.constant 0 : i32
    %dma_wait3A_31 = tpu.memref_slice %arg2[%dma_wait3A_29, %dma_wait3A_30] : memref<10240x128xf32, #tpu.memory_space<hbm>> -> memref<128x128xf32, #tpu.memory_space<hbm>>
    %dma_wait3A_32 = arith.constant 0 : i32
    %dma_wait3A_33 = arith.constant 0 : i32
    %dma_wait3A_34 = tpu.memref_slice %arg8[%dma_wait3A_24, %dma_wait3A_32, %dma_wait3A_33] : memref<2x128x128xf32, #tpu.memory_space<vmem>> -> memref<1x128x128xf32, #tpu.memory_space<vmem>>
    %dma_wait3A_35 = tpu.memref_squeeze %dma_wait3A_34 : memref<1x128x128xf32, #tpu.memory_space<vmem>> -> memref<128x128xf32, #tpu.memory_space<vmem>>
    %dma_wait3A_36 = arith.constant 0 : i32
    %dma_wait3A_37 = arith.constant 0 : i32
    %dma_wait3A_38 = tpu.memref_slice %arg2[%dma_wait3A_36, %dma_wait3A_37] : memref<10240x128xf32, #tpu.memory_space<hbm>> -> memref<128x128xf32, #tpu.memory_space<hbm>>
    tpu.wait_dma2 semaphore(%arg17 : memref<!tpu.dma_semaphore, #tpu.memory_space<semaphore_mem>>) src(%dma_wait3A_38 : memref<128x128xf32, #tpu.memory_space<hbm>>) dst(%dma_wait3A_35 : memref<128x128xf32, #tpu.memory_space<vmem>>)
    %barrier3A_39 = arith.constant 0 : index
    tpu.barrier barrier_id(%barrier3A_39)
    %mul3A_40 = arith.constant 640 : i32
    %mul3A_41 = arith.muli %arg1, %mul3A_40 : i32
    %mul3A_42 = arith.constant 640 : i32
    %mul3A_43 = arith.muli %arg1, %mul3A_42 : i32
    "tpu.region"() ({
      %run_scoped3A = tpu.sem_alloc : memref<!tpu.dma_semaphore, #tpu.memory_space<semaphore_mem>>
      %dma_start3A = arith.constant 0 : i32
      %dma_start3A_44 = tpu.memref_slice %arg5[%arg0, %mul3A_43, %dma_start3A] : memref<2x10240x128xf32, #tpu.memory_space<hbm>> -> memref<1x640x128xf32, #tpu.memory_space<hbm>>
      %dma_start3A_45 = tpu.memref_squeeze %dma_start3A_44 : memref<1x640x128xf32, #tpu.memory_space<hbm>> -> memref<640x128xf32, #tpu.memory_space<hbm>>
      %dma_start3A_46 = arith.constant 0 : i32
      %dma_start3A_47 = tpu.memref_slice %arg9[%mul3A_41, %dma_start3A_46] : memref<10240x128xf32, #tpu.memory_space<vmem_shared>> -> memref<640x128xf32, #tpu.memory_space<vmem_shared>>
      tpu.enqueue_dma source(%dma_start3A_47 : memref<640x128xf32, #tpu.memory_space<vmem_shared>>) target(%dma_start3A_45 : memref<640x128xf32, #tpu.memory_space<hbm>>) target_semaphore(%run_scoped3A : memref<!tpu.dma_semaphore, #tpu.memory_space<semaphore_mem>>)
      %dma_wait3A_48 = arith.constant 0 : i32
      %dma_wait3A_49 = tpu.memref_slice %arg5[%arg0, %mul3A_43, %dma_wait3A_48] : memref<2x10240x128xf32, #tpu.memory_space<hbm>> -> memref<1x640x128xf32, #tpu.memory_space<hbm>>
      %dma_wait3A_50 = tpu.memref_squeeze %dma_wait3A_49 : memref<1x640x128xf32, #tpu.memory_space<hbm>> -> memref<640x128xf32, #tpu.memory_space<hbm>>
      %dma_wait3A_51 = arith.constant 0 : i32
      %dma_wait3A_52 = tpu.memref_slice %arg9[%mul3A_41, %dma_wait3A_51] : memref<10240x128xf32, #tpu.memory_space<vmem_shared>> -> memref<640x128xf32, #tpu.memory_space<vmem_shared>>
      tpu.wait_dma2 semaphore(%run_scoped3A : memref<!tpu.dma_semaphore, #tpu.memory_space<semaphore_mem>>) src(%dma_wait3A_52 : memref<640x128xf32, #tpu.memory_space<vmem_shared>>) dst(%dma_wait3A_50 : memref<640x128xf32, #tpu.memory_space<hbm>>)
      tpu.yield
    }) : () -> ()
    return
  }
}

module attributes {stable_mosaic.version = 14 : i64} {
  func.func @body(%arg0: memref<10240x128xf32, #tpu.memory_space<vmem>>, %arg1: memref<128x128xf32, #tpu.memory_space<vmem>>, %arg2: memref<10240x1xf32, #tpu.memory_space<vmem>>, %arg3: memref<10240x1xf32, #tpu.memory_space<vmem>>, %arg4: memref<10240x128xf32, #tpu.memory_space<vmem>>, %arg5: memref<10240x1xf32, #tpu.memory_space<vmem>>) attributes {dimension_semantics = [], scalar_prefetch = 0 : i64, scratch_operands = 0 : i64, tpu.core_type = #tpu.core_type<tc>} {
    %get3A = arith.constant 0 : index
    %get3A_0 = arith.constant 0 : index
    %get3A_1 = vector.load %arg2[%get3A, %get3A_0] : memref<10240x1xf32, #tpu.memory_space<vmem>>, vector<10240x1xf32>
    %get3A_2 = arith.constant 0 : index
    %get3A_3 = arith.constant 0 : index
    %get3A_4 = vector.load %arg3[%get3A_2, %get3A_3] : memref<10240x1xf32, #tpu.memory_space<vmem>>, vector<10240x1xf32>
    %add3A = arith.addf %get3A_1, %get3A_4 : vector<10240x1xf32>
    %add3A_5 = arith.constant 1.000000e+00 : f32
    %add3A_6 = vector.broadcast %add3A_5 : f32 to vector<10240x1xf32>
    %add3A_7 = arith.addf %add3A, %add3A_6 : vector<10240x1xf32>
    %rsqrt3A = math.rsqrt %add3A_7 : vector<10240x1xf32>
    %swap3A = arith.constant 0 : index
    %swap3A_8 = arith.constant 0 : index
    %swap3A_9 = vector.load %arg5[%swap3A, %swap3A_8] : memref<10240x1xf32, #tpu.memory_space<vmem>>, vector<10240x1xf32>
    tpu.vector_store %arg5[%swap3A, %swap3A_8], %rsqrt3A {strides = array<i32>} : memref<10240x1xf32, #tpu.memory_space<vmem>>, vector<10240x1xf32>,
    %get3A_10 = arith.constant 0 : index
    %get3A_11 = arith.constant 0 : index
    %get3A_12 = vector.load %arg0[%get3A_10, %get3A_11] : memref<10240x128xf32, #tpu.memory_space<vmem>>, vector<10240x128xf32>
    %get3A_13 = arith.constant 0 : index
    %get3A_14 = arith.constant 0 : index
    %get3A_15 = vector.load %arg1[%get3A_13, %get3A_14] : memref<128x128xf32, #tpu.memory_space<vmem>>, vector<128x128xf32>
    %dot_general3A = arith.constant dense<0.000000e+00> : vector<10240x128xf32>
    %dot_general3A_16 = tpu.matmul %get3A_12, %get3A_15, %dot_general3A {dimension_numbers = #tpu.dot_dimension_numbers<[1], [0], [0], [1], [0, 0, 1, 1], [], []>, transpose_lhs_hint = false} : vector<10240x128xf32>, vector<128x128xf32>, vector<10240x128xf32> -> vector<10240x128xf32>
    %mul3A = vector.broadcast %rsqrt3A : vector<10240x1xf32> to vector<10240x128xf32>
    %mul3A_17 = arith.mulf %mul3A, %dot_general3A_16 : vector<10240x128xf32>
    %swap3A_18 = arith.constant 0 : index
    %swap3A_19 = arith.constant 0 : index
    %swap3A_20 = vector.load %arg4[%swap3A_18, %swap3A_19] : memref<10240x128xf32, #tpu.memory_space<vmem>>, vector<10240x128xf32>
    tpu.vector_store %arg4[%swap3A_18, %swap3A_19], %mul3A_17 {strides = array<i32>} : memref<10240x128xf32, #tpu.memory_space<vmem>>, vector<10240x128xf32>,
    return
  }
}

module attributes {stable_mosaic.version = 14 : i64} {
  func.func @body(%arg0: memref<2x10240x128xf32, #tpu.memory_space<vmem>>, %arg1: memref<10240x128xf32, #tpu.memory_space<vmem>>, %arg2: memref<10240x1xf32, #tpu.memory_space<vmem>>, %arg3: memref<1x128xf32, #tpu.memory_space<vmem>>, %arg4: memref<128x128xf32, #tpu.memory_space<vmem>>, %arg5: memref<10240x128xf32, #tpu.memory_space<vmem>>) attributes {dimension_semantics = [], scalar_prefetch = 0 : i64, scratch_operands = 0 : i64, tpu.core_type = #tpu.core_type<tc>} {
    %get3A = arith.constant 0 : index
    %get3A_0 = arith.constant 0 : index
    %get3A_1 = arith.constant 0 : index
    %get3A_2 = vector.load %arg0[%get3A, %get3A_0, %get3A_1] : memref<2x10240x128xf32, #tpu.memory_space<vmem>>, vector<1x10240x128xf32>
    %get3A_3 = vector.shape_cast %get3A_2 : vector<1x10240x128xf32> to vector<10240x128xf32>
    %get3A_4 = arith.constant 1 : index
    %get3A_5 = arith.constant 0 : index
    %get3A_6 = arith.constant 0 : index
    %get3A_7 = vector.load %arg0[%get3A_4, %get3A_5, %get3A_6] : memref<2x10240x128xf32, #tpu.memory_space<vmem>>, vector<1x10240x128xf32>
    %get3A_8 = vector.shape_cast %get3A_7 : vector<1x10240x128xf32> to vector<10240x128xf32>
    %add3A = arith.addf %get3A_3, %get3A_8 : vector<10240x128xf32>
    %get3A_9 = arith.constant 0 : index
    %get3A_10 = arith.constant 0 : index
    %get3A_11 = vector.load %arg1[%get3A_9, %get3A_10] : memref<10240x128xf32, #tpu.memory_space<vmem>>, vector<10240x128xf32>
    %sub3A = arith.subf %add3A, %get3A_11 : vector<10240x128xf32>
    %get3A_12 = arith.constant 0 : index
    %get3A_13 = arith.constant 0 : index
    %get3A_14 = vector.load %arg2[%get3A_12, %get3A_13] : memref<10240x1xf32, #tpu.memory_space<vmem>>, vector<10240x1xf32>
    %mul3A = vector.broadcast %get3A_14 : vector<10240x1xf32> to vector<10240x128xf32>
    %mul3A_15 = arith.mulf %mul3A, %sub3A : vector<10240x128xf32>
    %get3A_16 = arith.constant 0 : index
    %get3A_17 = arith.constant 0 : index
    %get3A_18 = vector.load %arg3[%get3A_16, %get3A_17] : memref<1x128xf32, #tpu.memory_space<vmem>>, vector<1x128xf32>
    %add3A_19 = vector.broadcast %get3A_18 : vector<1x128xf32> to vector<10240x128xf32>
    %add3A_20 = arith.addf %mul3A_15, %add3A_19 : vector<10240x128xf32>
    %max3A = arith.constant 0.000000e+00 : f32
    %max3A_21 = vector.broadcast %max3A : f32 to vector<10240x128xf32>
    %max3A_22 = arith.maximumf %add3A_20, %max3A_21 : vector<10240x128xf32>
    %get3A_23 = arith.constant 0 : index
    %get3A_24 = arith.constant 0 : index
    %get3A_25 = vector.load %arg2[%get3A_23, %get3A_24] : memref<10240x1xf32, #tpu.memory_space<vmem>>, vector<10240x1xf32>
    %get3A_26 = arith.constant 0 : index
    %get3A_27 = arith.constant 0 : index
    %get3A_28 = vector.load %arg4[%get3A_26, %get3A_27] : memref<128x128xf32, #tpu.memory_space<vmem>>, vector<128x128xf32>
    %dot_general3A = arith.constant dense<0.000000e+00> : vector<10240x128xf32>
    %dot_general3A_29 = tpu.matmul %max3A_22, %get3A_28, %dot_general3A {dimension_numbers = #tpu.dot_dimension_numbers<[1], [0], [0], [1], [0, 0, 1, 1], [], []>, transpose_lhs_hint = false} : vector<10240x128xf32>, vector<128x128xf32>, vector<10240x128xf32> -> vector<10240x128xf32>
    %mul3A_30 = vector.broadcast %get3A_25 : vector<10240x1xf32> to vector<10240x128xf32>
    %mul3A_31 = arith.mulf %mul3A_30, %dot_general3A_29 : vector<10240x128xf32>
    %swap3A = arith.constant 0 : index
    %swap3A_32 = arith.constant 0 : index
    %swap3A_33 = vector.load %arg5[%swap3A, %swap3A_32] : memref<10240x128xf32, #tpu.memory_space<vmem>>, vector<10240x128xf32>
    tpu.vector_store %arg5[%swap3A, %swap3A_32], %mul3A_31 {strides = array<i32>} : memref<10240x128xf32, #tpu.memory_space<vmem>>, vector<10240x128xf32>,
    return
  }
}

module attributes {stable_mosaic.version = 14 : i64} {
  func.func @body(%arg0: memref<2x10240x128xf32, #tpu.memory_space<vmem>>, %arg1: memref<10240x128xf32, #tpu.memory_space<vmem>>, %arg2: memref<10240x1xf32, #tpu.memory_space<vmem>>, %arg3: memref<1x128xf32, #tpu.memory_space<vmem>>, %arg4: memref<128x128xf32, #tpu.memory_space<vmem>>, %arg5: memref<16x128xf32, #tpu.memory_space<vmem>>, %arg6: memref<1x16xf32, #tpu.memory_space<vmem>>, %arg7: memref<1x16xf32, #tpu.memory_space<vmem>>) attributes {dimension_semantics = [], scalar_prefetch = 0 : i64, scratch_operands = 0 : i64, tpu.core_type = #tpu.core_type<tc>} {
    %get3A = arith.constant 0 : index
    %get3A_0 = arith.constant 0 : index
    %get3A_1 = arith.constant 0 : index
    %get3A_2 = vector.load %arg0[%get3A, %get3A_0, %get3A_1] : memref<2x10240x128xf32, #tpu.memory_space<vmem>>, vector<1x10240x128xf32>
    %get3A_3 = vector.shape_cast %get3A_2 : vector<1x10240x128xf32> to vector<10240x128xf32>
    %get3A_4 = arith.constant 1 : index
    %get3A_5 = arith.constant 0 : index
    %get3A_6 = arith.constant 0 : index
    %get3A_7 = vector.load %arg0[%get3A_4, %get3A_5, %get3A_6] : memref<2x10240x128xf32, #tpu.memory_space<vmem>>, vector<1x10240x128xf32>
    %get3A_8 = vector.shape_cast %get3A_7 : vector<1x10240x128xf32> to vector<10240x128xf32>
    %add3A = arith.addf %get3A_3, %get3A_8 : vector<10240x128xf32>
    %get3A_9 = arith.constant 0 : index
    %get3A_10 = arith.constant 0 : index
    %get3A_11 = vector.load %arg1[%get3A_9, %get3A_10] : memref<10240x128xf32, #tpu.memory_space<vmem>>, vector<10240x128xf32>
    %sub3A = arith.subf %add3A, %get3A_11 : vector<10240x128xf32>
    %get3A_12 = arith.constant 0 : index
    %get3A_13 = arith.constant 0 : index
    %get3A_14 = vector.load %arg2[%get3A_12, %get3A_13] : memref<10240x1xf32, #tpu.memory_space<vmem>>, vector<10240x1xf32>
    %mul3A = vector.broadcast %get3A_14 : vector<10240x1xf32> to vector<10240x128xf32>
    %mul3A_15 = arith.mulf %mul3A, %sub3A : vector<10240x128xf32>
    %get3A_16 = arith.constant 0 : index
    %get3A_17 = arith.constant 0 : index
    %get3A_18 = vector.load %arg3[%get3A_16, %get3A_17] : memref<1x128xf32, #tpu.memory_space<vmem>>, vector<1x128xf32>
    %add3A_19 = vector.broadcast %get3A_18 : vector<1x128xf32> to vector<10240x128xf32>
    %add3A_20 = arith.addf %mul3A_15, %add3A_19 : vector<10240x128xf32>
    %max3A = arith.constant 0.000000e+00 : f32
    %max3A_21 = vector.broadcast %max3A : f32 to vector<10240x128xf32>
    %max3A_22 = arith.maximumf %add3A_20, %max3A_21 : vector<10240x128xf32>
    %iota3A = tpu.iota {dimensions = array<i32: 0>} : vector<10240x128xi32>
    %lt3A = arith.constant 10000 : i32
    %lt3A_23 = vector.broadcast %lt3A : i32 to vector<10240x128xi32>
    %lt3A_24 = arith.cmpi slt, %iota3A, %lt3A_23 : vector<10240x128xi32>
    %jit3A = arith.constant 0.000000e+00 : f32
    %broadcast_in_dim3A = vector.broadcast %jit3A : f32 to vector<10240x128xf32>
    %select_n3A = arith.select %lt3A_24, %max3A_22, %broadcast_in_dim3A : vector<10240x128xi1>, vector<10240x128xf32>
    %reduce_sum3A = arith.constant dense<0.000000e+00> : vector<128xf32>
    %reduce_sum3A_25 = vector.multi_reduction <add>, %select_n3A, %reduce_sum3A [0] : vector<10240x128xf32> to vector<128xf32>
    %broadcast_in_dim3A_26 = vector.shape_cast %reduce_sum3A_25 : vector<128xf32> to vector<1x128xf32>
    %div3A = arith.constant 1.000000e+04 : f32
    %div3A_27 = vector.broadcast %div3A : f32 to vector<1x128xf32>
    %div3A_28 = arith.divf %broadcast_in_dim3A_26, %div3A_27 : vector<1x128xf32>
    %get3A_29 = arith.constant 0 : index
    %get3A_30 = arith.constant 0 : index
    %get3A_31 = vector.load %arg4[%get3A_29, %get3A_30] : memref<128x128xf32, #tpu.memory_space<vmem>>, vector<128x128xf32>
    %dot_general3A = arith.constant dense<0.000000e+00> : vector<1x128xf32>
    %dot_general3A_32 = tpu.matmul %div3A_28, %get3A_31, %dot_general3A {dimension_numbers = #tpu.dot_dimension_numbers<[1], [0], [0], [1], [0, 0, 1, 1], [], []>, transpose_lhs_hint = false} : vector<1x128xf32>, vector<128x128xf32>, vector<1x128xf32> -> vector<1x128xf32>
    %tanh3A = math.tanh %dot_general3A_32 : vector<1x128xf32>
    %mul3A_33 = vector.broadcast %tanh3A : vector<1x128xf32> to vector<10240x128xf32>
    %mul3A_34 = arith.mulf %select_n3A, %mul3A_33 : vector<10240x128xf32>
    %reduce_sum3A_35 = arith.constant dense<0.000000e+00> : vector<10240xf32>
    %reduce_sum3A_36 = vector.multi_reduction <add>, %mul3A_34, %reduce_sum3A_35 [1] : vector<10240x128xf32> to vector<10240xf32>
    %broadcast_in_dim3A_37 = vector.shape_cast %reduce_sum3A_36 : vector<10240xf32> to vector<10240x1xf32>
    %logistic3A = arith.negf %broadcast_in_dim3A_37 : vector<10240x1xf32>
    %logistic3A_38 = math.exp %logistic3A : vector<10240x1xf32>
    %logistic3A_39 = arith.constant 1.000000e+00 : f32
    %logistic3A_40 = vector.broadcast %logistic3A_39 : f32 to vector<10240x1xf32>
    %logistic3A_41 = arith.addf %logistic3A_40, %logistic3A_38 : vector<10240x1xf32>
    %logistic3A_42 = arith.divf %logistic3A_40, %logistic3A_41 : vector<10240x1xf32>
    %mul3A_43 = vector.broadcast %logistic3A_42 : vector<10240x1xf32> to vector<10240x128xf32>
    %mul3A_44 = arith.mulf %select_n3A, %mul3A_43 : vector<10240x128xf32>
    %reduce_sum3A_45 = arith.constant dense<0.000000e+00> : vector<128xf32>
    %reduce_sum3A_46 = vector.multi_reduction <add>, %mul3A_44, %reduce_sum3A_45 [0] : vector<10240x128xf32> to vector<128xf32>
    %broadcast_in_dim3A_47 = vector.shape_cast %reduce_sum3A_46 : vector<128xf32> to vector<1x128xf32>
    %get3A_48 = arith.constant 0 : index
    %get3A_49 = arith.constant 0 : index
    %get3A_50 = vector.load %arg5[%get3A_48, %get3A_49] : memref<16x128xf32, #tpu.memory_space<vmem>>, vector<16x128xf32>
    %dot_general3A_51 = arith.constant dense<0.000000e+00> : vector<1x16xf32>
    %dot_general3A_52 = tpu.matmul %broadcast_in_dim3A_47, %get3A_50, %dot_general3A_51 {dimension_numbers = #tpu.dot_dimension_numbers<[1], [1], [0], [0], [0, 0, 1, 0], [], []>, transpose_lhs_hint = false} : vector<1x128xf32>, vector<16x128xf32>, vector<1x16xf32> -> vector<1x16xf32>
    %get3A_53 = arith.constant 0 : index
    %get3A_54 = arith.constant 0 : index
    %get3A_55 = vector.load %arg6[%get3A_53, %get3A_54] : memref<1x16xf32, #tpu.memory_space<vmem>>, vector<1x16xf32>
    %add3A_56 = arith.addf %dot_general3A_52, %get3A_55 : vector<1x16xf32>
    %max3A_57 = arith.constant 0.000000e+00 : f32
    %max3A_58 = vector.broadcast %max3A_57 : f32 to vector<1x16xf32>
    %max3A_59 = arith.maximumf %add3A_56, %max3A_58 : vector<1x16xf32>
    %swap3A = arith.constant 0 : index
    %swap3A_60 = arith.constant 0 : index
    %swap3A_61 = vector.load %arg7[%swap3A, %swap3A_60] : memref<1x16xf32, #tpu.memory_space<vmem>>, vector<1x16xf32>
    tpu.vector_store %arg7[%swap3A, %swap3A_60], %max3A_59 {strides = array<i32>} : memref<1x16xf32, #tpu.memory_space<vmem>>, vector<1x16xf32>,
    return
  }
}

</mosaic_0001>

<sc_bundles>
// kernel: kernel.10.cloned.1.call-start
scs
__scs_entry_jumppad:
0x0: {  	(pc) =	sbr.rel $0x88, $3  }
0x1: {  	(tag) =	ssettag $0x0;
	lr =	simm.s32 $0x1  }
0x2: {  	[smem:$0x3F96] =	sst lr;
	_ =	strace $0xD0000000  }
0x3: {  	_ = 	snop  }
0x4: {  	_ = 	snop  }
0x5: {  	_ = 	snop  }
0x6: {  	_ = 	snop  }
0x7: {  	_ = 	snop  }
__scs_overlays_trampoline_lowered:
0x8: {  	[smem:$0x3FA5] =	sst s0  }
0x9: {  	[smem:$0x3FA6] =	sst s1  }
0xa: {  	[smem:$0x3FA7] =	sst s2  }
0xb: {  	[smem:$0x3FA8] =	sst s3  }
0xc: {  	[smem:$0x3FA9] =	sst s4  }
0xd: {  	[smem:$0x3FAA] =	sst s5  }
0xe: {  	[smem:$0x3FAB] =	sst s6  }
0xf: {  	[smem:$0x3FAC] =	sst s7  }
0x10: {  	[smem:$0x3FAD] =	sst s8  }
0x11: {  	[smem:$0x3FAE] =	sst s9;
	s0 =	simm.s32 @!p0 $0x0  }
0x12: {  	s1 =	sld [smem:$0x3F94];
	s0 =	simm.s32 @p0 $0x1  }
0x13: {  	[smem:$0x3FAF] =	sst s0;
	s0 =	simm.s32 @!p1 $0x0  }
0x14: {  	s2 =	sld [smem:$0x3F93];
	s0 =	simm.s32 @p1 $0x1  }
0x15: {  	[smem:$0x3FB0] =	sst s0;
	s0 =	simm.s32 @!p2 $0x0  }
0x16: {  	s3 =	sld [smem:$0x3FDB];
	s0 =	simm.s32 @p2 $0x1  }
0x17: {  	s4 =	simm.s32 $0x1BF5;
	[smem:$0x3FB2] =	sst s0  }
0x18: {  	s0 =	sld [smem:$0x3F95];
	_ =	swait.ge [sflag:s4], $0x0  }
0x19: {  	s7 =	sld [smem:$0x3F96]  }
0x1a: {  	s8 =	sadd.s32 $0xFFFFE003, lr  }
0x1b: {  	s9 =	sadd.s32 $0xFFFFFEF7, lr;
	s5 =	simm.s32 $0xFFFFFFFF;
	p2 =	slt.u32 s8, $0xFFFFF086  }
0x1c: {  	p1 =	slt.u32 s9, $0xF7A;
	s5 =	simm.s32 @!p2 $0x0  }
0x1d: {  	s5 =	simm.s32 @p1 $0x1;
	p0 =	seq.s32 s7, s2  }
0x1e: {  	s7 =	smul.u32 @!p0 $0xF7A, s2;
	p2 =	seq.s32 @!p0 s5, $0x0  }
0x1f: {  	s9 =	smul.u32 $0xF7A, s1;
	s8 =	simm.s32 @!p0 $0x1BF5;
	p2 =	por !p2, p0  }
0x20: {  	[sflag:s8] =	ssyncset.s32 @!p0 $0xFFFFF086;
	s6 =	sadd.s32 @!p0 s3, s7;
	s7 =	simm.s32 @!p0 $0x108  }
0x21: {  	s3 =	sadd.s32 s3, s9;
	s6 =	sadd.s32 @!p0 $0x88, s6;
	s7 =	simm.s32 @p2 $0x1082  }
0x22: {  	[simem:s7], [sflag:s8] =	dma.local @!p0 [hbm:s6], $0xF7A  }
0x23: {  	s9 =	sor.u32 $0xD0000000, s2;
	s6 =	simm.s32 $0x108;
	_ =	swait.ge @!p0 [sflag:s8], $0x0  }
0x24: {  	s3 =	sadd.s32 $0x88, s3;
	s6 =	simm.s32 @!p1 $0x1082;
	[sflag:s4] =	ssyncset.s32 $0xFFFFF086  }
0x25: {  	[simem:s6], [sflag:s4] =	dma.local [hbm:s3], $0xF7A  }
0x26: {  	[smem:$0x3F96] =	sst s1;
	(tag) =	ssettag s2;
	_ =	strace s9  }
0x27: {  	s1 =	sld [smem:$0x3FA6]  }
0x28: {  	s2 =	sld [smem:$0x3FA7]  }
0x29: {  	s4 =	sld [smem:$0x3FA9]  }
0x2a: {  	p0 =	seq.s32 s5, $0x0;
	s5 =	sld [smem:$0x3FAA]  }
0x2b: {  	s6 =	sld [smem:$0x3FAB]  }
0x2c: {  	s7 =	sld [smem:$0x3FAC]  }
0x2d: {  	s3 =	simm.s32 $0x108;
	s8 =	sld [smem:$0x3FAD]  }
0x2e: {  	s3 =	simm.s32 @!p0 $0x1082;
	s9 =	sld [smem:$0x3FAE]  }
0x2f: {  	lr =	sadd.s32 s0, s3;
	s0 =	sld [smem:$0x3FA5]  }
0x30: {  	s3 =	sld [smem:$0x3FA8]  }
0x31: {  	[smem:$0x3FB1] =	sst s10  }
0x32: {  	s10 =	sld [smem:$0x3FAF];
	_ =	sdelay $0x3  }
0x33: {  	p0 =	seq.s32 s10, $0x1;
	s10 =	sld [smem:$0x3FB1];
	_ =	sdelay $0x3  }
0x34: {  	[smem:$0x3FB1] =	sst s10  }
0x35: {  	s10 =	sld [smem:$0x3FB0];
	_ =	sdelay $0x3  }
0x36: {  	p1 =	seq.s32 s10, $0x1;
	s10 =	sld [smem:$0x3FB1];
	_ =	sdelay $0x3  }
0x37: {  	[smem:$0x3FB1] =	sst s10  }
0x38: {  	s10 =	sld [smem:$0x3FB2]  }
0x39: {  	_ = 	snop;
	(pc) =	sbr.ind lr, $3  }
0x3a: {  	_ = 	snop  }
0x3b: {  	_ = 	snop  }
0x3c: {  	p2 =	seq.s32 s10, $0x1;
	s10 =	sld [smem:$0x3FB1]  }
0x3d: {  	_ =	shalt  }
0x3e: {  	_ =	shalt  }
0x3f: {  	_ =	shalt  }
0x40: {  	_ =	shalt  }
0x41: {  	_ =	shalt  }
0x42: {  	_ =	shalt  }
0x43: {  	_ =	shalt  }
0x44: {  	_ =	shalt  }
0x45: {  	_ =	shalt  }
0x46: {  	_ =	shalt  }
0x47: {  	_ =	shalt  }
0x48: {  	_ =	shalt  }
0x49: {  	_ =	shalt  }
0x4a: {  	_ =	shalt  }
0x4b: {  	_ =	shalt  }
0x4c: {  	_ =	shalt  }
0x4d: {  	_ =	shalt  }
0x4e: {  	_ =	shalt  }
0x4f: {  	_ =	shalt  }
0x50: {  	_ =	shalt  }
0x51: {  	_ =	shalt  }
0x52: {  	_ =	shalt  }
0x53: {  	_ =	shalt  }
0x54: {  	_ =	shalt  }
0x55: {  	_ =	shalt  }
0x56: {  	_ =	shalt  }
0x57: {  	_ =	shalt  }
0x58: {  	_ =	shalt  }
0x59: {  	_ =	shalt  }
0x5a: {  	_ =	shalt  }
0x5b: {  	_ =	shalt  }
0x5c: {  	_ =	shalt  }
0x5d: {  	_ =	shalt  }
0x5e: {  	_ =	shalt  }
0x5f: {  	_ =	shalt  }
0x60: {  	_ =	shalt  }
0x61: {  	_ =	shalt  }
0x62: {  	_ =	shalt  }
0x63: {  	_ =	shalt  }
0x64: {  	_ =	shalt  }
0x65: {  	_ =	shalt  }
0x66: {  	_ =	shalt  }
0x67: {  	_ =	shalt  }
0x68: {  	_ =	shalt  }
0x69: {  	_ =	shalt  }
0x6a: {  	_ =	shalt  }
0x6b: {  	_ =	shalt  }
0x6c: {  	_ =	shalt  }
0x6d: {  	_ =	shalt  }
0x6e: {  	_ =	shalt  }
0x6f: {  	_ =	shalt  }
0x70: {  	_ =	shalt  }
0x71: {  	_ =	shalt  }
0x72: {  	_ =	shalt  }
0x73: {  	_ =	shalt  }
0x74: {  	_ =	shalt  }
0x75: {  	_ =	shalt  }
0x76: {  	_ =	shalt  }
0x77: {  	_ =	shalt  }
0x78: {  	_ =	shalt  }
0x79: {  	_ =	shalt  }
0x7a: {  	_ =	shalt  }
0x7b: {  	_ =	shalt  }
0x7c: {  	_ =	shalt  }
0x7d: {  	_ =	shalt  }
0x7e: {  	_ =	shalt  }
0x7f: {  	_ =	shalt  }
0x80: {  	_ =	shalt  }
0x81: {  	_ =	shalt  }
0x82: {  	_ =	shalt  }
0x83: {  	_ =	shalt  }
0x84: {  	_ =	shalt  }
0x85: {  	_ =	shalt  }
0x86: {  	_ =	shalt  }
0x87: {  	_ =	shalt  }
.Lfunc_end0:
.L_simem_size_0:
called_computation_lowered:
.L_overlay_start_0:
0x88: {  	s2 =	sld [smem:$0x3FD9]  }
0x89: {  	s3 =	sld [smem:$0x3FFE];
	_ =	sdelay $0x1  }
0x8a: {  	s1 =	srdreg.scid  }
0x8b: {  	s0 =	sand.u32 $0x1, s1  }
0x8c: {  	s16 =	sshll.u32 s0, $0xA;
	s2 =	sadd.s32 s3, s2  }
0x8d: {  	s2 =	sadd.s32 s2, s16  }
0x8e: {  	[smem:$0x3FBD] =	sst s2  }
0x8f: {  	_ = 	snop  }
0x90: {  	(tm) =	ssettm $0x1  }
0x91: {  	s17 =	sld [smem:$0x3FFB];
	_ =	sdelay $0x3  }
0x92: {  	_ =	strace s17  }
0x93: {  	s2 =	sld [smem:$0x3FFC];
	_ =	sdelay $0x3  }
0x94: {  	_ =	strace s2  }
0x95: {  	s2 =	sld [smem:$0x3FFD];
	_ =	sdelay $0x3  }
0x96: {  	_ =	strace s2  }
0x97: {  	_ =	strace $0x8FFFFFFF  }
0x98: {  	s18 =	sld [smem:$0x3FDB];
	_ =	sdelay $0x1  }
0x99: {  	s19 =	simm.s32 $_scs_section_size  }
0x9a: {  	s4 =	simm.s32 $_size__tile_overlayer_lowered;
	s5 =	simm.s32 $_tile_overlayer_lowered  }
0x9b: {  	s22 =	simm.s32 $0x1BFF;
	s21 =	sshll.u32 s5, $0x1;
	s2 =	sadd.s32 s19, s18  }
0x9c: {  	s6 =	simm.s32 $0x0;
	s20 =	sshll.u32 s4, $0x1;
	s4 =	sadd.s32 s21, s2  }
0x9d: {  	[timem:s6], [sflag:s22] =	dma.local [hbm:s4], s20  }
0x9e: {  	_ =	swait.ge [sflag:s22], s20  }
0x9f: {  	s3 =	ssub.s32 $0x0, s20;
	[sflag:s22] =	ssyncset.done $0x0  }
0xa0: {  	[sflag:s22] =	ssyncadd.s32 s3;
	_ =	sdelay $0x1  }
0xa1: {  	s23 =	simm.s32 $0x1B8B  }
0xa2: {  	_ =	swait.ge [sflag:s23], $0x1  }
0xa3: {  	[sflag:s23] =	ssyncset.done $0x0  }
0xa4: {  	s25 =	simm.s32 $0x1B8E;
	s24 =	sld [smem:$0x3FFE];
	[sflag:s23] =	ssyncadd.s32 $0xFFFFFFFF  }
0xa5: {  	s26 =	simm.s32 $execute0_lowered;
	[smem:$0x3FD2] =	sst s25  }
0xa6: {  	s4 =	sshll.u32 s26, $0x1;
	_ =	strace $0x80000046;
	[dreg:$0x1] =	wrdreg $0xFFFFFFFF  }
0xa7: {  	s28 =	simm.s32 $_size_execute0_lowered;
	s2 =	sadd.s32 s2, s4;
	[dreg:$0x0] =	wrdreg $0x0  }
0xa8: {  	s4 =	sshll.u32 s28, $0x1;
	[dreg:$0x2] =	wrdreg s2  }
0xa9: {  	[dreg:$0x3] =	wrdreg s4  }
0xaa: {  	[dreg:$0x4] =	wrdreg $0xC0  }
0xab: {  	_ =	task [dreg:s6], $0x5FFFF  }
0xac: {  	[dreg:$0x1] =	wrdreg $0xFFFFFFFF  }
0xad: {  	[dreg:$0x0] =	wrdreg $0x60  }
0xae: {  	[dreg:$0x2] =	wrdreg s24  }
0xaf: {  	[dreg:$0x3] =	wrdreg $0x2A800  }
0xb0: {  	[dreg:$0x4] =	wrdreg $0x9  }
0xb1: {  	_ =	task.clear_ibuf [dreg:s6], $0x5FFFF;
	_ =	strace $0x90000046  }
0xb2: {  	s29 =	simm.s32 $0x9;
	_ =	strace $0x80000048  }
0xb3: {  	_ =	swait.ge [sflag:s29], $0x1  }
0xb4: {  	[sflag:s29] =	ssyncadd.s32 $0xFFFFFFFF  }
0xb5: {  	_ =	strace $0x90000048  }
0xb6: {  	_ =	sfence  }
0xb7: {  	s30 =	sld [smem:$0x0];
	_ =	sdelay $0x2  }
0xb8: {  	s31 =	sshll.u32 s1, $0xD;
	s1 =	sshrl.u32 s1, $0x2  }
0xb9: {  	s3 =	sand.u32 $0x4000, s31;
	s1 =	sadd.s32 s1, s30  }
0xba: {  	s0 =	sor.u32 s3, s0;
	s1 =	sshll.u32 s1, $0x11  }
0xbb: {  	s0 =	sor.u32 s1, s0  }
0xbc: {  	s0 =	sadd.s32 $0x8F2B, s0  }
0xbd: {  	[sflag:s0] =	ssyncadd.remote.s32 $0x1  }
0xbe: {  	_ =	sfence.sel $0xFFFF  }
0xbf: {  	[dreg:$0x0] =	wrdreg $0xFFFFFFFF;
	(pc) =	sbr.abs _section_cstart, $3  }
0xc0: {  	[dreg:$0x1] =	wrdreg $0xFFFFFFFF  }
0xc1: {  	_ =	task.clear_ibuf [dreg:s6], $0x2FFFF;
	_ =	strace $0x9FFFFFFF  }
0xc2: {  	(tm) =	ssettm $0x7FFFFFFF  }
0xc3: {  	_ =	shalt  }
tec
execute0_lowered:
.L_overlay_start_1:
0x0: {  	(tag) =	ssettag $0x1  }
0x1: {  	s4 =	rddreg [dreg:$0x0]  }
0x2: {  	s2 =	rddreg [dreg:$0x1]  }
0x3: {  	s0 =	rddreg [dreg:$0x2]  }
0x4: {  	s3 =	simm.s32 $0x0;
	s5 =	srdreg.scid;
	s1 =	stileid.u32  }
0x5: {  	s10 =	simm.s32 $0x80;
	s13 =	simm.s32 $0x20;
	s14 =	simm.s32 $0x10  }
0x6: {  	s15 =	simm.s32 $0x0;
	s5 =	sand.u32 $0x1, s5;
	s7 =	smul.u32 $0x500, s1  }
0x7: {  	s6 =	sshll.u32 s1, $0x1;
	[smem:$0x7FF] =	sst s3;
	s29 =	smul.u32 $0xA00, s1  }
0x8: {  	s11 =	sshll.u32 s1, $0x6;
	s6 =	sor.u32 s5, s6;
	s8 =	sshll.u32 s5, $0x7  }
0x9: {  	_ =	strace $0x80000047;
	s5 =	ssub.s32 $0x2, s5;
	s11 =	sor.u32 $0x1C01, s11  }
0xa: {  	s6 =	smul.u32 $0x500, s6;
	s7 =	sor.u32 s8, s7;
	s30 =	sshrl.u32 s5, $0x1  }
0xb: {  	s31 =	sshrl.u32 s29, $0x2;
	s8 =	simm.s32 $0x1;
	s7 =	sshrl.u32 s7, $0x3  }
0xc: {  	s9 =	ssub.s32 s5, s30;
	s5 =	sadd.s32 s31, s2;
	s6 =	sadd.s32 s6, s4  }
0xd: {  	s7 =	sadd.s32 s7, s4;
	s12 =	sshrl.u32 s5, $0x3;
	s4 =	sadd.s32 $0x3A00, s6  }
0xe: {  	v0 =	vimm.f32 $0.0e+00;
	v1 =	vimm.f32 $1.000000000e+00;
	s6 =	sadd.s32 $0xDA00, s7;
	s7 =	smax.u32 s9, $0x1;
	s9 =	simm.s32 $0x2800  }
.LBB2_1:
0xf: {  	[tilespmem:s3], [sflag:$0x1] =	stream.linear.gather [hbm4b:s4+s3], $0x2800, $0x38;
	[tilespmem:$0x2D00] =	vst v63  }
0x10: {  	_ =	swait.ge [sflag:s8], $0x2800  }
0x11: {  	[sflag:s8] =	ssyncset.done $0x0  }
0x12: {  	[sflag:s8] =	ssyncadd.s32 $0xFFFFD800  }
0x13: {  	[tilespmem:$0x2800] =	vst v0  }
0x14: {  	[tilespmem:$0x2810] =	vst v0  }
0x15: {  	[tilespmem:$0x2820] =	vst v0  }
0x16: {  	[tilespmem:$0x2830] =	vst v0  }
0x17: {  	[tilespmem:$0x2840] =	vst v0  }
0x18: {  	[tilespmem:$0x2850] =	vst v0  }
0x19: {  	[tilespmem:$0x2860] =	vst v0  }
0x1a: {  	[tilespmem:$0x2870] =	vst v0  }
0x1b: {  	[tilespmem:$0x2880] =	vst v0  }
0x1c: {  	[tilespmem:$0x2890] =	vst v0  }
0x1d: {  	[tilespmem:$0x28A0] =	vst v0  }
0x1e: {  	[tilespmem:$0x28B0] =	vst v0  }
0x1f: {  	[tilespmem:$0x28C0] =	vst v0  }
0x20: {  	[tilespmem:$0x28D0] =	vst v0  }
0x21: {  	[tilespmem:$0x28E0] =	vst v0  }
0x22: {  	[tilespmem:$0x28F0] =	vst v0  }
0x23: {  	[tilespmem:$0x2900] =	vst v0  }
0x24: {  	[tilespmem:$0x2910] =	vst v0  }
0x25: {  	[tilespmem:$0x2920] =	vst v0  }
0x26: {  	[tilespmem:$0x2930] =	vst v0  }
0x27: {  	[tilespmem:$0x2940] =	vst v0  }
0x28: {  	[tilespmem:$0x2950] =	vst v0  }
0x29: {  	[tilespmem:$0x2960] =	vst v0  }
0x2a: {  	[tilespmem:$0x2970] =	vst v0  }
0x2b: {  	[tilespmem:$0x2980] =	vst v0  }
0x2c: {  	[tilespmem:$0x2990] =	vst v0  }
0x2d: {  	[tilespmem:$0x29A0] =	vst v0  }
0x2e: {  	[tilespmem:$0x29B0] =	vst v0  }
0x2f: {  	[tilespmem:$0x29C0] =	vst v0  }
0x30: {  	[tilespmem:$0x29D0] =	vst v0  }
0x31: {  	[tilespmem:$0x29E0] =	vst v0  }
0x32: {  	[tilespmem:$0x29F0] =	vst v0  }
0x33: {  	[tilespmem:$0x2A00] =	vst v0  }
0x34: {  	[tilespmem:$0x2A10] =	vst v0  }
0x35: {  	[tilespmem:$0x2A20] =	vst v0  }
0x36: {  	[tilespmem:$0x2A30] =	vst v0  }
0x37: {  	[tilespmem:$0x2A40] =	vst v0  }
0x38: {  	[tilespmem:$0x2A50] =	vst v0  }
0x39: {  	[tilespmem:$0x2A60] =	vst v0  }
0x3a: {  	[tilespmem:$0x2A70] =	vst v0  }
0x3b: {  	[spmem:s5] =	stream.linear.scatter [tilespmem:s9], [sflag:$0x1], $0x280, $0x38;
	[tilespmem:$0x2D00] =	vst v63  }
0x3c: {  	_ =	swait.ge [sflag:s8], $0x280  }
0x3d: {  	[sflag:s8] =	ssyncset.done $0x0  }
0x3e: {  	[sflag:s8] =	ssyncadd.s32 $0xFFFFFD80  }
0x3f: {  	[tilespmem:$0x2800] =	vst v1  }
0x40: {  	[tilespmem:$0x2810] =	vst v1  }
0x41: {  	[tilespmem:$0x2820] =	vst v1  }
0x42: {  	[tilespmem:$0x2830] =	vst v1  }
0x43: {  	[tilespmem:$0x2840] =	vst v1  }
0x44: {  	[tilespmem:$0x2850] =	vst v1  }
0x45: {  	[tilespmem:$0x2860] =	vst v1  }
0x46: {  	[tilespmem:$0x2870] =	vst v1  }
0x47: {  	[tilespmem:$0x2880] =	vst v1  }
0x48: {  	[tilespmem:$0x2890] =	vst v1  }
0x49: {  	[tilespmem:$0x28A0] =	vst v1  }
0x4a: {  	[tilespmem:$0x28B0] =	vst v1  }
0x4b: {  	[tilespmem:$0x28C0] =	vst v1  }
0x4c: {  	[tilespmem:$0x28D0] =	vst v1  }
0x4d: {  	[tilespmem:$0x28E0] =	vst v1  }
0x4e: {  	[tilespmem:$0x28F0] =	vst v1  }
0x4f: {  	[tilespmem:$0x2900] =	vst v1  }
0x50: {  	[tilespmem:$0x2910] =	vst v1  }
0x51: {  	[tilespmem:$0x2920] =	vst v1  }
0x52: {  	[tilespmem:$0x2930] =	vst v1  }
0x53: {  	[tilespmem:$0x2940] =	vst v1  }
0x54: {  	[tilespmem:$0x2950] =	vst v1  }
0x55: {  	[tilespmem:$0x2960] =	vst v1  }
0x56: {  	[tilespmem:$0x2970] =	vst v1  }
0x57: {  	[tilespmem:$0x2980] =	vst v1  }
0x58: {  	[tilespmem:$0x2990] =	vst v1  }
0x59: {  	[tilespmem:$0x29A0] =	vst v1  }
0x5a: {  	[tilespmem:$0x29B0] =	vst v1  }
0x5b: {  	[tilespmem:$0x29C0] =	vst v1  }
0x5c: {  	[tilespmem:$0x29D0] =	vst v1  }
0x5d: {  	[tilespmem:$0x29E0] =	vst v1  }
0x5e: {  	[tilespmem:$0x29F0] =	vst v1  }
0x5f: {  	[tilespmem:$0x2A00] =	vst v1  }
0x60: {  	[tilespmem:$0x2A10] =	vst v1  }
0x61: {  	[tilespmem:$0x2A20] =	vst v1  }
0x62: {  	[tilespmem:$0x2A30] =	vst v1  }
0x63: {  	[tilespmem:$0x2A40] =	vst v1  }
0x64: {  	[tilespmem:$0x2A50] =	vst v1  }
0x65: {  	[tilespmem:$0x2A60] =	vst v1  }
0x66: {  	[tilespmem:$0x2A70] =	vst v1  }
0x67: {  	s16 =	simm.s32 $0x0;
	[bflag:$0x0] =	sbarrier.arrive $0xFFFF  }
0x68: {  	[spmem:s2] =	stream.indirect.scatter.add.f32 [tilespmem:s9], [sflag:$0x1], $0x1, s16, s10, $0xb8;
	[tilespmem:$0x2D00] =	vst v63  }
0x69: {  	_ =	swait.ge [sflag:s8], $0x80  }
0x6a: {  	s16 =	simm.s32 $0x200;
	[sflag:s8] =	ssyncset.done $0x0  }
.LBB2_2:
0x6b: {  	s17 =	sshra.s32 s16, $0x2;
	[sflag:s8] =	ssyncadd.s32 $0xFFFFFF80;
	p0 =	sne.s32 s16, $0x9E00  }
0x6c: {  	[spmem:s2] =	stream.indirect.scatter.add.f32 [tilespmem:s9], [sflag:$0x1], $0x1, s17, s10, $0xb8;
	[tilespmem:$0x2D00] =	vst v63  }
.Ltmp0:
0x6d: {  	_ = 	snop;
	(pc) =	sbr.rel @p0 .LBB2_2-.Ltmp0, $4  }
0x6e: {  	_ = 	snop  }
0x6f: {  	s16 =	sadd.s32 $0x200, s16  }
0x70: {  	_ =	swait.ge [sflag:s8], $0x80  }
0x71: {  	[sflag:s8] =	ssyncset.done $0x0  }
0x72: {  	s15 =	sadd.s32 $0x1, s15  }
0x73: {  	[sflag:s8] =	ssyncadd.s32 $0xFFFFFF80;
	p0 =	sne.s32 s15, s7  }
.Ltmp1:
0x74: {  	[bflag:$0x0] =	sbarrier.arrive $0xFFFF;
	(pc) =	sbr.rel @p0 .LBB2_1-.Ltmp1, $4  }
0x75: {  	[hbm:s6@s13], [sflag:s11] =	dma.strided [spmem:s12@s14], $0x50, s8, $0x10   }
0x76: {  	_ =	swait.ge [sflag:s8], $0x50  }
0x77: {  	[sflag:s8] =	ssyncset.done $0x0  }
0x78: {  	[sflag:s8] =	ssyncadd.s32 $0xFFFFFFB0  }
0x79: {  	_ =	sfence.sel $0x180000  }
0x7a: {  	[bflag:$0x0] =	sbarrier.arrive $0xFFFF  }
0x7b: {  	p0 =	sne.s32 s1, $0x0;
	_ =	strace $0x90000047  }
0x7c: {  	s0 =	sadd.s32 @!p0 $0x100000, s0;
	[bflag:$0x2] =	sbarrier.arrive $0xFFFF  }
0x7d: {  	[sflag:s0] =	ssyncadd.tile.s32 @!p0 $0x1;
	_ =	shalt  }
.Lfunc_end2:
_tile_overlayer_lowered:
.L_overlay_start_2:
0x7e: {  	(tag) =	ssettag $0x2  }
0x7f: {  	s0 =	rddreg [dreg:$0x0];
	s2 =	stileid.u32  }
0x80: {  	s1 =	rddreg [dreg:$0x1];
	p0 =	sne.s32 s2, $0x0  }
0x81: {  	s3 =	rddreg [dreg:$0x2];
	[bflag:$0x3] =	sbarrier.arrive $0xFFFF;
	s2 =	simm.s32 @!p0 $0x1C01  }
0x82: {  	[timem:s3], [sflag:s2] =	dma.local @!p0 [hbm:s0], s1  }
0x83: {  	s0 =	simm.s32 @!p0 $0x1  }
0x84: {  	_ =	swait.ge @!p0 [sflag:s0], s1  }
0x85: {  	s1 =	ssub.s32 @!p0 $0x0, s1;
	[sflag:s0] =	ssyncset.done @!p0 $0x0  }
0x86: {  	[sflag:s0] =	ssyncadd.s32 @!p0 s1  }
0x87: {  	[bflag:$0x3] =	sbarrier.arrive $0xFFFF  }
0x88: {  	_ =	shalt  }

// kernel: kernel.13.cloned.1.call-start
scs
__scs_entry_jumppad:
0x0: {  	(pc) =	sbr.rel $0x88, $3  }
0x1: {  	(tag) =	ssettag $0x0;
	lr =	simm.s32 $0x1  }
0x2: {  	[smem:$0x3F96] =	sst lr;
	_ =	strace $0xD0000000  }
0x3: {  	_ = 	snop  }
0x4: {  	_ = 	snop  }
0x5: {  	_ = 	snop  }
0x6: {  	_ = 	snop  }
0x7: {  	_ = 	snop  }
__scs_overlays_trampoline_lowered:
0x8: {  	[smem:$0x3FA5] =	sst s0  }
0x9: {  	[smem:$0x3FA6] =	sst s1  }
0xa: {  	[smem:$0x3FA7] =	sst s2  }
0xb: {  	[smem:$0x3FA8] =	sst s3  }
0xc: {  	[smem:$0x3FA9] =	sst s4  }
0xd: {  	[smem:$0x3FAA] =	sst s5  }
0xe: {  	[smem:$0x3FAB] =	sst s6  }
0xf: {  	[smem:$0x3FAC] =	sst s7  }
0x10: {  	[smem:$0x3FAD] =	sst s8  }
0x11: {  	[smem:$0x3FAE] =	sst s9;
	s0 =	simm.s32 @!p0 $0x0  }
0x12: {  	s1 =	sld [smem:$0x3F94];
	s0 =	simm.s32 @p0 $0x1  }
0x13: {  	[smem:$0x3FAF] =	sst s0;
	s0 =	simm.s32 @!p1 $0x0  }
0x14: {  	s2 =	sld [smem:$0x3F93];
	s0 =	simm.s32 @p1 $0x1  }
0x15: {  	[smem:$0x3FB0] =	sst s0;
	s0 =	simm.s32 @!p2 $0x0  }
0x16: {  	s3 =	sld [smem:$0x3FDB];
	s0 =	simm.s32 @p2 $0x1  }
0x17: {  	s4 =	simm.s32 $0x1BF5;
	[smem:$0x3FB2] =	sst s0  }
0x18: {  	s0 =	sld [smem:$0x3F95];
	_ =	swait.ge [sflag:s4], $0x0  }
0x19: {  	s7 =	sld [smem:$0x3F96]  }
0x1a: {  	s8 =	sadd.s32 $0xFFFFE003, lr  }
0x1b: {  	s9 =	sadd.s32 $0xFFFFFEF7, lr;
	s5 =	simm.s32 $0xFFFFFFFF;
	p2 =	slt.u32 s8, $0xFFFFF086  }
0x1c: {  	p1 =	slt.u32 s9, $0xF7A;
	s5 =	simm.s32 @!p2 $0x0  }
0x1d: {  	s5 =	simm.s32 @p1 $0x1;
	p0 =	seq.s32 s7, s2  }
0x1e: {  	s7 =	smul.u32 @!p0 $0xF7A, s2;
	p2 =	seq.s32 @!p0 s5, $0x0  }
0x1f: {  	s9 =	smul.u32 $0xF7A, s1;
	s8 =	simm.s32 @!p0 $0x1BF5;
	p2 =	por !p2, p0  }
0x20: {  	[sflag:s8] =	ssyncset.s32 @!p0 $0xFFFFF086;
	s6 =	sadd.s32 @!p0 s3, s7;
	s7 =	simm.s32 @!p0 $0x108  }
0x21: {  	s3 =	sadd.s32 s3, s9;
	s6 =	sadd.s32 @!p0 $0x88, s6;
	s7 =	simm.s32 @p2 $0x1082  }
0x22: {  	[simem:s7], [sflag:s8] =	dma.local @!p0 [hbm:s6], $0xF7A  }
0x23: {  	s9 =	sor.u32 $0xD0000000, s2;
	s6 =	simm.s32 $0x108;
	_ =	swait.ge @!p0 [sflag:s8], $0x0  }
0x24: {  	s3 =	sadd.s32 $0x88, s3;
	s6 =	simm.s32 @!p1 $0x1082;
	[sflag:s4] =	ssyncset.s32 $0xFFFFF086  }
0x25: {  	[simem:s6], [sflag:s4] =	dma.local [hbm:s3], $0xF7A  }
0x26: {  	[smem:$0x3F96] =	sst s1;
	(tag) =	ssettag s2;
	_ =	strace s9  }
0x27: {  	s1 =	sld [smem:$0x3FA6]  }
0x28: {  	s2 =	sld [smem:$0x3FA7]  }
0x29: {  	s4 =	sld [smem:$0x3FA9]  }
0x2a: {  	p0 =	seq.s32 s5, $0x0;
	s5 =	sld [smem:$0x3FAA]  }
0x2b: {  	s6 =	sld [smem:$0x3FAB]  }
0x2c: {  	s7 =	sld [smem:$0x3FAC]  }
0x2d: {  	s3 =	simm.s32 $0x108;
	s8 =	sld [smem:$0x3FAD]  }
0x2e: {  	s3 =	simm.s32 @!p0 $0x1082;
	s9 =	sld [smem:$0x3FAE]  }
0x2f: {  	lr =	sadd.s32 s0, s3;
	s0 =	sld [smem:$0x3FA5]  }
0x30: {  	s3 =	sld [smem:$0x3FA8]  }
0x31: {  	[smem:$0x3FB1] =	sst s10  }
0x32: {  	s10 =	sld [smem:$0x3FAF];
	_ =	sdelay $0x3  }
0x33: {  	p0 =	seq.s32 s10, $0x1;
	s10 =	sld [smem:$0x3FB1];
	_ =	sdelay $0x3  }
0x34: {  	[smem:$0x3FB1] =	sst s10  }
0x35: {  	s10 =	sld [smem:$0x3FB0];
	_ =	sdelay $0x3  }
0x36: {  	p1 =	seq.s32 s10, $0x1;
	s10 =	sld [smem:$0x3FB1];
	_ =	sdelay $0x3  }
0x37: {  	[smem:$0x3FB1] =	sst s10  }
0x38: {  	s10 =	sld [smem:$0x3FB2]  }
0x39: {  	_ = 	snop;
	(pc) =	sbr.ind lr, $3  }
0x3a: {  	_ = 	snop  }
0x3b: {  	_ = 	snop  }
0x3c: {  	p2 =	seq.s32 s10, $0x1;
	s10 =	sld [smem:$0x3FB1]  }
0x3d: {  	_ =	shalt  }
0x3e: {  	_ =	shalt  }
0x3f: {  	_ =	shalt  }
0x40: {  	_ =	shalt  }
0x41: {  	_ =	shalt  }
0x42: {  	_ =	shalt  }
0x43: {  	_ =	shalt  }
0x44: {  	_ =	shalt  }
0x45: {  	_ =	shalt  }
0x46: {  	_ =	shalt  }
0x47: {  	_ =	shalt  }
0x48: {  	_ =	shalt  }
0x49: {  	_ =	shalt  }
0x4a: {  	_ =	shalt  }
0x4b: {  	_ =	shalt  }
0x4c: {  	_ =	shalt  }
0x4d: {  	_ =	shalt  }
0x4e: {  	_ =	shalt  }
0x4f: {  	_ =	shalt  }
0x50: {  	_ =	shalt  }
0x51: {  	_ =	shalt  }
0x52: {  	_ =	shalt  }
0x53: {  	_ =	shalt  }
0x54: {  	_ =	shalt  }
0x55: {  	_ =	shalt  }
0x56: {  	_ =	shalt  }
0x57: {  	_ =	shalt  }
0x58: {  	_ =	shalt  }
0x59: {  	_ =	shalt  }
0x5a: {  	_ =	shalt  }
0x5b: {  	_ =	shalt  }
0x5c: {  	_ =	shalt  }
0x5d: {  	_ =	shalt  }
0x5e: {  	_ =	shalt  }
0x5f: {  	_ =	shalt  }
0x60: {  	_ =	shalt  }
0x61: {  	_ =	shalt  }
0x62: {  	_ =	shalt  }
0x63: {  	_ =	shalt  }
0x64: {  	_ =	shalt  }
0x65: {  	_ =	shalt  }
0x66: {  	_ =	shalt  }
0x67: {  	_ =	shalt  }
0x68: {  	_ =	shalt  }
0x69: {  	_ =	shalt  }
0x6a: {  	_ =	shalt  }
0x6b: {  	_ =	shalt  }
0x6c: {  	_ =	shalt  }
0x6d: {  	_ =	shalt  }
0x6e: {  	_ =	shalt  }
0x6f: {  	_ =	shalt  }
0x70: {  	_ =	shalt  }
0x71: {  	_ =	shalt  }
0x72: {  	_ =	shalt  }
0x73: {  	_ =	shalt  }
0x74: {  	_ =	shalt  }
0x75: {  	_ =	shalt  }
0x76: {  	_ =	shalt  }
0x77: {  	_ =	shalt  }
0x78: {  	_ =	shalt  }
0x79: {  	_ =	shalt  }
0x7a: {  	_ =	shalt  }
0x7b: {  	_ =	shalt  }
0x7c: {  	_ =	shalt  }
0x7d: {  	_ =	shalt  }
0x7e: {  	_ =	shalt  }
0x7f: {  	_ =	shalt  }
0x80: {  	_ =	shalt  }
0x81: {  	_ =	shalt  }
0x82: {  	_ =	shalt  }
0x83: {  	_ =	shalt  }
0x84: {  	_ =	shalt  }
0x85: {  	_ =	shalt  }
0x86: {  	_ =	shalt  }
0x87: {  	_ =	shalt  }
.Lfunc_end0:
.L_simem_size_0:
called_computation.1_lowered:
.L_overlay_start_0:
0x88: {  	s2 =	sld [smem:$0x3FD9]  }
0x89: {  	s3 =	sld [smem:$0x3FFE];
	_ =	sdelay $0x1  }
0x8a: {  	s1 =	srdreg.scid  }
0x8b: {  	s0 =	sand.u32 $0x1, s1  }
0x8c: {  	s16 =	sshll.u32 s0, $0xA;
	s2 =	sadd.s32 s3, s2  }
0x8d: {  	s2 =	sadd.s32 s2, s16  }
0x8e: {  	[smem:$0x3FBD] =	sst s2  }
0x8f: {  	_ = 	snop  }
0x90: {  	(tm) =	ssettm $0x1  }
0x91: {  	s17 =	sld [smem:$0x3FFB];
	_ =	sdelay $0x3  }
0x92: {  	_ =	strace s17  }
0x93: {  	s2 =	sld [smem:$0x3FFC];
	_ =	sdelay $0x3  }
0x94: {  	_ =	strace s2  }
0x95: {  	s2 =	sld [smem:$0x3FFD];
	_ =	sdelay $0x3  }
0x96: {  	_ =	strace s2  }
0x97: {  	_ =	strace $0x8FFFFFFF  }
0x98: {  	s18 =	sld [smem:$0x3FDB];
	_ =	sdelay $0x1  }
0x99: {  	s19 =	simm.s32 $_scs_section_size  }
0x9a: {  	s4 =	simm.s32 $_size__tile_overlayer_lowered;
	s5 =	simm.s32 $_tile_overlayer_lowered  }
0x9b: {  	s22 =	simm.s32 $0x1BFF;
	s21 =	sshll.u32 s5, $0x1;
	s2 =	sadd.s32 s19, s18  }
0x9c: {  	s6 =	simm.s32 $0x0;
	s20 =	sshll.u32 s4, $0x1;
	s4 =	sadd.s32 s21, s2  }
0x9d: {  	[timem:s6], [sflag:s22] =	dma.local [hbm:s4], s20  }
0x9e: {  	_ =	swait.ge [sflag:s22], s20  }
0x9f: {  	s3 =	ssub.s32 $0x0, s20;
	[sflag:s22] =	ssyncset.done $0x0  }
0xa0: {  	[sflag:s22] =	ssyncadd.s32 s3;
	_ =	sdelay $0x1  }
0xa1: {  	s23 =	simm.s32 $0x1B8B  }
0xa2: {  	_ =	swait.ge [sflag:s23], $0x1  }
0xa3: {  	[sflag:s23] =	ssyncset.done $0x0  }
0xa4: {  	s25 =	simm.s32 $0x1B8E;
	s24 =	sld [smem:$0x3FFE];
	[sflag:s23] =	ssyncadd.s32 $0xFFFFFFFF  }
0xa5: {  	s26 =	simm.s32 $execute0_lowered;
	[smem:$0x3FD2] =	sst s25  }
0xa6: {  	s4 =	sshll.u32 s26, $0x1;
	_ =	strace $0x80000049;
	[dreg:$0x1] =	wrdreg $0xFFFFFFFF  }
0xa7: {  	s28 =	simm.s32 $_size_execute0_lowered;
	s2 =	sadd.s32 s2, s4;
	[dreg:$0x0] =	wrdreg $0x0  }
0xa8: {  	s4 =	sshll.u32 s28, $0x1;
	[dreg:$0x2] =	wrdreg s2  }
0xa9: {  	[dreg:$0x3] =	wrdreg s4  }
0xaa: {  	[dreg:$0x4] =	wrdreg $0xC0  }
0xab: {  	_ =	task [dreg:s6], $0x5FFFF  }
0xac: {  	[dreg:$0x1] =	wrdreg $0xFFFFFFFF  }
0xad: {  	[dreg:$0x0] =	wrdreg $0x60  }
0xae: {  	[dreg:$0x2] =	wrdreg s24  }
0xaf: {  	[dreg:$0x3] =	wrdreg $0x82000  }
0xb0: {  	[dreg:$0x4] =	wrdreg $0x9  }
0xb1: {  	_ =	task.clear_ibuf [dreg:s6], $0x5FFFF;
	_ =	strace $0x90000049  }
0xb2: {  	s29 =	simm.s32 $0x9;
	_ =	strace $0x8000004B  }
0xb3: {  	_ =	swait.ge [sflag:s29], $0x1  }
0xb4: {  	[sflag:s29] =	ssyncadd.s32 $0xFFFFFFFF  }
0xb5: {  	_ =	strace $0x9000004B  }
0xb6: {  	_ =	sfence  }
0xb7: {  	s30 =	sld [smem:$0x0];
	_ =	sdelay $0x2  }
0xb8: {  	s31 =	sshll.u32 s1, $0xD;
	s1 =	sshrl.u32 s1, $0x2  }
0xb9: {  	s3 =	sand.u32 $0x4000, s31;
	s1 =	sadd.s32 s1, s30  }
0xba: {  	s0 =	sor.u32 s3, s0;
	s1 =	sshll.u32 s1, $0x11  }
0xbb: {  	s0 =	sor.u32 s1, s0  }
0xbc: {  	s0 =	sadd.s32 $0x8F2B, s0  }
0xbd: {  	[sflag:s0] =	ssyncadd.remote.s32 $0x1  }
0xbe: {  	_ =	sfence.sel $0xFFFF  }
0xbf: {  	[dreg:$0x0] =	wrdreg $0xFFFFFFFF;
	(pc) =	sbr.abs _section_cstart, $3  }
0xc0: {  	[dreg:$0x1] =	wrdreg $0xFFFFFFFF  }
0xc1: {  	_ =	task.clear_ibuf [dreg:s6], $0x2FFFF;
	_ =	strace $0x9FFFFFFF  }
0xc2: {  	(tm) =	ssettm $0x7FFFFFFF  }
0xc3: {  	_ =	shalt  }
tec
execute0_lowered:
.L_overlay_start_1:
0x0: {  	(tag) =	ssettag $0x1  }
0x1: {  	s0 =	rddreg [dreg:$0x0]  }
0x2: {  	s2 =	rddreg [dreg:$0x1];
	s1 =	srdreg.scid  }
0x3: {  	s13 =	stileid.u32;
	s3 =	simm.s32 $0x0;
	s28 =	simm.s32 $0x5  }
0x4: {  	s29 =	simm.s32 $0x3;
	s30 =	simm.s32 $0x6;
	s31 =	simm.s32 $0x4  }
0x5: {  	s1 =	sand.u32 $0x1, s1;
	s7 =	smul.u32 $0x14000, s13;
	[smem:$0x7FF] =	sst s3  }
0x6: {  	s4 =	sadd.s32 $0x22400, s0;
	s5 =	sadd.s32 $0xE400, s0;
	s10 =	smul.u32 $0x50000, s13  }
0x7: {  	s18 =	sshrl.u32 s13, $0x2;
	s19 =	sshll.u32 s13, $0x8;
	s21 =	sshll.u32 s13, $0x6  }
0x8: {  	s6 =	smul.u32 $0x140000, s1;
	_ =	strace $0x8000004A;
	s9 =	ssub.s32 $0x2, s1  }
0x9: {  	s12 =	smul.u32 $0x14000, s18;
	s1 =	sshll.u32 s1, $0x7;
	s20 =	sand.u32 $0x300, s19  }
0xa: {  	s19 =	simm.s32 $0x9;
	s11 =	sshrl.u32 s9, $0x1;
	s17 =	sshrl.u32 s10, $0x2  }
0xb: {  	s1 =	sor.u32 s1, s20;
	s20 =	simm.s32 $0x100;
	s8 =	sadd.s32 s7, s6  }
0xc: {  	s6 =	sadd.s32 $0x18400, s0;
	s9 =	ssub.s32 s9, s11;
	s10 =	sadd.s32 s17, s2  }
0xd: {  	s7 =	sshrl.u32 s7, $0x3;
	s1 =	sor.u32 s1, s12;
	s8 =	sshrl.u32 s8, $0x3  }
0xe: {  	s7 =	sadd.s32 s4, s7;
	s22 =	sor.u32 $0x400, s1;
	s23 =	sshrl.u32 s1, $0x3  }
0xf: {  	s9 =	smax.u32 s9, $0x1;
	s26 =	sor.u32 $0xC00, s1;
	s15 =	sor.u32 $0x800, s1  }
0x10: {  	s18 =	sshrl.u32 s10, $0x3;
	s1 =	simm.s32 $0x8;
	[dreg:$0x3] =	wrdreg s7  }
0x11: {  	s0 =	sadd.s32 s8, s0;
	s8 =	sor.u32 $0x1C09, s21;
	[dreg:$0x5] =	wrdreg s9  }
0x12: {  	s24 =	sadd.s32 s5, s23;
	s7 =	sshrl.u32 s22, $0x3;
	s21 =	simm.s32 $0x80  }
0x13: {  	s22 =	simm.s32 $0x180;
	s0 =	sadd.s32 $0x4A400, s0;
	[dreg:$0x6] =	wrdreg s24  }
0x14: {  	s25 =	sadd.s32 s5, s7;
	s14 =	sadd.s32 s6, s7;
	s24 =	simm.s32 $0x200  }
0x15: {  	s7 =	simm.s32 $0x0;
	[dreg:$0x4] =	wrdreg s0;
	s0 =	sadd.s32 s6, s23  }
0x16: {  	[dreg:$0x8] =	wrdreg s25;
	s23 =	simm.s32 $0x1;
	s25 =	simm.s32 $0x2  }
0x17: {  	[dreg:$0x7] =	wrdreg s0;
	s0 =	sshrl.u32 s26, $0x3;
	s26 =	simm.s32 $0x4200  }
0x18: {  	s16 =	sadd.s32 s0, s6;
	s17 =	sadd.s32 s0, s5;
	s0 =	simm.s32 $0x7  }
.LBB2_1:
0x19: {  	s9 =	rddreg [dreg:$0x3]  }
0x1a: {  	[spmem:s18], [sflag:s8] =	dma.local [hbm:s9], $0x2800  }
0x1b: {  	_ =	swait.ge [sflag:s19], $0x2800  }
0x1c: {  	[sflag:s19] =	ssyncset.done $0x0  }
0x1d: {  	[sflag:s19] =	ssyncadd.s32 $0xFFFFD800  }
0x1e: {  	[bflag:$0x0] =	sbarrier.arrive $0xFFFF  }
0x1f: {  	s12 =	rddreg [dreg:$0x6]  }
0x20: {  	[tilespmem:s3], [sflag:$0x1] =	stream.linear.gather [hbm4b:s12+s3], $0x80, $0x38;
	[tilespmem:$0x1C200] =	vst v63  }
0x21: {  	s13 =	rddreg [dreg:$0x7]  }
0x22: {  	[tilespmem:s20], [sflag:$0x3] =	stream.linear.gather [hbm4b:s13+s3], $0x80, $0x38;
	[tilespmem:$0x1C200] =	vst v63  }
0x23: {  	s10 =	rddreg [dreg:$0x8]  }
0x24: {  	[tilespmem:s21], [sflag:$0x2] =	stream.linear.gather [hbm4b:s10+s3], $0x80, $0x38;
	[tilespmem:$0x1C200] =	vst v63  }
0x25: {  	_ = 	snop  }
0x26: {  	[tilespmem:s22], [sflag:$0x4] =	stream.linear.gather [hbm4b:s14+s3], $0x80, $0x38;
	[tilespmem:$0x1C200] =	vst v63  }
0x27: {  	_ =	swait.ge [sflag:s23], $0x80  }
0x28: {  	[sflag:s23] =	ssyncset.done $0x0  }
0x29: {  	[sflag:s23] =	ssyncadd.s32 $0xFFFFFF80  }
0x2a: {  	[tilespmem:s24], [sflag:$0x5] =	stream.indirect.gather [hbm4b:s4+s21], $0x80, s3, s21, $0xb8;
	[tilespmem:$0x1C200] =	vst v63  }
0x2b: {  	_ =	swait.ge [sflag:s25], $0x80  }
0x2c: {  	[sflag:s25] =	ssyncset.done $0x0  }
0x2d: {  	[sflag:s25] =	ssyncadd.s32 $0xFFFFFF80  }
0x2e: {  	[tilespmem:s26], [sflag:$0x6] =	stream.indirect.gather [hbm4b:s4+s21], $0x80, s21, s21, $0xb8;
	[tilespmem:$0x1C200] =	vst v63  }
0x2f: {  	_ =	swait.ge [sflag:s28], $0x4000  }
0x30: {  	[sflag:s28] =	ssyncset.done $0x0  }
0x31: {  	[sflag:s28] =	ssyncadd.s32 $0xFFFFC000  }
0x32: {  	_ =	swait.ge [sflag:s29], $0x80  }
0x33: {  	[sflag:s29] =	ssyncset.done $0x0  }
0x34: {  	[sflag:s29] =	ssyncadd.s32 $0xFFFFFF80  }
0x35: {  	[spmem:s2] =	stream.indirect.scatter.add.f32 [tilespmem:s24], [sflag:$0x7], $0x80, s20, s21, $0xb8;
	[tilespmem:$0x1C200] =	vst v63  }
0x36: {  	_ =	swait.ge [sflag:s30], $0x4000  }
0x37: {  	[sflag:s30] =	ssyncset.done $0x0  }
0x38: {  	[sflag:s30] =	ssyncadd.s32 $0xFFFFC000  }
0x39: {  	_ =	swait.ge [sflag:s31], $0x80  }
0x3a: {  	[sflag:s31] =	ssyncset.done $0x0  }
0x3b: {  	[sflag:s31] =	ssyncadd.s32 $0xFFFFFF80  }
0x3c: {  	[spmem:s2] =	stream.indirect.scatter.add.f32 [tilespmem:s26], [sflag:$0x8], $0x80, s22, s21, $0xb8;
	[tilespmem:$0x1C200] =	vst v63  }
0x3d: {  	_ =	swait.ge [sflag:s0], $0x4000  }
0x3e: {  	s11 =	sshrl.u32 s15, $0x3;
	[sflag:s0] =	ssyncset.done $0x0  }
0x3f: {  	s10 =	sadd.s32 s5, s11;
	[sflag:s0] =	ssyncadd.s32 $0xFFFFC000  }
0x40: {  	[tilespmem:s3], [sflag:$0x1] =	stream.linear.gather [hbm4b:s10+s3], $0x80, $0x38;
	[tilespmem:$0x1C200] =	vst v63  }
0x41: {  	s9 =	sadd.s32 s6, s11  }
0x42: {  	[tilespmem:s20], [sflag:$0x3] =	stream.linear.gather [hbm4b:s9+s3], $0x80, $0x38;
	[tilespmem:$0x1C200] =	vst v63  }
0x43: {  	_ =	swait.ge [sflag:s1], $0x4000  }
0x44: {  	[sflag:s1] =	ssyncset.done $0x0  }
0x45: {  	s12 =	sadd.s32 $0x0, s17;
	[sflag:s1] =	ssyncadd.s32 $0xFFFFC000  }
0x46: {  	[tilespmem:s21], [sflag:$0x2] =	stream.linear.gather [hbm4b:s12+s3], $0x80, $0x38;
	[tilespmem:$0x1C200] =	vst v63  }
0x47: {  	s13 =	sadd.s32 $0x0, s16  }
0x48: {  	[tilespmem:s22], [sflag:$0x4] =	stream.linear.gather [hbm4b:s13+s3], $0x80, $0x38;
	[tilespmem:$0x1C200] =	vst v63  }
0x49: {  	_ =	swait.ge [sflag:s23], $0x80  }
0x4a: {  	[sflag:s23] =	ssyncset.done $0x0  }
0x4b: {  	[sflag:s23] =	ssyncadd.s32 $0xFFFFFF80  }
0x4c: {  	[tilespmem:s24], [sflag:$0x5] =	stream.indirect.gather [hbm4b:s4+s21], $0x80, s3, s21, $0xb8;
	[tilespmem:$0x1C200] =	vst v63  }
0x4d: {  	_ =	swait.ge [sflag:s25], $0x80  }
0x4e: {  	[sflag:s25] =	ssyncset.done $0x0  }
0x4f: {  	[sflag:s25] =	ssyncadd.s32 $0xFFFFFF80  }
0x50: {  	[tilespmem:s26], [sflag:$0x6] =	stream.indirect.gather [hbm4b:s4+s21], $0x80, s21, s21, $0xb8;
	[tilespmem:$0x1C200] =	vst v63  }
0x51: {  	_ =	swait.ge [sflag:s28], $0x4000  }
0x52: {  	[sflag:s28] =	ssyncset.done $0x0  }
0x53: {  	[sflag:s28] =	ssyncadd.s32 $0xFFFFC000  }
0x54: {  	_ =	swait.ge [sflag:s29], $0x80  }
0x55: {  	[sflag:s29] =	ssyncset.done $0x0  }
0x56: {  	[sflag:s29] =	ssyncadd.s32 $0xFFFFFF80  }
0x57: {  	[spmem:s2] =	stream.indirect.scatter.add.f32 [tilespmem:s24], [sflag:$0x7], $0x80, s20, s21, $0xb8;
	[tilespmem:$0x1C200] =	vst v63  }
0x58: {  	_ =	swait.ge [sflag:s30], $0x4000  }
0x59: {  	[sflag:s30] =	ssyncset.done $0x0  }
0x5a: {  	[sflag:s30] =	ssyncadd.s32 $0xFFFFC000  }
0x5b: {  	_ =	swait.ge [sflag:s31], $0x80  }
0x5c: {  	[sflag:s31] =	ssyncset.done $0x0  }
0x5d: {  	s10 =	sadd.s32 $0x800, s15;
	s9 =	simm.s32 $0x100;
	[sflag:s31] =	ssyncadd.s32 $0xFFFFFF80  }
.LBB2_2:
0x5e: {  	[spmem:s2] =	stream.indirect.scatter.add.f32 [tilespmem:s26], [sflag:$0x8], $0x80, s22, s21, $0xb8;
	[tilespmem:$0x1C200] =	vst v63  }
0x5f: {  	s11 =	smov.u32 s9  }
0x60: {  	p0 =	sne.s32 s9, $0x2600;
	s9 =	sadd.s32 $0x100, s9;
	_ =	swait.ge [sflag:s0], $0x4000  }
0x61: {  	s12 =	sshrl.u32 s10, $0x3;
	[sflag:s0] =	ssyncset.done $0x0  }
0x62: {  	s13 =	sadd.s32 s5, s12;
	[sflag:s0] =	ssyncadd.s32 $0xFFFFC000  }
0x63: {  	[tilespmem:s3], [sflag:$0x1] =	stream.linear.gather [hbm4b:s13+s3], $0x80, $0x38;
	[tilespmem:$0x1C200] =	vst v63  }
0x64: {  	s12 =	sadd.s32 s6, s12  }
0x65: {  	[tilespmem:s20], [sflag:$0x3] =	stream.linear.gather [hbm4b:s12+s3], $0x80, $0x38;
	[tilespmem:$0x1C200] =	vst v63  }
0x66: {  	_ =	swait.ge [sflag:s1], $0x4000  }
0x67: {  	[sflag:s1] =	ssyncset.done $0x0  }
0x68: {  	s12 =	sadd.s32 s11, s17;
	[sflag:s1] =	ssyncadd.s32 $0xFFFFC000  }
0x69: {  	[tilespmem:s21], [sflag:$0x2] =	stream.linear.gather [hbm4b:s12+s3], $0x80, $0x38;
	[tilespmem:$0x1C200] =	vst v63  }
0x6a: {  	s11 =	sadd.s32 s11, s16  }
0x6b: {  	[tilespmem:s22], [sflag:$0x4] =	stream.linear.gather [hbm4b:s11+s3], $0x80, $0x38;
	[tilespmem:$0x1C200] =	vst v63  }
0x6c: {  	_ =	swait.ge [sflag:s23], $0x80  }
0x6d: {  	[sflag:s23] =	ssyncset.done $0x0  }
0x6e: {  	[sflag:s23] =	ssyncadd.s32 $0xFFFFFF80  }
0x6f: {  	[tilespmem:s24], [sflag:$0x5] =	stream.indirect.gather [hbm4b:s4+s21], $0x80, s3, s21, $0xb8;
	[tilespmem:$0x1C200] =	vst v63  }
0x70: {  	_ =	swait.ge [sflag:s25], $0x80  }
0x71: {  	[sflag:s25] =	ssyncset.done $0x0  }
0x72: {  	[sflag:s25] =	ssyncadd.s32 $0xFFFFFF80  }
0x73: {  	[tilespmem:s26], [sflag:$0x6] =	stream.indirect.gather [hbm4b:s4+s21], $0x80, s21, s21, $0xb8;
	[tilespmem:$0x1C200] =	vst v63  }
0x74: {  	_ =	swait.ge [sflag:s28], $0x4000  }
0x75: {  	[sflag:s28] =	ssyncset.done $0x0  }
0x76: {  	[sflag:s28] =	ssyncadd.s32 $0xFFFFC000  }
0x77: {  	_ =	swait.ge [sflag:s29], $0x80  }
0x78: {  	[sflag:s29] =	ssyncset.done $0x0  }
0x79: {  	[sflag:s29] =	ssyncadd.s32 $0xFFFFFF80  }
0x7a: {  	[spmem:s2] =	stream.indirect.scatter.add.f32 [tilespmem:s24], [sflag:$0x7], $0x80, s20, s21, $0xb8;
	[tilespmem:$0x1C200] =	vst v63  }
0x7b: {  	_ =	swait.ge [sflag:s30], $0x4000  }
.Ltmp0:
0x7c: {  	[sflag:s30] =	ssyncset.done $0x0;
	(pc) =	sbr.rel @p0 .LBB2_2-.Ltmp0, $4  }
0x7d: {  	[sflag:s30] =	ssyncadd.s32 $0xFFFFC000  }
0x7e: {  	_ =	swait.ge [sflag:s31], $0x80  }
0x7f: {  	[sflag:s31] =	ssyncset.done $0x0  }
0x80: {  	s10 =	sadd.s32 $0x800, s10;
	[sflag:s31] =	ssyncadd.s32 $0xFFFFFF80  }
0x81: {  	[spmem:s2] =	stream.indirect.scatter.add.f32 [tilespmem:s26], [sflag:$0x8], $0x80, s22, s21, $0xb8;
	[tilespmem:$0x1C200] =	vst v63  }
0x82: {  	_ =	swait.ge [sflag:s0], $0x4000  }
0x83: {  	[sflag:s0] =	ssyncset.done $0x0  }
0x84: {  	[sflag:s0] =	ssyncadd.s32 $0xFFFFC000  }
0x85: {  	_ =	swait.ge [sflag:s1], $0x4000  }
0x86: {  	[sflag:s1] =	ssyncset.done $0x0  }
0x87: {  	[sflag:s1] =	ssyncadd.s32 $0xFFFFC000  }
0x88: {  	[bflag:$0x0] =	sbarrier.arrive $0xFFFF  }
0x89: {  	s9 =	rddreg [dreg:$0x4]  }
0x8a: {  	[hbm:s9], [sflag:s8] =	dma.local [spmem:s18], $0x2800  }
0x8b: {  	_ =	swait.ge [sflag:s19], $0x2800  }
0x8c: {  	s7 =	sadd.s32 $0x1, s7;
	s13 =	rddreg [dreg:$0x5]  }
0x8d: {  	p0 =	sne.s32 s7, s13  }
.Ltmp1:
0x8e: {  	_ = 	snop;
	(pc) =	sbr.rel @p0 .LBB2_1-.Ltmp1, $3  }
0x8f: {  	_ =	sdelay $0x1  }
0x90: {  	[sflag:s19] =	ssyncset.done $0x0  }
0x91: {  	[sflag:s19] =	ssyncadd.s32 $0xFFFFD800  }
0x92: {  	_ =	sfence.sel $0x180000  }
0x93: {  	[bflag:$0x0] =	sbarrier.arrive $0xFFFF  }
0x94: {  	_ =	strace $0x9000004A  }
0x95: {  	s0 =	stileid.u32;
	[bflag:$0x2] =	sbarrier.arrive $0xFFFF  }
0x96: {  	p0 =	sne.s32 s0, $0x0;
	s0 =	rddreg [dreg:$0x2]  }
0x97: {  	s0 =	sadd.s32 @!p0 $0x100000, s0  }
0x98: {  	[sflag:s0] =	ssyncadd.tile.s32 @!p0 $0x1;
	_ =	shalt  }
.Lfunc_end2:
_tile_overlayer_lowered:
.L_overlay_start_2:
0x99: {  	(tag) =	ssettag $0x2  }
0x9a: {  	s0 =	rddreg [dreg:$0x0];
	s2 =	stileid.u32  }
0x9b: {  	s1 =	rddreg [dreg:$0x1];
	p0 =	sne.s32 s2, $0x0  }
0x9c: {  	s3 =	rddreg [dreg:$0x2];
	[bflag:$0x3] =	sbarrier.arrive $0xFFFF;
	s2 =	simm.s32 @!p0 $0x1C09  }
0x9d: {  	[timem:s3], [sflag:s2] =	dma.local @!p0 [hbm:s0], s1  }
0x9e: {  	s0 =	simm.s32 @!p0 $0x9  }
0x9f: {  	_ =	swait.ge @!p0 [sflag:s0], s1  }
0xa0: {  	s1 =	ssub.s32 @!p0 $0x0, s1;
	[sflag:s0] =	ssyncset.done @!p0 $0x0  }
0xa1: {  	[sflag:s0] =	ssyncadd.s32 @!p0 s1  }
0xa2: {  	[bflag:$0x3] =	sbarrier.arrive $0xFFFF  }
0xa3: {  	_ =	shalt  }

// kernel: kernel.16.cloned.1.call-start
scs
__scs_entry_jumppad:
0x0: {  	(pc) =	sbr.rel $0x88, $3  }
0x1: {  	(tag) =	ssettag $0x0;
	lr =	simm.s32 $0x1  }
0x2: {  	[smem:$0x3F96] =	sst lr;
	_ =	strace $0xD0000000  }
0x3: {  	_ = 	snop  }
0x4: {  	_ = 	snop  }
0x5: {  	_ = 	snop  }
0x6: {  	_ = 	snop  }
0x7: {  	_ = 	snop  }
__scs_overlays_trampoline_lowered:
0x8: {  	[smem:$0x3FA5] =	sst s0  }
0x9: {  	[smem:$0x3FA6] =	sst s1  }
0xa: {  	[smem:$0x3FA7] =	sst s2  }
0xb: {  	[smem:$0x3FA8] =	sst s3  }
0xc: {  	[smem:$0x3FA9] =	sst s4  }
0xd: {  	[smem:$0x3FAA] =	sst s5  }
0xe: {  	[smem:$0x3FAB] =	sst s6  }
0xf: {  	[smem:$0x3FAC] =	sst s7  }
0x10: {  	[smem:$0x3FAD] =	sst s8  }
0x11: {  	[smem:$0x3FAE] =	sst s9;
	s0 =	simm.s32 @!p0 $0x0  }
0x12: {  	s1 =	sld [smem:$0x3F94];
	s0 =	simm.s32 @p0 $0x1  }
0x13: {  	[smem:$0x3FAF] =	sst s0;
	s0 =	simm.s32 @!p1 $0x0  }
0x14: {  	s2 =	sld [smem:$0x3F93];
	s0 =	simm.s32 @p1 $0x1  }
0x15: {  	[smem:$0x3FB0] =	sst s0;
	s0 =	simm.s32 @!p2 $0x0  }
0x16: {  	s3 =	sld [smem:$0x3FDB];
	s0 =	simm.s32 @p2 $0x1  }
0x17: {  	s4 =	simm.s32 $0x1BF5;
	[smem:$0x3FB2] =	sst s0  }
0x18: {  	s0 =	sld [smem:$0x3F95];
	_ =	swait.ge [sflag:s4], $0x0  }
0x19: {  	s7 =	sld [smem:$0x3F96]  }
0x1a: {  	s8 =	sadd.s32 $0xFFFFE003, lr  }
0x1b: {  	s9 =	sadd.s32 $0xFFFFFEF7, lr;
	s5 =	simm.s32 $0xFFFFFFFF;
	p2 =	slt.u32 s8, $0xFFFFF086  }
0x1c: {  	p1 =	slt.u32 s9, $0xF7A;
	s5 =	simm.s32 @!p2 $0x0  }
0x1d: {  	s5 =	simm.s32 @p1 $0x1;
	p0 =	seq.s32 s7, s2  }
0x1e: {  	s7 =	smul.u32 @!p0 $0xF7A, s2;
	p2 =	seq.s32 @!p0 s5, $0x0  }
0x1f: {  	s9 =	smul.u32 $0xF7A, s1;
	s8 =	simm.s32 @!p0 $0x1BF5;
	p2 =	por !p2, p0  }
0x20: {  	[sflag:s8] =	ssyncset.s32 @!p0 $0xFFFFF086;
	s6 =	sadd.s32 @!p0 s3, s7;
	s7 =	simm.s32 @!p0 $0x108  }
0x21: {  	s3 =	sadd.s32 s3, s9;
	s6 =	sadd.s32 @!p0 $0x88, s6;
	s7 =	simm.s32 @p2 $0x1082  }
0x22: {  	[simem:s7], [sflag:s8] =	dma.local @!p0 [hbm:s6], $0xF7A  }
0x23: {  	s9 =	sor.u32 $0xD0000000, s2;
	s6 =	simm.s32 $0x108;
	_ =	swait.ge @!p0 [sflag:s8], $0x0  }
0x24: {  	s3 =	sadd.s32 $0x88, s3;
	s6 =	simm.s32 @!p1 $0x1082;
	[sflag:s4] =	ssyncset.s32 $0xFFFFF086  }
0x25: {  	[simem:s6], [sflag:s4] =	dma.local [hbm:s3], $0xF7A  }
0x26: {  	[smem:$0x3F96] =	sst s1;
	(tag) =	ssettag s2;
	_ =	strace s9  }
0x27: {  	s1 =	sld [smem:$0x3FA6]  }
0x28: {  	s2 =	sld [smem:$0x3FA7]  }
0x29: {  	s4 =	sld [smem:$0x3FA9]  }
0x2a: {  	p0 =	seq.s32 s5, $0x0;
	s5 =	sld [smem:$0x3FAA]  }
0x2b: {  	s6 =	sld [smem:$0x3FAB]  }
0x2c: {  	s7 =	sld [smem:$0x3FAC]  }
0x2d: {  	s3 =	simm.s32 $0x108;
	s8 =	sld [smem:$0x3FAD]  }
0x2e: {  	s3 =	simm.s32 @!p0 $0x1082;
	s9 =	sld [smem:$0x3FAE]  }
0x2f: {  	lr =	sadd.s32 s0, s3;
	s0 =	sld [smem:$0x3FA5]  }
0x30: {  	s3 =	sld [smem:$0x3FA8]  }
0x31: {  	[smem:$0x3FB1] =	sst s10  }
0x32: {  	s10 =	sld [smem:$0x3FAF];
	_ =	sdelay $0x3  }
0x33: {  	p0 =	seq.s32 s10, $0x1;
	s10 =	sld [smem:$0x3FB1];
	_ =	sdelay $0x3  }
0x34: {  	[smem:$0x3FB1] =	sst s10  }
0x35: {  	s10 =	sld [smem:$0x3FB0];
	_ =	sdelay $0x3  }
0x36: {  	p1 =	seq.s32 s10, $0x1;
	s10 =	sld [smem:$0x3FB1];
	_ =	sdelay $0x3  }
0x37: {  	[smem:$0x3FB1] =	sst s10  }
0x38: {  	s10 =	sld [smem:$0x3FB2]  }
0x39: {  	_ = 	snop;
	(pc) =	sbr.ind lr, $3  }
0x3a: {  	_ = 	snop  }
0x3b: {  	_ = 	snop  }
0x3c: {  	p2 =	seq.s32 s10, $0x1;
	s10 =	sld [smem:$0x3FB1]  }
0x3d: {  	_ =	shalt  }
0x3e: {  	_ =	shalt  }
0x3f: {  	_ =	shalt  }
0x40: {  	_ =	shalt  }
0x41: {  	_ =	shalt  }
0x42: {  	_ =	shalt  }
0x43: {  	_ =	shalt  }
0x44: {  	_ =	shalt  }
0x45: {  	_ =	shalt  }
0x46: {  	_ =	shalt  }
0x47: {  	_ =	shalt  }
0x48: {  	_ =	shalt  }
0x49: {  	_ =	shalt  }
0x4a: {  	_ =	shalt  }
0x4b: {  	_ =	shalt  }
0x4c: {  	_ =	shalt  }
0x4d: {  	_ =	shalt  }
0x4e: {  	_ =	shalt  }
0x4f: {  	_ =	shalt  }
0x50: {  	_ =	shalt  }
0x51: {  	_ =	shalt  }
0x52: {  	_ =	shalt  }
0x53: {  	_ =	shalt  }
0x54: {  	_ =	shalt  }
0x55: {  	_ =	shalt  }
0x56: {  	_ =	shalt  }
0x57: {  	_ =	shalt  }
0x58: {  	_ =	shalt  }
0x59: {  	_ =	shalt  }
0x5a: {  	_ =	shalt  }
0x5b: {  	_ =	shalt  }
0x5c: {  	_ =	shalt  }
0x5d: {  	_ =	shalt  }
0x5e: {  	_ =	shalt  }
0x5f: {  	_ =	shalt  }
0x60: {  	_ =	shalt  }
0x61: {  	_ =	shalt  }
0x62: {  	_ =	shalt  }
0x63: {  	_ =	shalt  }
0x64: {  	_ =	shalt  }
0x65: {  	_ =	shalt  }
0x66: {  	_ =	shalt  }
0x67: {  	_ =	shalt  }
0x68: {  	_ =	shalt  }
0x69: {  	_ =	shalt  }
0x6a: {  	_ =	shalt  }
0x6b: {  	_ =	shalt  }
0x6c: {  	_ =	shalt  }
0x6d: {  	_ =	shalt  }
0x6e: {  	_ =	shalt  }
0x6f: {  	_ =	shalt  }
0x70: {  	_ =	shalt  }
0x71: {  	_ =	shalt  }
0x72: {  	_ =	shalt  }
0x73: {  	_ =	shalt  }
0x74: {  	_ =	shalt  }
0x75: {  	_ =	shalt  }
0x76: {  	_ =	shalt  }
0x77: {  	_ =	shalt  }
0x78: {  	_ =	shalt  }
0x79: {  	_ =	shalt  }
0x7a: {  	_ =	shalt  }
0x7b: {  	_ =	shalt  }
0x7c: {  	_ =	shalt  }
0x7d: {  	_ =	shalt  }
0x7e: {  	_ =	shalt  }
0x7f: {  	_ =	shalt  }
0x80: {  	_ =	shalt  }
0x81: {  	_ =	shalt  }
0x82: {  	_ =	shalt  }
0x83: {  	_ =	shalt  }
0x84: {  	_ =	shalt  }
0x85: {  	_ =	shalt  }
0x86: {  	_ =	shalt  }
0x87: {  	_ =	shalt  }
.Lfunc_end0:
.L_simem_size_0:
called_computation.2_lowered:
.L_overlay_start_0:
0x88: {  	s2 =	sld [smem:$0x3FD9]  }
0x89: {  	s3 =	sld [smem:$0x3FFE];
	_ =	sdelay $0x1  }
0x8a: {  	s1 =	srdreg.scid  }
0x8b: {  	s0 =	sand.u32 $0x1, s1  }
0x8c: {  	s16 =	sshll.u32 s0, $0xA;
	s2 =	sadd.s32 s3, s2  }
0x8d: {  	s2 =	sadd.s32 s2, s16  }
0x8e: {  	[smem:$0x3FBD] =	sst s2  }
0x8f: {  	_ = 	snop  }
0x90: {  	(tm) =	ssettm $0x1  }
0x91: {  	s17 =	sld [smem:$0x3FFB];
	_ =	sdelay $0x3  }
0x92: {  	_ =	strace s17  }
0x93: {  	s2 =	sld [smem:$0x3FFC];
	_ =	sdelay $0x3  }
0x94: {  	_ =	strace s2  }
0x95: {  	s2 =	sld [smem:$0x3FFD];
	_ =	sdelay $0x3  }
0x96: {  	_ =	strace s2  }
0x97: {  	_ =	strace $0x8FFFFFFF  }
0x98: {  	s18 =	sld [smem:$0x3FDB];
	_ =	sdelay $0x1  }
0x99: {  	s19 =	simm.s32 $_scs_section_size  }
0x9a: {  	s4 =	simm.s32 $_size__tile_overlayer_lowered;
	s5 =	simm.s32 $_tile_overlayer_lowered  }
0x9b: {  	s22 =	simm.s32 $0x1BFF;
	s21 =	sshll.u32 s5, $0x1;
	s2 =	sadd.s32 s19, s18  }
0x9c: {  	s6 =	simm.s32 $0x0;
	s20 =	sshll.u32 s4, $0x1;
	s4 =	sadd.s32 s21, s2  }
0x9d: {  	[timem:s6], [sflag:s22] =	dma.local [hbm:s4], s20  }
0x9e: {  	_ =	swait.ge [sflag:s22], s20  }
0x9f: {  	s3 =	ssub.s32 $0x0, s20;
	[sflag:s22] =	ssyncset.done $0x0  }
0xa0: {  	[sflag:s22] =	ssyncadd.s32 s3;
	_ =	sdelay $0x1  }
0xa1: {  	s23 =	simm.s32 $0x1B8B  }
0xa2: {  	_ =	swait.ge [sflag:s23], $0x1  }
0xa3: {  	[sflag:s23] =	ssyncset.done $0x0  }
0xa4: {  	s25 =	simm.s32 $0x1B8E;
	s24 =	sld [smem:$0x3FFE];
	[sflag:s23] =	ssyncadd.s32 $0xFFFFFFFF  }
0xa5: {  	s26 =	simm.s32 $execute0_lowered;
	[smem:$0x3FD2] =	sst s25  }
0xa6: {  	s4 =	sshll.u32 s26, $0x1;
	_ =	strace $0x8000004C;
	[dreg:$0x1] =	wrdreg $0xFFFFFFFF  }
0xa7: {  	s28 =	simm.s32 $_size_execute0_lowered;
	s2 =	sadd.s32 s2, s4;
	[dreg:$0x0] =	wrdreg $0x0  }
0xa8: {  	s4 =	sshll.u32 s28, $0x1;
	[dreg:$0x2] =	wrdreg s2  }
0xa9: {  	[dreg:$0x3] =	wrdreg s4  }
0xaa: {  	[dreg:$0x4] =	wrdreg $0xC0  }
0xab: {  	_ =	task [dreg:s6], $0x5FFFF  }
0xac: {  	[dreg:$0x1] =	wrdreg $0xFFFFFFFF  }
0xad: {  	[dreg:$0x0] =	wrdreg $0x60  }
0xae: {  	[dreg:$0x2] =	wrdreg s24  }
0xaf: {  	[dreg:$0x3] =	wrdreg $0x82000  }
0xb0: {  	[dreg:$0x4] =	wrdreg $0x9  }
0xb1: {  	_ =	task.clear_ibuf [dreg:s6], $0x5FFFF;
	_ =	strace $0x9000004C  }
0xb2: {  	s29 =	simm.s32 $0x9;
	_ =	strace $0x8000004E  }
0xb3: {  	_ =	swait.ge [sflag:s29], $0x1  }
0xb4: {  	[sflag:s29] =	ssyncadd.s32 $0xFFFFFFFF  }
0xb5: {  	_ =	strace $0x9000004E  }
0xb6: {  	_ =	sfence  }
0xb7: {  	s30 =	sld [smem:$0x0];
	_ =	sdelay $0x2  }
0xb8: {  	s31 =	sshll.u32 s1, $0xD;
	s1 =	sshrl.u32 s1, $0x2  }
0xb9: {  	s3 =	sand.u32 $0x4000, s31;
	s1 =	sadd.s32 s1, s30  }
0xba: {  	s0 =	sor.u32 s3, s0;
	s1 =	sshll.u32 s1, $0x11  }
0xbb: {  	s0 =	sor.u32 s1, s0  }
0xbc: {  	s0 =	sadd.s32 $0x8F2B, s0  }
0xbd: {  	[sflag:s0] =	ssyncadd.remote.s32 $0x1  }
0xbe: {  	_ =	sfence.sel $0xFFFF  }
0xbf: {  	[dreg:$0x0] =	wrdreg $0xFFFFFFFF;
	(pc) =	sbr.abs _section_cstart, $3  }
0xc0: {  	[dreg:$0x1] =	wrdreg $0xFFFFFFFF  }
0xc1: {  	_ =	task.clear_ibuf [dreg:s6], $0x2FFFF;
	_ =	strace $0x9FFFFFFF  }
0xc2: {  	(tm) =	ssettm $0x7FFFFFFF  }
0xc3: {  	_ =	shalt  }
tec
execute0_lowered:
.L_overlay_start_1:
0x0: {  	(tag) =	ssettag $0x1  }
0x1: {  	s0 =	rddreg [dreg:$0x0]  }
0x2: {  	s2 =	rddreg [dreg:$0x1];
	s1 =	srdreg.scid  }
0x3: {  	s13 =	stileid.u32;
	s3 =	simm.s32 $0x0;
	s28 =	simm.s32 $0x5  }
0x4: {  	s29 =	simm.s32 $0x3;
	s30 =	simm.s32 $0x6;
	s31 =	simm.s32 $0x4  }
0x5: {  	s1 =	sand.u32 $0x1, s1;
	s7 =	smul.u32 $0x14000, s13;
	[smem:$0x7FF] =	sst s3  }
0x6: {  	s4 =	sadd.s32 $0x22400, s0;
	s5 =	sadd.s32 $0xE400, s0;
	s10 =	smul.u32 $0x50000, s13  }
0x7: {  	s18 =	sshrl.u32 s13, $0x2;
	s19 =	sshll.u32 s13, $0x8;
	s21 =	sshll.u32 s13, $0x6  }
0x8: {  	s6 =	smul.u32 $0x140000, s1;
	_ =	strace $0x8000004D;
	s9 =	ssub.s32 $0x2, s1  }
0x9: {  	s12 =	smul.u32 $0x14000, s18;
	s1 =	sshll.u32 s1, $0x7;
	s20 =	sand.u32 $0x300, s19  }
0xa: {  	s19 =	simm.s32 $0x9;
	s11 =	sshrl.u32 s9, $0x1;
	s17 =	sshrl.u32 s10, $0x2  }
0xb: {  	s1 =	sor.u32 s1, s20;
	s20 =	simm.s32 $0x100;
	s8 =	sadd.s32 s7, s6  }
0xc: {  	s6 =	sadd.s32 $0x18400, s0;
	s9 =	ssub.s32 s9, s11;
	s10 =	sadd.s32 s17, s2  }
0xd: {  	s7 =	sshrl.u32 s7, $0x3;
	s1 =	sor.u32 s1, s12;
	s8 =	sshrl.u32 s8, $0x3  }
0xe: {  	s7 =	sadd.s32 s4, s7;
	s22 =	sor.u32 $0x400, s1;
	s23 =	sshrl.u32 s1, $0x3  }
0xf: {  	s9 =	smax.u32 s9, $0x1;
	s26 =	sor.u32 $0xC00, s1;
	s15 =	sor.u32 $0x800, s1  }
0x10: {  	s18 =	sshrl.u32 s10, $0x3;
	s1 =	simm.s32 $0x8;
	[dreg:$0x3] =	wrdreg s7  }
0x11: {  	s0 =	sadd.s32 s8, s0;
	s8 =	sor.u32 $0x1C09, s21;
	[dreg:$0x5] =	wrdreg s9  }
0x12: {  	s24 =	sadd.s32 s5, s23;
	s7 =	sshrl.u32 s22, $0x3;
	s21 =	simm.s32 $0x80  }
0x13: {  	s22 =	simm.s32 $0x180;
	s0 =	sadd.s32 $0x4A400, s0;
	[dreg:$0x6] =	wrdreg s24  }
0x14: {  	s25 =	sadd.s32 s5, s7;
	s14 =	sadd.s32 s6, s7;
	s24 =	simm.s32 $0x200  }
0x15: {  	s7 =	simm.s32 $0x0;
	[dreg:$0x4] =	wrdreg s0;
	s0 =	sadd.s32 s6, s23  }
0x16: {  	[dreg:$0x8] =	wrdreg s25;
	s23 =	simm.s32 $0x1;
	s25 =	simm.s32 $0x2  }
0x17: {  	[dreg:$0x7] =	wrdreg s0;
	s0 =	sshrl.u32 s26, $0x3;
	s26 =	simm.s32 $0x4200  }
0x18: {  	s16 =	sadd.s32 s0, s6;
	s17 =	sadd.s32 s0, s5;
	s0 =	simm.s32 $0x7  }
.LBB2_1:
0x19: {  	s9 =	rddreg [dreg:$0x3]  }
0x1a: {  	[spmem:s18], [sflag:s8] =	dma.local [hbm:s9], $0x2800  }
0x1b: {  	_ =	swait.ge [sflag:s19], $0x2800  }
0x1c: {  	[sflag:s19] =	ssyncset.done $0x0  }
0x1d: {  	[sflag:s19] =	ssyncadd.s32 $0xFFFFD800  }
0x1e: {  	[bflag:$0x0] =	sbarrier.arrive $0xFFFF  }
0x1f: {  	s12 =	rddreg [dreg:$0x6]  }
0x20: {  	[tilespmem:s3], [sflag:$0x1] =	stream.linear.gather [hbm4b:s12+s3], $0x80, $0x38;
	[tilespmem:$0x1C200] =	vst v63  }
0x21: {  	s13 =	rddreg [dreg:$0x7]  }
0x22: {  	[tilespmem:s20], [sflag:$0x3] =	stream.linear.gather [hbm4b:s13+s3], $0x80, $0x38;
	[tilespmem:$0x1C200] =	vst v63  }
0x23: {  	s10 =	rddreg [dreg:$0x8]  }
0x24: {  	[tilespmem:s21], [sflag:$0x2] =	stream.linear.gather [hbm4b:s10+s3], $0x80, $0x38;
	[tilespmem:$0x1C200] =	vst v63  }
0x25: {  	_ = 	snop  }
0x26: {  	[tilespmem:s22], [sflag:$0x4] =	stream.linear.gather [hbm4b:s14+s3], $0x80, $0x38;
	[tilespmem:$0x1C200] =	vst v63  }
0x27: {  	_ =	swait.ge [sflag:s23], $0x80  }
0x28: {  	[sflag:s23] =	ssyncset.done $0x0  }
0x29: {  	[sflag:s23] =	ssyncadd.s32 $0xFFFFFF80  }
0x2a: {  	[tilespmem:s24], [sflag:$0x5] =	stream.indirect.gather [hbm4b:s4+s21], $0x80, s3, s21, $0xb8;
	[tilespmem:$0x1C200] =	vst v63  }
0x2b: {  	_ =	swait.ge [sflag:s25], $0x80  }
0x2c: {  	[sflag:s25] =	ssyncset.done $0x0  }
0x2d: {  	[sflag:s25] =	ssyncadd.s32 $0xFFFFFF80  }
0x2e: {  	[tilespmem:s26], [sflag:$0x6] =	stream.indirect.gather [hbm4b:s4+s21], $0x80, s21, s21, $0xb8;
	[tilespmem:$0x1C200] =	vst v63  }
0x2f: {  	_ =	swait.ge [sflag:s28], $0x4000  }
0x30: {  	[sflag:s28] =	ssyncset.done $0x0  }
0x31: {  	[sflag:s28] =	ssyncadd.s32 $0xFFFFC000  }
0x32: {  	_ =	swait.ge [sflag:s29], $0x80  }
0x33: {  	[sflag:s29] =	ssyncset.done $0x0  }
0x34: {  	[sflag:s29] =	ssyncadd.s32 $0xFFFFFF80  }
0x35: {  	[spmem:s2] =	stream.indirect.scatter.add.f32 [tilespmem:s24], [sflag:$0x7], $0x80, s20, s21, $0xb8;
	[tilespmem:$0x1C200] =	vst v63  }
0x36: {  	_ =	swait.ge [sflag:s30], $0x4000  }
0x37: {  	[sflag:s30] =	ssyncset.done $0x0  }
0x38: {  	[sflag:s30] =	ssyncadd.s32 $0xFFFFC000  }
0x39: {  	_ =	swait.ge [sflag:s31], $0x80  }
0x3a: {  	[sflag:s31] =	ssyncset.done $0x0  }
0x3b: {  	[sflag:s31] =	ssyncadd.s32 $0xFFFFFF80  }
0x3c: {  	[spmem:s2] =	stream.indirect.scatter.add.f32 [tilespmem:s26], [sflag:$0x8], $0x80, s22, s21, $0xb8;
	[tilespmem:$0x1C200] =	vst v63  }
0x3d: {  	_ =	swait.ge [sflag:s0], $0x4000  }
0x3e: {  	s11 =	sshrl.u32 s15, $0x3;
	[sflag:s0] =	ssyncset.done $0x0  }
0x3f: {  	s10 =	sadd.s32 s5, s11;
	[sflag:s0] =	ssyncadd.s32 $0xFFFFC000  }
0x40: {  	[tilespmem:s3], [sflag:$0x1] =	stream.linear.gather [hbm4b:s10+s3], $0x80, $0x38;
	[tilespmem:$0x1C200] =	vst v63  }
0x41: {  	s9 =	sadd.s32 s6, s11  }
0x42: {  	[tilespmem:s20], [sflag:$0x3] =	stream.linear.gather [hbm4b:s9+s3], $0x80, $0x38;
	[tilespmem:$0x1C200] =	vst v63  }
0x43: {  	_ =	swait.ge [sflag:s1], $0x4000  }
0x44: {  	[sflag:s1] =	ssyncset.done $0x0  }
0x45: {  	s12 =	sadd.s32 $0x0, s17;
	[sflag:s1] =	ssyncadd.s32 $0xFFFFC000  }
0x46: {  	[tilespmem:s21], [sflag:$0x2] =	stream.linear.gather [hbm4b:s12+s3], $0x80, $0x38;
	[tilespmem:$0x1C200] =	vst v63  }
0x47: {  	s13 =	sadd.s32 $0x0, s16  }
0x48: {  	[tilespmem:s22], [sflag:$0x4] =	stream.linear.gather [hbm4b:s13+s3], $0x80, $0x38;
	[tilespmem:$0x1C200] =	vst v63  }
0x49: {  	_ =	swait.ge [sflag:s23], $0x80  }
0x4a: {  	[sflag:s23] =	ssyncset.done $0x0  }
0x4b: {  	[sflag:s23] =	ssyncadd.s32 $0xFFFFFF80  }
0x4c: {  	[tilespmem:s24], [sflag:$0x5] =	stream.indirect.gather [hbm4b:s4+s21], $0x80, s3, s21, $0xb8;
	[tilespmem:$0x1C200] =	vst v63  }
0x4d: {  	_ =	swait.ge [sflag:s25], $0x80  }
0x4e: {  	[sflag:s25] =	ssyncset.done $0x0  }
0x4f: {  	[sflag:s25] =	ssyncadd.s32 $0xFFFFFF80  }
0x50: {  	[tilespmem:s26], [sflag:$0x6] =	stream.indirect.gather [hbm4b:s4+s21], $0x80, s21, s21, $0xb8;
	[tilespmem:$0x1C200] =	vst v63  }
0x51: {  	_ =	swait.ge [sflag:s28], $0x4000  }
0x52: {  	[sflag:s28] =	ssyncset.done $0x0  }
0x53: {  	[sflag:s28] =	ssyncadd.s32 $0xFFFFC000  }
0x54: {  	_ =	swait.ge [sflag:s29], $0x80  }
0x55: {  	[sflag:s29] =	ssyncset.done $0x0  }
0x56: {  	[sflag:s29] =	ssyncadd.s32 $0xFFFFFF80  }
0x57: {  	[spmem:s2] =	stream.indirect.scatter.add.f32 [tilespmem:s24], [sflag:$0x7], $0x80, s20, s21, $0xb8;
	[tilespmem:$0x1C200] =	vst v63  }
0x58: {  	_ =	swait.ge [sflag:s30], $0x4000  }
0x59: {  	[sflag:s30] =	ssyncset.done $0x0  }
0x5a: {  	[sflag:s30] =	ssyncadd.s32 $0xFFFFC000  }
0x5b: {  	_ =	swait.ge [sflag:s31], $0x80  }
0x5c: {  	[sflag:s31] =	ssyncset.done $0x0  }
0x5d: {  	s10 =	sadd.s32 $0x800, s15;
	s9 =	simm.s32 $0x100;
	[sflag:s31] =	ssyncadd.s32 $0xFFFFFF80  }
.LBB2_2:
0x5e: {  	[spmem:s2] =	stream.indirect.scatter.add.f32 [tilespmem:s26], [sflag:$0x8], $0x80, s22, s21, $0xb8;
	[tilespmem:$0x1C200] =	vst v63  }
0x5f: {  	s11 =	smov.u32 s9  }
0x60: {  	p0 =	sne.s32 s9, $0x2600;
	s9 =	sadd.s32 $0x100, s9;
	_ =	swait.ge [sflag:s0], $0x4000  }
0x61: {  	s12 =	sshrl.u32 s10, $0x3;
	[sflag:s0] =	ssyncset.done $0x0  }
0x62: {  	s13 =	sadd.s32 s5, s12;
	[sflag:s0] =	ssyncadd.s32 $0xFFFFC000  }
0x63: {  	[tilespmem:s3], [sflag:$0x1] =	stream.linear.gather [hbm4b:s13+s3], $0x80, $0x38;
	[tilespmem:$0x1C200] =	vst v63  }
0x64: {  	s12 =	sadd.s32 s6, s12  }
0x65: {  	[tilespmem:s20], [sflag:$0x3] =	stream.linear.gather [hbm4b:s12+s3], $0x80, $0x38;
	[tilespmem:$0x1C200] =	vst v63  }
0x66: {  	_ =	swait.ge [sflag:s1], $0x4000  }
0x67: {  	[sflag:s1] =	ssyncset.done $0x0  }
0x68: {  	s12 =	sadd.s32 s11, s17;
	[sflag:s1] =	ssyncadd.s32 $0xFFFFC000  }
0x69: {  	[tilespmem:s21], [sflag:$0x2] =	stream.linear.gather [hbm4b:s12+s3], $0x80, $0x38;
	[tilespmem:$0x1C200] =	vst v63  }
0x6a: {  	s11 =	sadd.s32 s11, s16  }
0x6b: {  	[tilespmem:s22], [sflag:$0x4] =	stream.linear.gather [hbm4b:s11+s3], $0x80, $0x38;
	[tilespmem:$0x1C200] =	vst v63  }
0x6c: {  	_ =	swait.ge [sflag:s23], $0x80  }
0x6d: {  	[sflag:s23] =	ssyncset.done $0x0  }
0x6e: {  	[sflag:s23] =	ssyncadd.s32 $0xFFFFFF80  }
0x6f: {  	[tilespmem:s24], [sflag:$0x5] =	stream.indirect.gather [hbm4b:s4+s21], $0x80, s3, s21, $0xb8;
	[tilespmem:$0x1C200] =	vst v63  }
0x70: {  	_ =	swait.ge [sflag:s25], $0x80  }
0x71: {  	[sflag:s25] =	ssyncset.done $0x0  }
0x72: {  	[sflag:s25] =	ssyncadd.s32 $0xFFFFFF80  }
0x73: {  	[tilespmem:s26], [sflag:$0x6] =	stream.indirect.gather [hbm4b:s4+s21], $0x80, s21, s21, $0xb8;
	[tilespmem:$0x1C200] =	vst v63  }
0x74: {  	_ =	swait.ge [sflag:s28], $0x4000  }
0x75: {  	[sflag:s28] =	ssyncset.done $0x0  }
0x76: {  	[sflag:s28] =	ssyncadd.s32 $0xFFFFC000  }
0x77: {  	_ =	swait.ge [sflag:s29], $0x80  }
0x78: {  	[sflag:s29] =	ssyncset.done $0x0  }
0x79: {  	[sflag:s29] =	ssyncadd.s32 $0xFFFFFF80  }
0x7a: {  	[spmem:s2] =	stream.indirect.scatter.add.f32 [tilespmem:s24], [sflag:$0x7], $0x80, s20, s21, $0xb8;
	[tilespmem:$0x1C200] =	vst v63  }
0x7b: {  	_ =	swait.ge [sflag:s30], $0x4000  }
.Ltmp0:
0x7c: {  	[sflag:s30] =	ssyncset.done $0x0;
	(pc) =	sbr.rel @p0 .LBB2_2-.Ltmp0, $4  }
0x7d: {  	[sflag:s30] =	ssyncadd.s32 $0xFFFFC000  }
0x7e: {  	_ =	swait.ge [sflag:s31], $0x80  }
0x7f: {  	[sflag:s31] =	ssyncset.done $0x0  }
0x80: {  	s10 =	sadd.s32 $0x800, s10;
	[sflag:s31] =	ssyncadd.s32 $0xFFFFFF80  }
0x81: {  	[spmem:s2] =	stream.indirect.scatter.add.f32 [tilespmem:s26], [sflag:$0x8], $0x80, s22, s21, $0xb8;
	[tilespmem:$0x1C200] =	vst v63  }
0x82: {  	_ =	swait.ge [sflag:s0], $0x4000  }
0x83: {  	[sflag:s0] =	ssyncset.done $0x0  }
0x84: {  	[sflag:s0] =	ssyncadd.s32 $0xFFFFC000  }
0x85: {  	_ =	swait.ge [sflag:s1], $0x4000  }
0x86: {  	[sflag:s1] =	ssyncset.done $0x0  }
0x87: {  	[sflag:s1] =	ssyncadd.s32 $0xFFFFC000  }
0x88: {  	[bflag:$0x0] =	sbarrier.arrive $0xFFFF  }
0x89: {  	s9 =	rddreg [dreg:$0x4]  }
0x8a: {  	[hbm:s9], [sflag:s8] =	dma.local [spmem:s18], $0x2800  }
0x8b: {  	_ =	swait.ge [sflag:s19], $0x2800  }
0x8c: {  	s7 =	sadd.s32 $0x1, s7;
	s13 =	rddreg [dreg:$0x5]  }
0x8d: {  	p0 =	sne.s32 s7, s13  }
.Ltmp1:
0x8e: {  	_ = 	snop;
	(pc) =	sbr.rel @p0 .LBB2_1-.Ltmp1, $3  }
0x8f: {  	_ =	sdelay $0x1  }
0x90: {  	[sflag:s19] =	ssyncset.done $0x0  }
0x91: {  	[sflag:s19] =	ssyncadd.s32 $0xFFFFD800  }
0x92: {  	_ =	sfence.sel $0x180000  }
0x93: {  	[bflag:$0x0] =	sbarrier.arrive $0xFFFF  }
0x94: {  	_ =	strace $0x9000004D  }
0x95: {  	s0 =	stileid.u32;
	[bflag:$0x2] =	sbarrier.arrive $0xFFFF  }
0x96: {  	p0 =	sne.s32 s0, $0x0;
	s0 =	rddreg [dreg:$0x2]  }
0x97: {  	s0 =	sadd.s32 @!p0 $0x100000, s0  }
0x98: {  	[sflag:s0] =	ssyncadd.tile.s32 @!p0 $0x1;
	_ =	shalt  }
.Lfunc_end2:
_tile_overlayer_lowered:
.L_overlay_start_2:
0x99: {  	(tag) =	ssettag $0x2  }
0x9a: {  	s0 =	rddreg [dreg:$0x0];
	s2 =	stileid.u32  }
0x9b: {  	s1 =	rddreg [dreg:$0x1];
	p0 =	sne.s32 s2, $0x0  }
0x9c: {  	s3 =	rddreg [dreg:$0x2];
	[bflag:$0x3] =	sbarrier.arrive $0xFFFF;
	s2 =	simm.s32 @!p0 $0x1C09  }
0x9d: {  	[timem:s3], [sflag:s2] =	dma.local @!p0 [hbm:s0], s1  }
0x9e: {  	s0 =	simm.s32 @!p0 $0x9  }
0x9f: {  	_ =	swait.ge @!p0 [sflag:s0], s1  }
0xa0: {  	s1 =	ssub.s32 @!p0 $0x0, s1;
	[sflag:s0] =	ssyncset.done @!p0 $0x0  }
0xa1: {  	[sflag:s0] =	ssyncadd.s32 @!p0 s1  }
0xa2: {  	[bflag:$0x3] =	sbarrier.arrive $0xFFFF  }
0xa3: {  	_ =	shalt  }

// kernel: kernel.19.cloned.1.call-start
scs
__scs_entry_jumppad:
0x0: {  	(pc) =	sbr.rel $0x88, $3  }
0x1: {  	(tag) =	ssettag $0x0;
	lr =	simm.s32 $0x1  }
0x2: {  	[smem:$0x3F96] =	sst lr;
	_ =	strace $0xD0000000  }
0x3: {  	_ = 	snop  }
0x4: {  	_ = 	snop  }
0x5: {  	_ = 	snop  }
0x6: {  	_ = 	snop  }
0x7: {  	_ = 	snop  }
__scs_overlays_trampoline_lowered:
0x8: {  	[smem:$0x3FA5] =	sst s0  }
0x9: {  	[smem:$0x3FA6] =	sst s1  }
0xa: {  	[smem:$0x3FA7] =	sst s2  }
0xb: {  	[smem:$0x3FA8] =	sst s3  }
0xc: {  	[smem:$0x3FA9] =	sst s4  }
0xd: {  	[smem:$0x3FAA] =	sst s5  }
0xe: {  	[smem:$0x3FAB] =	sst s6  }
0xf: {  	[smem:$0x3FAC] =	sst s7  }
0x10: {  	[smem:$0x3FAD] =	sst s8  }
0x11: {  	[smem:$0x3FAE] =	sst s9;
	s0 =	simm.s32 @!p0 $0x0  }
0x12: {  	s1 =	sld [smem:$0x3F94];
	s0 =	simm.s32 @p0 $0x1  }
0x13: {  	[smem:$0x3FAF] =	sst s0;
	s0 =	simm.s32 @!p1 $0x0  }
0x14: {  	s2 =	sld [smem:$0x3F93];
	s0 =	simm.s32 @p1 $0x1  }
0x15: {  	[smem:$0x3FB0] =	sst s0;
	s0 =	simm.s32 @!p2 $0x0  }
0x16: {  	s3 =	sld [smem:$0x3FDB];
	s0 =	simm.s32 @p2 $0x1  }
0x17: {  	s4 =	simm.s32 $0x1BF5;
	[smem:$0x3FB2] =	sst s0  }
0x18: {  	s0 =	sld [smem:$0x3F95];
	_ =	swait.ge [sflag:s4], $0x0  }
0x19: {  	s7 =	sld [smem:$0x3F96]  }
0x1a: {  	s8 =	sadd.s32 $0xFFFFE003, lr  }
0x1b: {  	s9 =	sadd.s32 $0xFFFFFEF7, lr;
	s5 =	simm.s32 $0xFFFFFFFF;
	p2 =	slt.u32 s8, $0xFFFFF086  }
0x1c: {  	p1 =	slt.u32 s9, $0xF7A;
	s5 =	simm.s32 @!p2 $0x0  }
0x1d: {  	s5 =	simm.s32 @p1 $0x1;
	p0 =	seq.s32 s7, s2  }
0x1e: {  	s7 =	smul.u32 @!p0 $0xF7A, s2;
	p2 =	seq.s32 @!p0 s5, $0x0  }
0x1f: {  	s9 =	smul.u32 $0xF7A, s1;
	s8 =	simm.s32 @!p0 $0x1BF5;
	p2 =	por !p2, p0  }
0x20: {  	[sflag:s8] =	ssyncset.s32 @!p0 $0xFFFFF086;
	s6 =	sadd.s32 @!p0 s3, s7;
	s7 =	simm.s32 @!p0 $0x108  }
0x21: {  	s3 =	sadd.s32 s3, s9;
	s6 =	sadd.s32 @!p0 $0x88, s6;
	s7 =	simm.s32 @p2 $0x1082  }
0x22: {  	[simem:s7], [sflag:s8] =	dma.local @!p0 [hbm:s6], $0xF7A  }
0x23: {  	s9 =	sor.u32 $0xD0000000, s2;
	s6 =	simm.s32 $0x108;
	_ =	swait.ge @!p0 [sflag:s8], $0x0  }
0x24: {  	s3 =	sadd.s32 $0x88, s3;
	s6 =	simm.s32 @!p1 $0x1082;
	[sflag:s4] =	ssyncset.s32 $0xFFFFF086  }
0x25: {  	[simem:s6], [sflag:s4] =	dma.local [hbm:s3], $0xF7A  }
0x26: {  	[smem:$0x3F96] =	sst s1;
	(tag) =	ssettag s2;
	_ =	strace s9  }
0x27: {  	s1 =	sld [smem:$0x3FA6]  }
0x28: {  	s2 =	sld [smem:$0x3FA7]  }
0x29: {  	s4 =	sld [smem:$0x3FA9]  }
0x2a: {  	p0 =	seq.s32 s5, $0x0;
	s5 =	sld [smem:$0x3FAA]  }
0x2b: {  	s6 =	sld [smem:$0x3FAB]  }
0x2c: {  	s7 =	sld [smem:$0x3FAC]  }
0x2d: {  	s3 =	simm.s32 $0x108;
	s8 =	sld [smem:$0x3FAD]  }
0x2e: {  	s3 =	simm.s32 @!p0 $0x1082;
	s9 =	sld [smem:$0x3FAE]  }
0x2f: {  	lr =	sadd.s32 s0, s3;
	s0 =	sld [smem:$0x3FA5]  }
0x30: {  	s3 =	sld [smem:$0x3FA8]  }
0x31: {  	[smem:$0x3FB1] =	sst s10  }
0x32: {  	s10 =	sld [smem:$0x3FAF];
	_ =	sdelay $0x3  }
0x33: {  	p0 =	seq.s32 s10, $0x1;
	s10 =	sld [smem:$0x3FB1];
	_ =	sdelay $0x3  }
0x34: {  	[smem:$0x3FB1] =	sst s10  }
0x35: {  	s10 =	sld [smem:$0x3FB0];
	_ =	sdelay $0x3  }
0x36: {  	p1 =	seq.s32 s10, $0x1;
	s10 =	sld [smem:$0x3FB1];
	_ =	sdelay $0x3  }
0x37: {  	[smem:$0x3FB1] =	sst s10  }
0x38: {  	s10 =	sld [smem:$0x3FB2]  }
0x39: {  	_ = 	snop;
	(pc) =	sbr.ind lr, $3  }
0x3a: {  	_ = 	snop  }
0x3b: {  	_ = 	snop  }
0x3c: {  	p2 =	seq.s32 s10, $0x1;
	s10 =	sld [smem:$0x3FB1]  }
0x3d: {  	_ =	shalt  }
0x3e: {  	_ =	shalt  }
0x3f: {  	_ =	shalt  }
0x40: {  	_ =	shalt  }
0x41: {  	_ =	shalt  }
0x42: {  	_ =	shalt  }
0x43: {  	_ =	shalt  }
0x44: {  	_ =	shalt  }
0x45: {  	_ =	shalt  }
0x46: {  	_ =	shalt  }
0x47: {  	_ =	shalt  }
0x48: {  	_ =	shalt  }
0x49: {  	_ =	shalt  }
0x4a: {  	_ =	shalt  }
0x4b: {  	_ =	shalt  }
0x4c: {  	_ =	shalt  }
0x4d: {  	_ =	shalt  }
0x4e: {  	_ =	shalt  }
0x4f: {  	_ =	shalt  }
0x50: {  	_ =	shalt  }
0x51: {  	_ =	shalt  }
0x52: {  	_ =	shalt  }
0x53: {  	_ =	shalt  }
0x54: {  	_ =	shalt  }
0x55: {  	_ =	shalt  }
0x56: {  	_ =	shalt  }
0x57: {  	_ =	shalt  }
0x58: {  	_ =	shalt  }
0x59: {  	_ =	shalt  }
0x5a: {  	_ =	shalt  }
0x5b: {  	_ =	shalt  }
0x5c: {  	_ =	shalt  }
0x5d: {  	_ =	shalt  }
0x5e: {  	_ =	shalt  }
0x5f: {  	_ =	shalt  }
0x60: {  	_ =	shalt  }
0x61: {  	_ =	shalt  }
0x62: {  	_ =	shalt  }
0x63: {  	_ =	shalt  }
0x64: {  	_ =	shalt  }
0x65: {  	_ =	shalt  }
0x66: {  	_ =	shalt  }
0x67: {  	_ =	shalt  }
0x68: {  	_ =	shalt  }
0x69: {  	_ =	shalt  }
0x6a: {  	_ =	shalt  }
0x6b: {  	_ =	shalt  }
0x6c: {  	_ =	shalt  }
0x6d: {  	_ =	shalt  }
0x6e: {  	_ =	shalt  }
0x6f: {  	_ =	shalt  }
0x70: {  	_ =	shalt  }
0x71: {  	_ =	shalt  }
0x72: {  	_ =	shalt  }
0x73: {  	_ =	shalt  }
0x74: {  	_ =	shalt  }
0x75: {  	_ =	shalt  }
0x76: {  	_ =	shalt  }
0x77: {  	_ =	shalt  }
0x78: {  	_ =	shalt  }
0x79: {  	_ =	shalt  }
0x7a: {  	_ =	shalt  }
0x7b: {  	_ =	shalt  }
0x7c: {  	_ =	shalt  }
0x7d: {  	_ =	shalt  }
0x7e: {  	_ =	shalt  }
0x7f: {  	_ =	shalt  }
0x80: {  	_ =	shalt  }
0x81: {  	_ =	shalt  }
0x82: {  	_ =	shalt  }
0x83: {  	_ =	shalt  }
0x84: {  	_ =	shalt  }
0x85: {  	_ =	shalt  }
0x86: {  	_ =	shalt  }
0x87: {  	_ =	shalt  }
.Lfunc_end0:
.L_simem_size_0:
called_computation.3_lowered:
.L_overlay_start_0:
0x88: {  	s2 =	sld [smem:$0x3FD9]  }
0x89: {  	s3 =	sld [smem:$0x3FFE];
	_ =	sdelay $0x1  }
0x8a: {  	s1 =	srdreg.scid  }
0x8b: {  	s0 =	sand.u32 $0x1, s1  }
0x8c: {  	s16 =	sshll.u32 s0, $0xA;
	s2 =	sadd.s32 s3, s2  }
0x8d: {  	s2 =	sadd.s32 s2, s16  }
0x8e: {  	[smem:$0x3FBD] =	sst s2  }
0x8f: {  	_ = 	snop  }
0x90: {  	(tm) =	ssettm $0x1  }
0x91: {  	s17 =	sld [smem:$0x3FFB];
	_ =	sdelay $0x3  }
0x92: {  	_ =	strace s17  }
0x93: {  	s2 =	sld [smem:$0x3FFC];
	_ =	sdelay $0x3  }
0x94: {  	_ =	strace s2  }
0x95: {  	s2 =	sld [smem:$0x3FFD];
	_ =	sdelay $0x3  }
0x96: {  	_ =	strace s2  }
0x97: {  	_ =	strace $0x8FFFFFFF  }
0x98: {  	s18 =	sld [smem:$0x3FDB];
	_ =	sdelay $0x1  }
0x99: {  	s19 =	simm.s32 $_scs_section_size  }
0x9a: {  	s4 =	simm.s32 $_size__tile_overlayer_lowered;
	s5 =	simm.s32 $_tile_overlayer_lowered  }
0x9b: {  	s22 =	simm.s32 $0x1BFF;
	s21 =	sshll.u32 s5, $0x1;
	s2 =	sadd.s32 s19, s18  }
0x9c: {  	s6 =	simm.s32 $0x0;
	s20 =	sshll.u32 s4, $0x1;
	s4 =	sadd.s32 s21, s2  }
0x9d: {  	[timem:s6], [sflag:s22] =	dma.local [hbm:s4], s20  }
0x9e: {  	_ =	swait.ge [sflag:s22], s20  }
0x9f: {  	s3 =	ssub.s32 $0x0, s20;
	[sflag:s22] =	ssyncset.done $0x0  }
0xa0: {  	[sflag:s22] =	ssyncadd.s32 s3;
	_ =	sdelay $0x1  }
0xa1: {  	s23 =	simm.s32 $0x1B8B  }
0xa2: {  	_ =	swait.ge [sflag:s23], $0x1  }
0xa3: {  	[sflag:s23] =	ssyncset.done $0x0  }
0xa4: {  	s25 =	simm.s32 $0x1B8E;
	s24 =	sld [smem:$0x3FFE];
	[sflag:s23] =	ssyncadd.s32 $0xFFFFFFFF  }
0xa5: {  	s26 =	simm.s32 $execute0_lowered;
	[smem:$0x3FD2] =	sst s25  }
0xa6: {  	s4 =	sshll.u32 s26, $0x1;
	_ =	strace $0x8000004F;
	[dreg:$0x1] =	wrdreg $0xFFFFFFFF  }
0xa7: {  	s28 =	simm.s32 $_size_execute0_lowered;
	s2 =	sadd.s32 s2, s4;
	[dreg:$0x0] =	wrdreg $0x0  }
0xa8: {  	s4 =	sshll.u32 s28, $0x1;
	[dreg:$0x2] =	wrdreg s2  }
0xa9: {  	[dreg:$0x3] =	wrdreg s4  }
0xaa: {  	[dreg:$0x4] =	wrdreg $0xC0  }
0xab: {  	_ =	task [dreg:s6], $0x5FFFF  }
0xac: {  	[dreg:$0x1] =	wrdreg $0xFFFFFFFF  }
0xad: {  	[dreg:$0x0] =	wrdreg $0x60  }
0xae: {  	[dreg:$0x2] =	wrdreg s24  }
0xaf: {  	[dreg:$0x3] =	wrdreg $0x82000  }
0xb0: {  	[dreg:$0x4] =	wrdreg $0x9  }
0xb1: {  	_ =	task.clear_ibuf [dreg:s6], $0x5FFFF;
	_ =	strace $0x9000004F  }
0xb2: {  	s29 =	simm.s32 $0x9;
	_ =	strace $0x80000051  }
0xb3: {  	_ =	swait.ge [sflag:s29], $0x1  }
0xb4: {  	[sflag:s29] =	ssyncadd.s32 $0xFFFFFFFF  }
0xb5: {  	_ =	strace $0x90000051  }
0xb6: {  	_ =	sfence  }
0xb7: {  	s30 =	sld [smem:$0x0];
	_ =	sdelay $0x2  }
0xb8: {  	s31 =	sshll.u32 s1, $0xD;
	s1 =	sshrl.u32 s1, $0x2  }
0xb9: {  	s3 =	sand.u32 $0x4000, s31;
	s1 =	sadd.s32 s1, s30  }
0xba: {  	s0 =	sor.u32 s3, s0;
	s1 =	sshll.u32 s1, $0x11  }
0xbb: {  	s0 =	sor.u32 s1, s0  }
0xbc: {  	s0 =	sadd.s32 $0x8F2B, s0  }
0xbd: {  	[sflag:s0] =	ssyncadd.remote.s32 $0x1  }
0xbe: {  	_ =	sfence.sel $0xFFFF  }
0xbf: {  	[dreg:$0x0] =	wrdreg $0xFFFFFFFF;
	(pc) =	sbr.abs _section_cstart, $3  }
0xc0: {  	[dreg:$0x1] =	wrdreg $0xFFFFFFFF  }
0xc1: {  	_ =	task.clear_ibuf [dreg:s6], $0x2FFFF;
	_ =	strace $0x9FFFFFFF  }
0xc2: {  	(tm) =	ssettm $0x7FFFFFFF  }
0xc3: {  	_ =	shalt  }
tec
execute0_lowered:
.L_overlay_start_1:
0x0: {  	(tag) =	ssettag $0x1  }
0x1: {  	s0 =	rddreg [dreg:$0x0]  }
0x2: {  	s2 =	rddreg [dreg:$0x1];
	s1 =	srdreg.scid  }
0x3: {  	s13 =	stileid.u32;
	s3 =	simm.s32 $0x0;
	s28 =	simm.s32 $0x5  }
0x4: {  	s29 =	simm.s32 $0x3;
	s30 =	simm.s32 $0x6;
	s31 =	simm.s32 $0x4  }
0x5: {  	s1 =	sand.u32 $0x1, s1;
	s7 =	smul.u32 $0x14000, s13;
	[smem:$0x7FF] =	sst s3  }
0x6: {  	s4 =	sadd.s32 $0x22400, s0;
	s5 =	sadd.s32 $0xE400, s0;
	s10 =	smul.u32 $0x50000, s13  }
0x7: {  	s18 =	sshrl.u32 s13, $0x2;
	s19 =	sshll.u32 s13, $0x8;
	s21 =	sshll.u32 s13, $0x6  }
0x8: {  	s6 =	smul.u32 $0x140000, s1;
	_ =	strace $0x80000050;
	s9 =	ssub.s32 $0x2, s1  }
0x9: {  	s12 =	smul.u32 $0x14000, s18;
	s1 =	sshll.u32 s1, $0x7;
	s20 =	sand.u32 $0x300, s19  }
0xa: {  	s19 =	simm.s32 $0x9;
	s11 =	sshrl.u32 s9, $0x1;
	s17 =	sshrl.u32 s10, $0x2  }
0xb: {  	s1 =	sor.u32 s1, s20;
	s20 =	simm.s32 $0x100;
	s8 =	sadd.s32 s7, s6  }
0xc: {  	s6 =	sadd.s32 $0x18400, s0;
	s9 =	ssub.s32 s9, s11;
	s10 =	sadd.s32 s17, s2  }
0xd: {  	s7 =	sshrl.u32 s7, $0x3;
	s1 =	sor.u32 s1, s12;
	s8 =	sshrl.u32 s8, $0x3  }
0xe: {  	s7 =	sadd.s32 s4, s7;
	s22 =	sor.u32 $0x400, s1;
	s23 =	sshrl.u32 s1, $0x3  }
0xf: {  	s9 =	smax.u32 s9, $0x1;
	s26 =	sor.u32 $0xC00, s1;
	s15 =	sor.u32 $0x800, s1  }
0x10: {  	s18 =	sshrl.u32 s10, $0x3;
	s1 =	simm.s32 $0x8;
	[dreg:$0x3] =	wrdreg s7  }
0x11: {  	s0 =	sadd.s32 s8, s0;
	s8 =	sor.u32 $0x1C09, s21;
	[dreg:$0x5] =	wrdreg s9  }
0x12: {  	s24 =	sadd.s32 s5, s23;
	s7 =	sshrl.u32 s22, $0x3;
	s21 =	simm.s32 $0x80  }
0x13: {  	s22 =	simm.s32 $0x180;
	s0 =	sadd.s32 $0x4A400, s0;
	[dreg:$0x6] =	wrdreg s24  }
0x14: {  	s25 =	sadd.s32 s5, s7;
	s14 =	sadd.s32 s6, s7;
	s24 =	simm.s32 $0x200  }
0x15: {  	s7 =	simm.s32 $0x0;
	[dreg:$0x4] =	wrdreg s0;
	s0 =	sadd.s32 s6, s23  }
0x16: {  	[dreg:$0x8] =	wrdreg s25;
	s23 =	simm.s32 $0x1;
	s25 =	simm.s32 $0x2  }
0x17: {  	[dreg:$0x7] =	wrdreg s0;
	s0 =	sshrl.u32 s26, $0x3;
	s26 =	simm.s32 $0x4200  }
0x18: {  	s16 =	sadd.s32 s0, s6;
	s17 =	sadd.s32 s0, s5;
	s0 =	simm.s32 $0x7  }
.LBB2_1:
0x19: {  	s9 =	rddreg [dreg:$0x3]  }
0x1a: {  	[spmem:s18], [sflag:s8] =	dma.local [hbm:s9], $0x2800  }
0x1b: {  	_ =	swait.ge [sflag:s19], $0x2800  }
0x1c: {  	[sflag:s19] =	ssyncset.done $0x0  }
0x1d: {  	[sflag:s19] =	ssyncadd.s32 $0xFFFFD800  }
0x1e: {  	[bflag:$0x0] =	sbarrier.arrive $0xFFFF  }
0x1f: {  	s12 =	rddreg [dreg:$0x6]  }
0x20: {  	[tilespmem:s3], [sflag:$0x1] =	stream.linear.gather [hbm4b:s12+s3], $0x80, $0x38;
	[tilespmem:$0x1C200] =	vst v63  }
0x21: {  	s13 =	rddreg [dreg:$0x7]  }
0x22: {  	[tilespmem:s20], [sflag:$0x3] =	stream.linear.gather [hbm4b:s13+s3], $0x80, $0x38;
	[tilespmem:$0x1C200] =	vst v63  }
0x23: {  	s10 =	rddreg [dreg:$0x8]  }
0x24: {  	[tilespmem:s21], [sflag:$0x2] =	stream.linear.gather [hbm4b:s10+s3], $0x80, $0x38;
	[tilespmem:$0x1C200] =	vst v63  }
0x25: {  	_ = 	snop  }
0x26: {  	[tilespmem:s22], [sflag:$0x4] =	stream.linear.gather [hbm4b:s14+s3], $0x80, $0x38;
	[tilespmem:$0x1C200] =	vst v63  }
0x27: {  	_ =	swait.ge [sflag:s23], $0x80  }
0x28: {  	[sflag:s23] =	ssyncset.done $0x0  }
0x29: {  	[sflag:s23] =	ssyncadd.s32 $0xFFFFFF80  }
0x2a: {  	[tilespmem:s24], [sflag:$0x5] =	stream.indirect.gather [hbm4b:s4+s21], $0x80, s3, s21, $0xb8;
	[tilespmem:$0x1C200] =	vst v63  }
0x2b: {  	_ =	swait.ge [sflag:s25], $0x80  }
0x2c: {  	[sflag:s25] =	ssyncset.done $0x0  }
0x2d: {  	[sflag:s25] =	ssyncadd.s32 $0xFFFFFF80  }
0x2e: {  	[tilespmem:s26], [sflag:$0x6] =	stream.indirect.gather [hbm4b:s4+s21], $0x80, s21, s21, $0xb8;
	[tilespmem:$0x1C200] =	vst v63  }
0x2f: {  	_ =	swait.ge [sflag:s28], $0x4000  }
0x30: {  	[sflag:s28] =	ssyncset.done $0x0  }
0x31: {  	[sflag:s28] =	ssyncadd.s32 $0xFFFFC000  }
0x32: {  	_ =	swait.ge [sflag:s29], $0x80  }
0x33: {  	[sflag:s29] =	ssyncset.done $0x0  }
0x34: {  	[sflag:s29] =	ssyncadd.s32 $0xFFFFFF80  }
0x35: {  	[spmem:s2] =	stream.indirect.scatter.add.f32 [tilespmem:s24], [sflag:$0x7], $0x80, s20, s21, $0xb8;
	[tilespmem:$0x1C200] =	vst v63  }
0x36: {  	_ =	swait.ge [sflag:s30], $0x4000  }
0x37: {  	[sflag:s30] =	ssyncset.done $0x0  }
0x38: {  	[sflag:s30] =	ssyncadd.s32 $0xFFFFC000  }
0x39: {  	_ =	swait.ge [sflag:s31], $0x80  }
0x3a: {  	[sflag:s31] =	ssyncset.done $0x0  }
0x3b: {  	[sflag:s31] =	ssyncadd.s32 $0xFFFFFF80  }
0x3c: {  	[spmem:s2] =	stream.indirect.scatter.add.f32 [tilespmem:s26], [sflag:$0x8], $0x80, s22, s21, $0xb8;
	[tilespmem:$0x1C200] =	vst v63  }
0x3d: {  	_ =	swait.ge [sflag:s0], $0x4000  }
0x3e: {  	s11 =	sshrl.u32 s15, $0x3;
	[sflag:s0] =	ssyncset.done $0x0  }
0x3f: {  	s10 =	sadd.s32 s5, s11;
	[sflag:s0] =	ssyncadd.s32 $0xFFFFC000  }
0x40: {  	[tilespmem:s3], [sflag:$0x1] =	stream.linear.gather [hbm4b:s10+s3], $0x80, $0x38;
	[tilespmem:$0x1C200] =	vst v63  }
0x41: {  	s9 =	sadd.s32 s6, s11  }
0x42: {  	[tilespmem:s20], [sflag:$0x3] =	stream.linear.gather [hbm4b:s9+s3], $0x80, $0x38;
	[tilespmem:$0x1C200] =	vst v63  }
0x43: {  	_ =	swait.ge [sflag:s1], $0x4000  }
0x44: {  	[sflag:s1] =	ssyncset.done $0x0  }
0x45: {  	s12 =	sadd.s32 $0x0, s17;
	[sflag:s1] =	ssyncadd.s32 $0xFFFFC000  }
0x46: {  	[tilespmem:s21], [sflag:$0x2] =	stream.linear.gather [hbm4b:s12+s3], $0x80, $0x38;
	[tilespmem:$0x1C200] =	vst v63  }
0x47: {  	s13 =	sadd.s32 $0x0, s16  }
0x48: {  	[tilespmem:s22], [sflag:$0x4] =	stream.linear.gather [hbm4b:s13+s3], $0x80, $0x38;
	[tilespmem:$0x1C200] =	vst v63  }
0x49: {  	_ =	swait.ge [sflag:s23], $0x80  }
0x4a: {  	[sflag:s23] =	ssyncset.done $0x0  }
0x4b: {  	[sflag:s23] =	ssyncadd.s32 $0xFFFFFF80  }
0x4c: {  	[tilespmem:s24], [sflag:$0x5] =	stream.indirect.gather [hbm4b:s4+s21], $0x80, s3, s21, $0xb8;
	[tilespmem:$0x1C200] =	vst v63  }
0x4d: {  	_ =	swait.ge [sflag:s25], $0x80  }
0x4e: {  	[sflag:s25] =	ssyncset.done $0x0  }
0x4f: {  	[sflag:s25] =	ssyncadd.s32 $0xFFFFFF80  }
0x50: {  	[tilespmem:s26], [sflag:$0x6] =	stream.indirect.gather [hbm4b:s4+s21], $0x80, s21, s21, $0xb8;
	[tilespmem:$0x1C200] =	vst v63  }
0x51: {  	_ =	swait.ge [sflag:s28], $0x4000  }
0x52: {  	[sflag:s28] =	ssyncset.done $0x0  }
0x53: {  	[sflag:s28] =	ssyncadd.s32 $0xFFFFC000  }
0x54: {  	_ =	swait.ge [sflag:s29], $0x80  }
0x55: {  	[sflag:s29] =	ssyncset.done $0x0  }
0x56: {  	[sflag:s29] =	ssyncadd.s32 $0xFFFFFF80  }
0x57: {  	[spmem:s2] =	stream.indirect.scatter.add.f32 [tilespmem:s24], [sflag:$0x7], $0x80, s20, s21, $0xb8;
	[tilespmem:$0x1C200] =	vst v63  }
0x58: {  	_ =	swait.ge [sflag:s30], $0x4000  }
0x59: {  	[sflag:s30] =	ssyncset.done $0x0  }
0x5a: {  	[sflag:s30] =	ssyncadd.s32 $0xFFFFC000  }
0x5b: {  	_ =	swait.ge [sflag:s31], $0x80  }
0x5c: {  	[sflag:s31] =	ssyncset.done $0x0  }
0x5d: {  	s10 =	sadd.s32 $0x800, s15;
	s9 =	simm.s32 $0x100;
	[sflag:s31] =	ssyncadd.s32 $0xFFFFFF80  }
.LBB2_2:
0x5e: {  	[spmem:s2] =	stream.indirect.scatter.add.f32 [tilespmem:s26], [sflag:$0x8], $0x80, s22, s21, $0xb8;
	[tilespmem:$0x1C200] =	vst v63  }
0x5f: {  	s11 =	smov.u32 s9  }
0x60: {  	p0 =	sne.s32 s9, $0x2600;
	s9 =	sadd.s32 $0x100, s9;
	_ =	swait.ge [sflag:s0], $0x4000  }
0x61: {  	s12 =	sshrl.u32 s10, $0x3;
	[sflag:s0] =	ssyncset.done $0x0  }
0x62: {  	s13 =	sadd.s32 s5, s12;
	[sflag:s0] =	ssyncadd.s32 $0xFFFFC000  }
0x63: {  	[tilespmem:s3], [sflag:$0x1] =	stream.linear.gather [hbm4b:s13+s3], $0x80, $0x38;
	[tilespmem:$0x1C200] =	vst v63  }
0x64: {  	s12 =	sadd.s32 s6, s12  }
0x65: {  	[tilespmem:s20], [sflag:$0x3] =	stream.linear.gather [hbm4b:s12+s3], $0x80, $0x38;
	[tilespmem:$0x1C200] =	vst v63  }
0x66: {  	_ =	swait.ge [sflag:s1], $0x4000  }
0x67: {  	[sflag:s1] =	ssyncset.done $0x0  }
0x68: {  	s12 =	sadd.s32 s11, s17;
	[sflag:s1] =	ssyncadd.s32 $0xFFFFC000  }
0x69: {  	[tilespmem:s21], [sflag:$0x2] =	stream.linear.gather [hbm4b:s12+s3], $0x80, $0x38;
	[tilespmem:$0x1C200] =	vst v63  }
0x6a: {  	s11 =	sadd.s32 s11, s16  }
0x6b: {  	[tilespmem:s22], [sflag:$0x4] =	stream.linear.gather [hbm4b:s11+s3], $0x80, $0x38;
	[tilespmem:$0x1C200] =	vst v63  }
0x6c: {  	_ =	swait.ge [sflag:s23], $0x80  }
0x6d: {  	[sflag:s23] =	ssyncset.done $0x0  }
0x6e: {  	[sflag:s23] =	ssyncadd.s32 $0xFFFFFF80  }
0x6f: {  	[tilespmem:s24], [sflag:$0x5] =	stream.indirect.gather [hbm4b:s4+s21], $0x80, s3, s21, $0xb8;
	[tilespmem:$0x1C200] =	vst v63  }
0x70: {  	_ =	swait.ge [sflag:s25], $0x80  }
0x71: {  	[sflag:s25] =	ssyncset.done $0x0  }
0x72: {  	[sflag:s25] =	ssyncadd.s32 $0xFFFFFF80  }
0x73: {  	[tilespmem:s26], [sflag:$0x6] =	stream.indirect.gather [hbm4b:s4+s21], $0x80, s21, s21, $0xb8;
	[tilespmem:$0x1C200] =	vst v63  }
0x74: {  	_ =	swait.ge [sflag:s28], $0x4000  }
0x75: {  	[sflag:s28] =	ssyncset.done $0x0  }
0x76: {  	[sflag:s28] =	ssyncadd.s32 $0xFFFFC000  }
0x77: {  	_ =	swait.ge [sflag:s29], $0x80  }
0x78: {  	[sflag:s29] =	ssyncset.done $0x0  }
0x79: {  	[sflag:s29] =	ssyncadd.s32 $0xFFFFFF80  }
0x7a: {  	[spmem:s2] =	stream.indirect.scatter.add.f32 [tilespmem:s24], [sflag:$0x7], $0x80, s20, s21, $0xb8;
	[tilespmem:$0x1C200] =	vst v63  }
0x7b: {  	_ =	swait.ge [sflag:s30], $0x4000  }
.Ltmp0:
0x7c: {  	[sflag:s30] =	ssyncset.done $0x0;
	(pc) =	sbr.rel @p0 .LBB2_2-.Ltmp0, $4  }
0x7d: {  	[sflag:s30] =	ssyncadd.s32 $0xFFFFC000  }
0x7e: {  	_ =	swait.ge [sflag:s31], $0x80  }
0x7f: {  	[sflag:s31] =	ssyncset.done $0x0  }
0x80: {  	s10 =	sadd.s32 $0x800, s10;
	[sflag:s31] =	ssyncadd.s32 $0xFFFFFF80  }
0x81: {  	[spmem:s2] =	stream.indirect.scatter.add.f32 [tilespmem:s26], [sflag:$0x8], $0x80, s22, s21, $0xb8;
	[tilespmem:$0x1C200] =	vst v63  }
0x82: {  	_ =	swait.ge [sflag:s0], $0x4000  }
0x83: {  	[sflag:s0] =	ssyncset.done $0x0  }
0x84: {  	[sflag:s0] =	ssyncadd.s32 $0xFFFFC000  }
0x85: {  	_ =	swait.ge [sflag:s1], $0x4000  }
0x86: {  	[sflag:s1] =	ssyncset.done $0x0  }
0x87: {  	[sflag:s1] =	ssyncadd.s32 $0xFFFFC000  }
0x88: {  	[bflag:$0x0] =	sbarrier.arrive $0xFFFF  }
0x89: {  	s9 =	rddreg [dreg:$0x4]  }
0x8a: {  	[hbm:s9], [sflag:s8] =	dma.local [spmem:s18], $0x2800  }
0x8b: {  	_ =	swait.ge [sflag:s19], $0x2800  }
0x8c: {  	s7 =	sadd.s32 $0x1, s7;
	s13 =	rddreg [dreg:$0x5]  }
0x8d: {  	p0 =	sne.s32 s7, s13  }
.Ltmp1:
0x8e: {  	_ = 	snop;
	(pc) =	sbr.rel @p0 .LBB2_1-.Ltmp1, $3  }
0x8f: {  	_ =	sdelay $0x1  }
0x90: {  	[sflag:s19] =	ssyncset.done $0x0  }
0x91: {  	[sflag:s19] =	ssyncadd.s32 $0xFFFFD800  }
0x92: {  	_ =	sfence.sel $0x180000  }
0x93: {  	[bflag:$0x0] =	sbarrier.arrive $0xFFFF  }
0x94: {  	_ =	strace $0x90000050  }
0x95: {  	s0 =	stileid.u32;
	[bflag:$0x2] =	sbarrier.arrive $0xFFFF  }
0x96: {  	p0 =	sne.s32 s0, $0x0;
	s0 =	rddreg [dreg:$0x2]  }
0x97: {  	s0 =	sadd.s32 @!p0 $0x100000, s0  }
0x98: {  	[sflag:s0] =	ssyncadd.tile.s32 @!p0 $0x1;
	_ =	shalt  }
.Lfunc_end2:
_tile_overlayer_lowered:
.L_overlay_start_2:
0x99: {  	(tag) =	ssettag $0x2  }
0x9a: {  	s0 =	rddreg [dreg:$0x0];
	s2 =	stileid.u32  }
0x9b: {  	s1 =	rddreg [dreg:$0x1];
	p0 =	sne.s32 s2, $0x0  }
0x9c: {  	s3 =	rddreg [dreg:$0x2];
	[bflag:$0x3] =	sbarrier.arrive $0xFFFF;
	s2 =	simm.s32 @!p0 $0x1C09  }
0x9d: {  	[timem:s3], [sflag:s2] =	dma.local @!p0 [hbm:s0], s1  }
0x9e: {  	s0 =	simm.s32 @!p0 $0x9  }
0x9f: {  	_ =	swait.ge @!p0 [sflag:s0], s1  }
0xa0: {  	s1 =	ssub.s32 @!p0 $0x0, s1;
	[sflag:s0] =	ssyncset.done @!p0 $0x0  }
0xa1: {  	[sflag:s0] =	ssyncadd.s32 @!p0 s1  }
0xa2: {  	[bflag:$0x3] =	sbarrier.arrive $0xFFFF  }
0xa3: {  	_ =	shalt  }

</sc_bundles>
